<compile_context>
chip_gen: v7x
topology: tpu7x:2x2x1
jax: 0.10.2.dev20260603
libtpu: 0.0.44.dev20260713+nightly
codegen_flags: <defaults>
</compile_context>

<pallas_src>
import functools

import jax
import jax.numpy as jnp
from jax import lax
from jax.experimental import pallas as pl
from jax.experimental.pallas import tpu as pltpu
from jax.experimental.pallas import tpu_sc as plsc

QB = 256
CB = 4096
CHUNK = 128
TOPK = 20

SC_NC = 2
SC_NS = 16
SC_NW = SC_NC * SC_NS


def _mm_stats_kernel(q_ref, db_ref, bias_ref, sim_ref, cmax_ref, m_ref, l_ref,
                     m_scr, l_scr):
    ci = pl.program_id(0)
    qi = pl.program_id(1)

    @pl.when(ci == 0)
    def _init():
        m_scr[qi] = jnp.full((QB, 1), -jnp.inf, jnp.float32)
        l_scr[qi] = jnp.zeros((QB, 1), jnp.float32)

    s = lax.dot_general(q_ref[...], db_ref[...],
                        (((1,), (1,)), ((), ())),
                        preferred_element_type=jnp.float32)
    s = s + bias_ref[...]
    sim_ref[...] = s.reshape(QB, CB // CHUNK, CHUNK)
    m_blk = None
    for j in range(CB // CHUNK):
        cm = jnp.max(s[:, j * CHUNK:(j + 1) * CHUNK], axis=1, keepdims=True)
        cmax_ref[0, :, j:j + 1] = cm
        m_blk = cm if m_blk is None else jnp.maximum(m_blk, cm)
    m_old = m_scr[qi]
    l_old = l_scr[qi]
    m_new = jnp.maximum(m_old, m_blk)
    l_new = l_old * jnp.exp(m_old - m_new) + jnp.sum(
        jnp.exp(s - m_new), axis=1, keepdims=True)
    m_scr[qi] = m_new
    l_scr[qi] = l_new
    m_ref[0] = m_new
    l_ref[0] = l_new


def _chunk_topk_kernel(nch, cm_ref, idx_ref):
    vals = cm_ref[...]
    iota = lax.broadcasted_iota(jnp.int32, (QB, nch), 1)
    big = jnp.int32(nch)
    for j in range(TOPK):
        mv = jnp.max(vals, axis=1, keepdims=True)
        sel = jnp.min(jnp.where(vals == mv, iota, big), axis=1, keepdims=True)
        idx_ref[:, j:j + 1] = sel
        vals = jnp.where(iota == sel, -jnp.inf, vals)


def _cand_topk_kernel(c_ref, ch_ref, m_ref, l_ref, scores_ref, inds_ref):
    ch = ch_ref[...]
    lane = lax.broadcasted_iota(jnp.int32, (QB, CHUNK), 1)
    gcol = jnp.concatenate(
        [lax.broadcast_in_dim(ch[:, j:j + 1], (QB, CHUNK), (0, 1)) * CHUNK
         + lane for j in range(TOPK)], axis=1)
    work = jnp.exp(c_ref[...] - m_ref[...]) / l_ref[...]
    bigi = jnp.int32(2 ** 30)
    for j in range(TOPK):
        mv = jnp.max(work, axis=1, keepdims=True)
        sel = jnp.min(jnp.where(work == mv, gcol, bigi), axis=1, keepdims=True)
        scores_ref[:, j:j + 1] = mv
        inds_ref[:, j:j + 1] = sel
        work = jnp.where(gcol == sel, jnp.float32(-1.0), work)


def _gather_rows(table, idx3):
    nrows, width = table.shape
    nw, g, lanes = idx3.shape
    out_rows = nw * g * lanes

    @functools.partial(
        pl.kernel,
        out_type=jax.ShapeDtypeStruct((out_rows, width), table.dtype),
        mesh=plsc.VectorSubcoreMesh(core_axis_name="c", subcore_axis_name="s",
                                    num_cores=SC_NC, num_subcores=SC_NS),
        scratch_types=[
            pltpu.VMEM((g, lanes), jnp.int32),
            pltpu.VMEM((g * lanes, width), table.dtype),
            pltpu.SemaphoreType.DMA,
        ],
    )
    def sc_gather(table_hbm, idx_hbm, out_hbm, idx_v, rows_v, sem):
        wid = lax.axis_index("s") * SC_NC + lax.axis_index("c")
        pltpu.sync_copy(idx_hbm.at[wid], idx_v)
        for gg in range(g):
            pltpu.async_copy(table_hbm.at[idx_v.at[gg]],
                             rows_v.at[pl.ds(gg * lanes, lanes)], sem).wait()
        pltpu.sync_copy(rows_v, out_hbm.at[pl.ds(wid * g * lanes, g * lanes)])

    return sc_gather(table, idx3)


def kernel(queries, db, k):
    q, d = queries.shape
    n = db.shape[0]
    n_pad = ((n + CB - 1) // CB) * CB
    ncb = n_pad // CB
    nch = n_pad // CHUNK
    nqb = q // QB

    db_p = jnp.pad(db, ((0, n_pad - n), (0, 0)))
    padbias = jnp.where(jnp.arange(n_pad) < n, 0.0,
                        -jnp.inf).astype(jnp.float32)[None, :]

    sim, cmax, m_all, l_all = pl.pallas_call(
        _mm_stats_kernel,
        grid=(ncb, nqb),
        in_specs=[
            pl.BlockSpec((QB, d), lambda ci, qi: (qi, 0)),
            pl.BlockSpec((CB, d), lambda ci, qi: (ci, 0)),
            pl.BlockSpec((1, CB), lambda ci, qi: (0, ci)),
        ],
        out_specs=[
            pl.BlockSpec((QB, CB // CHUNK, CHUNK), lambda ci, qi: (qi, ci, 0)),
            pl.BlockSpec((1, QB, CB // CHUNK), lambda ci, qi: (ci, qi, 0)),
            pl.BlockSpec((1, QB, 1), lambda ci, qi: (ci, qi, 0)),
            pl.BlockSpec((1, QB, 1), lambda ci, qi: (ci, qi, 0)),
        ],
        out_shape=[
            jax.ShapeDtypeStruct((q, nch, CHUNK), jnp.float32),
            jax.ShapeDtypeStruct((ncb, q, CB // CHUNK), jnp.float32),
            jax.ShapeDtypeStruct((ncb, q, 1), jnp.float32),
            jax.ShapeDtypeStruct((ncb, q, 1), jnp.float32),
        ],
        scratch_shapes=[
            pltpu.VMEM((nqb, QB, 1), jnp.float32),
            pltpu.VMEM((nqb, QB, 1), jnp.float32),
        ],
    )(queries, db_p, padbias)

    m = m_all[ncb - 1]
    l = l_all[ncb - 1]
    cm2 = jnp.transpose(cmax, (1, 0, 2)).reshape(q, nch)

    chunkidx = pl.pallas_call(
        functools.partial(_chunk_topk_kernel, nch),
        grid=(nqb,),
        in_specs=[pl.BlockSpec((QB, nch), lambda qi: (qi, 0))],
        out_specs=pl.BlockSpec((QB, TOPK), lambda qi: (qi, 0)),
        out_shape=jax.ShapeDtypeStruct((q, TOPK), jnp.int32),
    )(cm2)

    rows = jnp.arange(q, dtype=jnp.int32)[:, None]
    flat = (rows * nch + chunkidx).reshape(SC_NW, (q * TOPK) // (SC_NW * 128),
                                           128)
    cands = _gather_rows(sim.reshape(q * nch, CHUNK), flat)

    scores, inds = pl.pallas_call(
        _cand_topk_kernel,
        grid=(nqb,),
        in_specs=[
            pl.BlockSpec((QB, TOPK * CHUNK), lambda qi: (qi, 0)),
            pl.BlockSpec((QB, TOPK), lambda qi: (qi, 0)),
            pl.BlockSpec((QB, 1), lambda qi: (qi, 0)),
            pl.BlockSpec((QB, 1), lambda qi: (qi, 0)),
        ],
        out_specs=[
            pl.BlockSpec((QB, TOPK), lambda qi: (qi, 0)),
            pl.BlockSpec((QB, TOPK), lambda qi: (qi, 0)),
        ],
        out_shape=[
            jax.ShapeDtypeStruct((q, TOPK), jnp.float32),
            jax.ShapeDtypeStruct((q, TOPK), jnp.int32),
        ],
    )(cands.reshape(q, TOPK * CHUNK), chunkidx, m, l)

    threshold = jnp.asarray(k, dtype=scores.dtype) * 0.0
    mask = scores > threshold
    n_retrieved_per_query = jnp.count_nonzero(mask, axis=1)

    def _all_kept(_):
        query_inds = jnp.arange(q * TOPK, dtype=jnp.int32) // TOPK
        return (query_inds, inds.reshape(-1), scores.reshape(-1))

    def _general(_):
        mask_inds = jnp.nonzero(mask, size=mask.size, fill_value=0)
        return (mask_inds[0], inds[mask_inds], scores[mask_inds])

    query_inds, retrieved_inds, scores_sel = lax.cond(
        jnp.all(mask), _all_kept, _general, None)
    return (query_inds, retrieved_inds, n_retrieved_per_query, scores_sel)

# --- scband reference (transcript-rebuilt; emitter-appended) ---
"""Pipeline reference for scband-model-19739669693008 (READ-ONLY COPY).

The authoritative reference and input builder live on the scoring server;
editing this copy changes nothing except your own understanding.
"""

import jax, jax.numpy as jnp
import numpy as np


def setup_inputs(seed: int = 0) -> dict:
    key = jax.random.key(seed)
    k1, k2 = jax.random.split(key)
    queries = jax.random.normal(k1, (1024, 128), dtype=jnp.float32)
    db = jax.random.normal(k2, (100000, 128), dtype=jnp.float32)
    return {"queries": queries, "db": db, "k": 20}


def reference(queries, db, k):
    # Model.predict with explicit db (no diagonal masking), threshold = 0.0
    sim_mat = queries @ db.T                      # [Q, K]
    db_size = sim_mat.shape[1]
    probs = jax.nn.softmax(sim_mat.astype(jnp.float32), axis=1)
    kk = min(20, db_size)
    scores, topk_inds = jax.lax.top_k(probs, kk)  # sorted descending, matches torch.topk(sorted=True)
    threshold = jnp.asarray(k, dtype=scores.dtype) * 0.0
    mask = scores > threshold
    n_retrieved_per_query = jnp.count_nonzero(mask, axis=1)
    mask_inds = jnp.nonzero(mask, size=mask.size, fill_value=0)
    scores_sel = scores[mask_inds]
    retrieved_inds = topk_inds[mask_inds]
    query_inds = mask_inds[0]
    return (query_inds, retrieved_inds, n_retrieved_per_query, scores_sel)

if __name__ == "__main__":
    import jax
    _d = setup_inputs()
    print(jax.jit(kernel)(*tuple(_d.values())))

</pallas_src>

<mosaic_0001>
#map = affine_map<(d0, d1) -> (0, 0)>
#map1 = affine_map<(d0, d1) -> (0, 0, 0)>
module attributes {stable_mosaic.version = 14 : i64} {
  func.func @sc_gather(%arg0: i32, %arg1: i32, %arg2: memref<819200x128xf32, #tpu.memory_space<hbm>>, %arg3: memref<32x5x128xi32, #tpu.memory_space<hbm>>, %arg4: memref<20480x128xf32, #tpu.memory_space<hbm>>, %arg5: memref<5x128xi32, #tpu.memory_space<vmem>>, %arg6: memref<640x128xf32, #tpu.memory_space<vmem>>, %arg7: memref<!tpu.dma_semaphore, #tpu.memory_space<semaphore_mem>>) attributes {dimension_semantics = [#tpu.dimension_semantics<core_parallel>, #tpu.dimension_semantics<subcore_parallel>], iteration_bounds = array<i64: 2, 16>, scalar_prefetch = 0 : i64, scratch_operands = 3 : i64, tpu.core_type = #tpu.core_type<sc_vector_subcore>, window_params = [{transform_indices = #map}, {transform_indices = #map1}, {transform_indices = #map}]} {
    %mul3A = arith.constant 2 : i32
    %mul3A_0 = arith.muli %arg1, %mul3A : i32
    %add3A = arith.addi %mul3A_0, %arg0 : i32
    "tpu.region"() ({
      %run_scoped3A = tpu.sem_alloc : memref<!tpu.dma_semaphore, #tpu.memory_space<semaphore_mem>>
      %dma_start3A_103 = arith.constant 0 : i32
      %dma_start3A_104 = arith.constant 0 : i32
      %dma_start3A_105 = tpu.memref_slice %arg3[%add3A, %dma_start3A_103, %dma_start3A_104] : memref<32x5x128xi32, #tpu.memory_space<hbm>> -> memref<1x5x128xi32, #tpu.memory_space<hbm>>
      %dma_start3A_106 = tpu.memref_squeeze %dma_start3A_105 : memref<1x5x128xi32, #tpu.memory_space<hbm>> -> memref<5x128xi32, #tpu.memory_space<hbm>>
      %dma_start3A_107 = arith.constant 0 : i32
      %dma_start3A_108 = arith.constant 0 : i32
      %dma_start3A_109 = tpu.memref_slice %arg3[%add3A, %dma_start3A_107, %dma_start3A_108] : memref<32x5x128xi32, #tpu.memory_space<hbm>> -> memref<1x5x128xi32, #tpu.memory_space<hbm>>
      %dma_start3A_110 = tpu.memref_squeeze %dma_start3A_109 : memref<1x5x128xi32, #tpu.memory_space<hbm>> -> memref<5x128xi32, #tpu.memory_space<hbm>>
      tpu.enqueue_dma source(%dma_start3A_110 : memref<5x128xi32, #tpu.memory_space<hbm>>) target(%arg5 : memref<5x128xi32, #tpu.memory_space<vmem>>) target_semaphore(%run_scoped3A : memref<!tpu.dma_semaphore, #tpu.memory_space<semaphore_mem>>)
      %dma_wait3A_111 = arith.constant 0 : i32
      %dma_wait3A_112 = arith.constant 0 : i32
      %dma_wait3A_113 = tpu.memref_slice %arg3[%add3A, %dma_wait3A_111, %dma_wait3A_112] : memref<32x5x128xi32, #tpu.memory_space<hbm>> -> memref<1x5x128xi32, #tpu.memory_space<hbm>>
      %dma_wait3A_114 = tpu.memref_squeeze %dma_wait3A_113 : memref<1x5x128xi32, #tpu.memory_space<hbm>> -> memref<5x128xi32, #tpu.memory_space<hbm>>
      %dma_wait3A_115 = arith.constant 0 : i32
      %dma_wait3A_116 = arith.constant 0 : i32
      %dma_wait3A_117 = tpu.memref_slice %arg3[%add3A, %dma_wait3A_115, %dma_wait3A_116] : memref<32x5x128xi32, #tpu.memory_space<hbm>> -> memref<1x5x128xi32, #tpu.memory_space<hbm>>
      %dma_wait3A_118 = tpu.memref_squeeze %dma_wait3A_117 : memref<1x5x128xi32, #tpu.memory_space<hbm>> -> memref<5x128xi32, #tpu.memory_space<hbm>>
      tpu.wait_dma2 semaphore(%run_scoped3A : memref<!tpu.dma_semaphore, #tpu.memory_space<semaphore_mem>>) src(%dma_wait3A_118 : memref<5x128xi32, #tpu.memory_space<hbm>>) dst(%arg5 : memref<5x128xi32, #tpu.memory_space<vmem>>)
      tpu.yield
    }) : () -> ()
    %dma_start3A = arith.constant 0 : i32
    %dma_start3A_1 = arith.constant 0 : i32
    %dma_start3A_2 = arith.constant 0 : i32
    %dma_start3A_3 = tpu.memref_slice %arg6[%dma_start3A_1, %dma_start3A_2] : memref<640x128xf32, #tpu.memory_space<vmem>> -> memref<128x128xf32, #tpu.memory_space<vmem>>
    %dma_start3A_4 = arith.constant 0 : i32
    %dma_start3A_5 = tpu.memref_slice %arg5[%dma_start3A, %dma_start3A_4] : memref<5x128xi32, #tpu.memory_space<vmem>> -> memref<1x128xi32, #tpu.memory_space<vmem>>
    %dma_start3A_6 = tpu.memref_squeeze %dma_start3A_5 : memref<1x128xi32, #tpu.memory_space<vmem>> -> memref<128xi32, #tpu.memory_space<vmem>>
    %dma_start3A_7 = arith.constant 0 : i32
    %dma_start3A_8 = arith.constant 0 : i32
    %dma_start3A_9 = tpu.memref_slice %arg2[%dma_start3A_7, %dma_start3A_8] : memref<819200x128xf32, #tpu.memory_space<hbm>> -> memref<819200x128xf32, #tpu.memory_space<hbm>>
    tpu.enqueue_indirect_dma source(%dma_start3A_9 : memref<819200x128xf32, #tpu.memory_space<hbm>>) target(%dma_start3A_3 : memref<128x128xf32, #tpu.memory_space<vmem>>) offsets(%dma_start3A_6 : memref<128xi32, #tpu.memory_space<vmem>>) semaphore(%arg7 : memref<!tpu.dma_semaphore, #tpu.memory_space<semaphore_mem>>)
    %dma_wait3A = arith.constant 0 : i32
    %dma_wait3A_10 = arith.constant 0 : i32
    %dma_wait3A_11 = arith.constant 0 : i32
    %dma_wait3A_12 = tpu.memref_slice %arg6[%dma_wait3A_10, %dma_wait3A_11] : memref<640x128xf32, #tpu.memory_space<vmem>> -> memref<128x128xf32, #tpu.memory_space<vmem>>
    %dma_wait3A_13 = arith.constant 0 : i32
    %dma_wait3A_14 = tpu.memref_slice %arg5[%dma_wait3A, %dma_wait3A_13] : memref<5x128xi32, #tpu.memory_space<vmem>> -> memref<1x128xi32, #tpu.memory_space<vmem>>
    %dma_wait3A_15 = tpu.memref_squeeze %dma_wait3A_14 : memref<1x128xi32, #tpu.memory_space<vmem>> -> memref<128xi32, #tpu.memory_space<vmem>>
    %dma_wait3A_16 = arith.constant 0 : i32
    %dma_wait3A_17 = arith.constant 0 : i32
    %dma_wait3A_18 = tpu.memref_slice %arg2[%dma_wait3A_16, %dma_wait3A_17] : memref<819200x128xf32, #tpu.memory_space<hbm>> -> memref<819200x128xf32, #tpu.memory_space<hbm>>
    tpu.wait_indirect_dma semaphore(%arg7 : memref<!tpu.dma_semaphore, #tpu.memory_space<semaphore_mem>>) src(%dma_wait3A_18 : memref<819200x128xf32, #tpu.memory_space<hbm>>) dst(%dma_wait3A_12 : memref<128x128xf32, #tpu.memory_space<vmem>>)
    %dma_start3A_19 = arith.constant 1 : i32
    %dma_start3A_20 = arith.constant 128 : i32
    %dma_start3A_21 = arith.constant 0 : i32
    %dma_start3A_22 = tpu.memref_slice %arg6[%dma_start3A_20, %dma_start3A_21] : memref<640x128xf32, #tpu.memory_space<vmem>> -> memref<128x128xf32, #tpu.memory_space<vmem>>
    %dma_start3A_23 = arith.constant 0 : i32
    %dma_start3A_24 = tpu.memref_slice %arg5[%dma_start3A_19, %dma_start3A_23] : memref<5x128xi32, #tpu.memory_space<vmem>> -> memref<1x128xi32, #tpu.memory_space<vmem>>
    %dma_start3A_25 = tpu.memref_squeeze %dma_start3A_24 : memref<1x128xi32, #tpu.memory_space<vmem>> -> memref<128xi32, #tpu.memory_space<vmem>>
    %dma_start3A_26 = arith.constant 0 : i32
    %dma_start3A_27 = arith.constant 0 : i32
    %dma_start3A_28 = tpu.memref_slice %arg2[%dma_start3A_26, %dma_start3A_27] : memref<819200x128xf32, #tpu.memory_space<hbm>> -> memref<819200x128xf32, #tpu.memory_space<hbm>>
    tpu.enqueue_indirect_dma source(%dma_start3A_28 : memref<819200x128xf32, #tpu.memory_space<hbm>>) target(%dma_start3A_22 : memref<128x128xf32, #tpu.memory_space<vmem>>) offsets(%dma_start3A_25 : memref<128xi32, #tpu.memory_space<vmem>>) semaphore(%arg7 : memref<!tpu.dma_semaphore, #tpu.memory_space<semaphore_mem>>)
    %dma_wait3A_29 = arith.constant 1 : i32
    %dma_wait3A_30 = arith.constant 128 : i32
    %dma_wait3A_31 = arith.constant 0 : i32
    %dma_wait3A_32 = tpu.memref_slice %arg6[%dma_wait3A_30, %dma_wait3A_31] : memref<640x128xf32, #tpu.memory_space<vmem>> -> memref<128x128xf32, #tpu.memory_space<vmem>>
    %dma_wait3A_33 = arith.constant 0 : i32
    %dma_wait3A_34 = tpu.memref_slice %arg5[%dma_wait3A_29, %dma_wait3A_33] : memref<5x128xi32, #tpu.memory_space<vmem>> -> memref<1x128xi32, #tpu.memory_space<vmem>>
    %dma_wait3A_35 = tpu.memref_squeeze %dma_wait3A_34 : memref<1x128xi32, #tpu.memory_space<vmem>> -> memref<128xi32, #tpu.memory_space<vmem>>
    %dma_wait3A_36 = arith.constant 0 : i32
    %dma_wait3A_37 = arith.constant 0 : i32
    %dma_wait3A_38 = tpu.memref_slice %arg2[%dma_wait3A_36, %dma_wait3A_37] : memref<819200x128xf32, #tpu.memory_space<hbm>> -> memref<819200x128xf32, #tpu.memory_space<hbm>>
    tpu.wait_indirect_dma semaphore(%arg7 : memref<!tpu.dma_semaphore, #tpu.memory_space<semaphore_mem>>) src(%dma_wait3A_38 : memref<819200x128xf32, #tpu.memory_space<hbm>>) dst(%dma_wait3A_32 : memref<128x128xf32, #tpu.memory_space<vmem>>)
    %dma_start3A_39 = arith.constant 2 : i32
    %dma_start3A_40 = arith.constant 256 : i32
    %dma_start3A_41 = arith.constant 0 : i32
    %dma_start3A_42 = tpu.memref_slice %arg6[%dma_start3A_40, %dma_start3A_41] : memref<640x128xf32, #tpu.memory_space<vmem>> -> memref<128x128xf32, #tpu.memory_space<vmem>>
    %dma_start3A_43 = arith.constant 0 : i32
    %dma_start3A_44 = tpu.memref_slice %arg5[%dma_start3A_39, %dma_start3A_43] : memref<5x128xi32, #tpu.memory_space<vmem>> -> memref<1x128xi32, #tpu.memory_space<vmem>>
    %dma_start3A_45 = tpu.memref_squeeze %dma_start3A_44 : memref<1x128xi32, #tpu.memory_space<vmem>> -> memref<128xi32, #tpu.memory_space<vmem>>
    %dma_start3A_46 = arith.constant 0 : i32
    %dma_start3A_47 = arith.constant 0 : i32
    %dma_start3A_48 = tpu.memref_slice %arg2[%dma_start3A_46, %dma_start3A_47] : memref<819200x128xf32, #tpu.memory_space<hbm>> -> memref<819200x128xf32, #tpu.memory_space<hbm>>
    tpu.enqueue_indirect_dma source(%dma_start3A_48 : memref<819200x128xf32, #tpu.memory_space<hbm>>) target(%dma_start3A_42 : memref<128x128xf32, #tpu.memory_space<vmem>>) offsets(%dma_start3A_45 : memref<128xi32, #tpu.memory_space<vmem>>) semaphore(%arg7 : memref<!tpu.dma_semaphore, #tpu.memory_space<semaphore_mem>>)
    %dma_wait3A_49 = arith.constant 2 : i32
    %dma_wait3A_50 = arith.constant 256 : i32
    %dma_wait3A_51 = arith.constant 0 : i32
    %dma_wait3A_52 = tpu.memref_slice %arg6[%dma_wait3A_50, %dma_wait3A_51] : memref<640x128xf32, #tpu.memory_space<vmem>> -> memref<128x128xf32, #tpu.memory_space<vmem>>
    %dma_wait3A_53 = arith.constant 0 : i32
    %dma_wait3A_54 = tpu.memref_slice %arg5[%dma_wait3A_49, %dma_wait3A_53] : memref<5x128xi32, #tpu.memory_space<vmem>> -> memref<1x128xi32, #tpu.memory_space<vmem>>
    %dma_wait3A_55 = tpu.memref_squeeze %dma_wait3A_54 : memref<1x128xi32, #tpu.memory_space<vmem>> -> memref<128xi32, #tpu.memory_space<vmem>>
    %dma_wait3A_56 = arith.constant 0 : i32
    %dma_wait3A_57 = arith.constant 0 : i32
    %dma_wait3A_58 = tpu.memref_slice %arg2[%dma_wait3A_56, %dma_wait3A_57] : memref<819200x128xf32, #tpu.memory_space<hbm>> -> memref<819200x128xf32, #tpu.memory_space<hbm>>
    tpu.wait_indirect_dma semaphore(%arg7 : memref<!tpu.dma_semaphore, #tpu.memory_space<semaphore_mem>>) src(%dma_wait3A_58 : memref<819200x128xf32, #tpu.memory_space<hbm>>) dst(%dma_wait3A_52 : memref<128x128xf32, #tpu.memory_space<vmem>>)
    %dma_start3A_59 = arith.constant 3 : i32
    %dma_start3A_60 = arith.constant 384 : i32
    %dma_start3A_61 = arith.constant 0 : i32
    %dma_start3A_62 = tpu.memref_slice %arg6[%dma_start3A_60, %dma_start3A_61] : memref<640x128xf32, #tpu.memory_space<vmem>> -> memref<128x128xf32, #tpu.memory_space<vmem>>
    %dma_start3A_63 = arith.constant 0 : i32
    %dma_start3A_64 = tpu.memref_slice %arg5[%dma_start3A_59, %dma_start3A_63] : memref<5x128xi32, #tpu.memory_space<vmem>> -> memref<1x128xi32, #tpu.memory_space<vmem>>
    %dma_start3A_65 = tpu.memref_squeeze %dma_start3A_64 : memref<1x128xi32, #tpu.memory_space<vmem>> -> memref<128xi32, #tpu.memory_space<vmem>>
    %dma_start3A_66 = arith.constant 0 : i32
    %dma_start3A_67 = arith.constant 0 : i32
    %dma_start3A_68 = tpu.memref_slice %arg2[%dma_start3A_66, %dma_start3A_67] : memref<819200x128xf32, #tpu.memory_space<hbm>> -> memref<819200x128xf32, #tpu.memory_space<hbm>>
    tpu.enqueue_indirect_dma source(%dma_start3A_68 : memref<819200x128xf32, #tpu.memory_space<hbm>>) target(%dma_start3A_62 : memref<128x128xf32, #tpu.memory_space<vmem>>) offsets(%dma_start3A_65 : memref<128xi32, #tpu.memory_space<vmem>>) semaphore(%arg7 : memref<!tpu.dma_semaphore, #tpu.memory_space<semaphore_mem>>)
    %dma_wait3A_69 = arith.constant 3 : i32
    %dma_wait3A_70 = arith.constant 384 : i32
    %dma_wait3A_71 = arith.constant 0 : i32
    %dma_wait3A_72 = tpu.memref_slice %arg6[%dma_wait3A_70, %dma_wait3A_71] : memref<640x128xf32, #tpu.memory_space<vmem>> -> memref<128x128xf32, #tpu.memory_space<vmem>>
    %dma_wait3A_73 = arith.constant 0 : i32
    %dma_wait3A_74 = tpu.memref_slice %arg5[%dma_wait3A_69, %dma_wait3A_73] : memref<5x128xi32, #tpu.memory_space<vmem>> -> memref<1x128xi32, #tpu.memory_space<vmem>>
    %dma_wait3A_75 = tpu.memref_squeeze %dma_wait3A_74 : memref<1x128xi32, #tpu.memory_space<vmem>> -> memref<128xi32, #tpu.memory_space<vmem>>
    %dma_wait3A_76 = arith.constant 0 : i32
    %dma_wait3A_77 = arith.constant 0 : i32
    %dma_wait3A_78 = tpu.memref_slice %arg2[%dma_wait3A_76, %dma_wait3A_77] : memref<819200x128xf32, #tpu.memory_space<hbm>> -> memref<819200x128xf32, #tpu.memory_space<hbm>>
    tpu.wait_indirect_dma semaphore(%arg7 : memref<!tpu.dma_semaphore, #tpu.memory_space<semaphore_mem>>) src(%dma_wait3A_78 : memref<819200x128xf32, #tpu.memory_space<hbm>>) dst(%dma_wait3A_72 : memref<128x128xf32, #tpu.memory_space<vmem>>)
    %dma_start3A_79 = arith.constant 4 : i32
    %dma_start3A_80 = arith.constant 512 : i32
    %dma_start3A_81 = arith.constant 0 : i32
    %dma_start3A_82 = tpu.memref_slice %arg6[%dma_start3A_80, %dma_start3A_81] : memref<640x128xf32, #tpu.memory_space<vmem>> -> memref<128x128xf32, #tpu.memory_space<vmem>>
    %dma_start3A_83 = arith.constant 0 : i32
    %dma_start3A_84 = tpu.memref_slice %arg5[%dma_start3A_79, %dma_start3A_83] : memref<5x128xi32, #tpu.memory_space<vmem>> -> memref<1x128xi32, #tpu.memory_space<vmem>>
    %dma_start3A_85 = tpu.memref_squeeze %dma_start3A_84 : memref<1x128xi32, #tpu.memory_space<vmem>> -> memref<128xi32, #tpu.memory_space<vmem>>
    %dma_start3A_86 = arith.constant 0 : i32
    %dma_start3A_87 = arith.constant 0 : i32
    %dma_start3A_88 = tpu.memref_slice %arg2[%dma_start3A_86, %dma_start3A_87] : memref<819200x128xf32, #tpu.memory_space<hbm>> -> memref<819200x128xf32, #tpu.memory_space<hbm>>
    tpu.enqueue_indirect_dma source(%dma_start3A_88 : memref<819200x128xf32, #tpu.memory_space<hbm>>) target(%dma_start3A_82 : memref<128x128xf32, #tpu.memory_space<vmem>>) offsets(%dma_start3A_85 : memref<128xi32, #tpu.memory_space<vmem>>) semaphore(%arg7 : memref<!tpu.dma_semaphore, #tpu.memory_space<semaphore_mem>>)
    %dma_wait3A_89 = arith.constant 4 : i32
    %dma_wait3A_90 = arith.constant 512 : i32
    %dma_wait3A_91 = arith.constant 0 : i32
    %dma_wait3A_92 = tpu.memref_slice %arg6[%dma_wait3A_90, %dma_wait3A_91] : memref<640x128xf32, #tpu.memory_space<vmem>> -> memref<128x128xf32, #tpu.memory_space<vmem>>
    %dma_wait3A_93 = arith.constant 0 : i32
    %dma_wait3A_94 = tpu.memref_slice %arg5[%dma_wait3A_89, %dma_wait3A_93] : memref<5x128xi32, #tpu.memory_space<vmem>> -> memref<1x128xi32, #tpu.memory_space<vmem>>
    %dma_wait3A_95 = tpu.memref_squeeze %dma_wait3A_94 : memref<1x128xi32, #tpu.memory_space<vmem>> -> memref<128xi32, #tpu.memory_space<vmem>>
    %dma_wait3A_96 = arith.constant 0 : i32
    %dma_wait3A_97 = arith.constant 0 : i32
    %dma_wait3A_98 = tpu.memref_slice %arg2[%dma_wait3A_96, %dma_wait3A_97] : memref<819200x128xf32, #tpu.memory_space<hbm>> -> memref<819200x128xf32, #tpu.memory_space<hbm>>
    tpu.wait_indirect_dma semaphore(%arg7 : memref<!tpu.dma_semaphore, #tpu.memory_space<semaphore_mem>>) src(%dma_wait3A_98 : memref<819200x128xf32, #tpu.memory_space<hbm>>) dst(%dma_wait3A_92 : memref<128x128xf32, #tpu.memory_space<vmem>>)
    %mul3A_99 = arith.constant 5 : i32
    %mul3A_100 = arith.muli %add3A, %mul3A_99 : i32
    %mul3A_101 = arith.constant 128 : i32
    %mul3A_102 = arith.muli %mul3A_100, %mul3A_101 : i32
    "tpu.region"() ({
      %run_scoped3A = tpu.sem_alloc : memref<!tpu.dma_semaphore, #tpu.memory_space<semaphore_mem>>
      %dma_start3A_103 = arith.constant 0 : i32
      %dma_start3A_104 = tpu.memref_slice %arg4[%mul3A_102, %dma_start3A_103] : memref<20480x128xf32, #tpu.memory_space<hbm>> -> memref<640x128xf32, #tpu.memory_space<hbm>>
      %dma_start3A_105 = arith.constant 0 : i32
      %dma_start3A_106 = tpu.memref_slice %arg4[%mul3A_102, %dma_start3A_105] : memref<20480x128xf32, #tpu.memory_space<hbm>> -> memref<640x128xf32, #tpu.memory_space<hbm>>
      tpu.enqueue_dma source(%arg6 : memref<640x128xf32, #tpu.memory_space<vmem>>) target(%dma_start3A_106 : memref<640x128xf32, #tpu.memory_space<hbm>>) target_semaphore(%run_scoped3A : memref<!tpu.dma_semaphore, #tpu.memory_space<semaphore_mem>>)
      %dma_wait3A_107 = arith.constant 0 : i32
      %dma_wait3A_108 = tpu.memref_slice %arg4[%mul3A_102, %dma_wait3A_107] : memref<20480x128xf32, #tpu.memory_space<hbm>> -> memref<640x128xf32, #tpu.memory_space<hbm>>
      %dma_wait3A_109 = arith.constant 0 : i32
      %dma_wait3A_110 = tpu.memref_slice %arg4[%mul3A_102, %dma_wait3A_109] : memref<20480x128xf32, #tpu.memory_space<hbm>> -> memref<640x128xf32, #tpu.memory_space<hbm>>
      tpu.wait_dma2 semaphore(%run_scoped3A : memref<!tpu.dma_semaphore, #tpu.memory_space<semaphore_mem>>) src(%arg6 : memref<640x128xf32, #tpu.memory_space<vmem>>) dst(%dma_wait3A_110 : memref<640x128xf32, #tpu.memory_space<hbm>>)
      tpu.yield
    }) : () -> ()
    return
  }
}

module attributes {stable_mosaic.version = 14 : i64} {
  func.func @_mm_stats_kernel(%arg0: i32, %arg1: i32, %arg2: memref<256x128xf32, #tpu.memory_space<vmem>>, %arg3: memref<4096x128xf32, #tpu.memory_space<vmem>>, %arg4: memref<1x4096xf32, #tpu.memory_space<vmem>>, %arg5: memref<256x32x128xf32, #tpu.memory_space<vmem>>, %arg6: memref<1x256x32xf32, #tpu.memory_space<vmem>>, %arg7: memref<1x256x1xf32, #tpu.memory_space<vmem>>, %arg8: memref<1x256x1xf32, #tpu.memory_space<vmem>>, %arg9: memref<4x256x1xf32, #tpu.memory_space<vmem>>, %arg10: memref<4x256x1xf32, #tpu.memory_space<vmem>>) attributes {dimension_semantics = [#tpu.dimension_semantics<arbitrary>, #tpu.dimension_semantics<arbitrary>], iteration_bounds = array<i64: 25, 4>, scalar_prefetch = 0 : i64, scratch_operands = 2 : i64, tpu.core_type = #tpu.core_type<tc>, window_params = [{transform_indices = @transform_0, window_bounds = array<i64: 256, 128>}, {transform_indices = @transform_1, window_bounds = array<i64: 4096, 128>}, {transform_indices = @transform_2, window_bounds = array<i64: 1, 4096>}, {transform_indices = @transform_3, window_bounds = array<i64: 256, 32, 128>}, {transform_indices = @transform_4, window_bounds = array<i64: 1, 256, 32>}, {transform_indices = @transform_5, window_bounds = array<i64: 1, 256, 1>}, {transform_indices = @transform_6, window_bounds = array<i64: 1, 256, 1>}]} {
    %eq3A = arith.constant 0 : i32
    %eq3A_0 = arith.cmpi eq, %arg0, %eq3A : i32
    %convert_element_type3A = arith.extui %eq3A_0 : i1 to i32
    %cond3A = arith.constant 0 : i32
    %cond3A_1 = arith.cmpi ne, %convert_element_type3A, %cond3A : i32
    scf.if %cond3A_1 {
      %broadcast_in_dim3A_403 = arith.constant 0xFF800000 : f32
      %broadcast_in_dim3A_404 = vector.broadcast %broadcast_in_dim3A_403 : f32 to vector<256x1xf32>
      %swap3A_405 = arith.index_cast %arg1 : i32 to index
      %swap3A_406 = arith.constant 0 : index
      %swap3A_407 = arith.constant 0 : index
      %swap3A_408 = vector.load %arg9[%swap3A_405, %swap3A_406, %swap3A_407] : memref<4x256x1xf32, #tpu.memory_space<vmem>>, vector<1x256x1xf32>
      %swap3A_409 = vector.shape_cast %swap3A_408 : vector<1x256x1xf32> to vector<256x1xf32>
      %swap3A_410 = vector.shape_cast %broadcast_in_dim3A_404 : vector<256x1xf32> to vector<1x256x1xf32>
      tpu.vector_store %arg9[%swap3A_405, %swap3A_406, %swap3A_407], %swap3A_410 {strides = array<i32>} : memref<4x256x1xf32, #tpu.memory_space<vmem>>, vector<1x256x1xf32>,
      %broadcast_in_dim3A_411 = arith.constant 0.000000e+00 : f32
      %broadcast_in_dim3A_412 = vector.broadcast %broadcast_in_dim3A_411 : f32 to vector<256x1xf32>
      %swap3A_413 = arith.index_cast %arg1 : i32 to index
      %swap3A_414 = arith.constant 0 : index
      %swap3A_415 = arith.constant 0 : index
      %swap3A_416 = vector.load %arg10[%swap3A_413, %swap3A_414, %swap3A_415] : memref<4x256x1xf32, #tpu.memory_space<vmem>>, vector<1x256x1xf32>
      %swap3A_417 = vector.shape_cast %swap3A_416 : vector<1x256x1xf32> to vector<256x1xf32>
      %swap3A_418 = vector.shape_cast %broadcast_in_dim3A_412 : vector<256x1xf32> to vector<1x256x1xf32>
      tpu.vector_store %arg10[%swap3A_413, %swap3A_414, %swap3A_415], %swap3A_418 {strides = array<i32>} : memref<4x256x1xf32, #tpu.memory_space<vmem>>, vector<1x256x1xf32>,
    } else {
    }
    %get3A = arith.constant 0 : index
    %get3A_2 = arith.constant 0 : index
    %get3A_3 = vector.load %arg2[%get3A, %get3A_2] : memref<256x128xf32, #tpu.memory_space<vmem>>, vector<256x128xf32>
    %get3A_4 = arith.constant 0 : index
    %get3A_5 = arith.constant 0 : index
    %get3A_6 = vector.load %arg3[%get3A_4, %get3A_5] : memref<4096x128xf32, #tpu.memory_space<vmem>>, vector<4096x128xf32>
    %dot_general3A = arith.constant dense<0.000000e+00> : vector<256x4096xf32>
    %dot_general3A_7 = tpu.matmul %get3A_3, %get3A_6, %dot_general3A {dimension_numbers = #tpu.dot_dimension_numbers<[1], [1], [0], [0], [0, 0, 1, 0], [], []>, transpose_lhs_hint = false} : vector<256x128xf32>, vector<4096x128xf32>, vector<256x4096xf32> -> vector<256x4096xf32>
    %get3A_8 = arith.constant 0 : index
    %get3A_9 = arith.constant 0 : index
    %get3A_10 = vector.load %arg4[%get3A_8, %get3A_9] : memref<1x4096xf32, #tpu.memory_space<vmem>>, vector<1x4096xf32>
    %add3A = vector.broadcast %get3A_10 : vector<1x4096xf32> to vector<256x4096xf32>
    %add3A_11 = arith.addf %dot_general3A_7, %add3A : vector<256x4096xf32>
    %reshape3A = vector.shape_cast %add3A_11 : vector<256x4096xf32> to vector<256x32x128xf32>
    %swap3A = arith.constant 0 : index
    %swap3A_12 = arith.constant 0 : index
    %swap3A_13 = arith.constant 0 : index
    %swap3A_14 = vector.load %arg5[%swap3A, %swap3A_12, %swap3A_13] : memref<256x32x128xf32, #tpu.memory_space<vmem>>, vector<256x32x128xf32>
    tpu.vector_store %arg5[%swap3A, %swap3A_12, %swap3A_13], %reshape3A {strides = array<i32>} : memref<256x32x128xf32, #tpu.memory_space<vmem>>, vector<256x32x128xf32>,
    %slice3A = vector.extract_strided_slice %add3A_11 {offsets = [0, 0], sizes = [256, 128], strides = [1, 1]} : vector<256x4096xf32> to vector<256x128xf32>
    %reduce_max3A = arith.constant dense<0xFF800000> : vector<256xf32>
    %reduce_max3A_15 = vector.multi_reduction <maximumf>, %slice3A, %reduce_max3A [1] : vector<256x128xf32> to vector<256xf32>
    %broadcast_in_dim3A = vector.shape_cast %reduce_max3A_15 : vector<256xf32> to vector<256x1xf32>
    %swap3A_16 = arith.constant 0 : index
    %swap3A_17 = arith.constant 0 : index
    %swap3A_18 = arith.constant 0 : index
    %swap3A_19 = vector.load %arg6[%swap3A_16, %swap3A_17, %swap3A_18] : memref<1x256x32xf32, #tpu.memory_space<vmem>>, vector<1x256x1xf32>
    %swap3A_20 = vector.shape_cast %swap3A_19 : vector<1x256x1xf32> to vector<256x1xf32>
    %swap3A_21 = vector.shape_cast %broadcast_in_dim3A : vector<256x1xf32> to vector<1x256x1xf32>
    tpu.vector_store %arg6[%swap3A_16, %swap3A_17, %swap3A_18], %swap3A_21 {strides = array<i32>} : memref<1x256x32xf32, #tpu.memory_space<vmem>>, vector<1x256x1xf32>,
    %slice3A_22 = vector.extract_strided_slice %add3A_11 {offsets = [0, 128], sizes = [256, 128], strides = [1, 1]} : vector<256x4096xf32> to vector<256x128xf32>
    %reduce_max3A_23 = arith.constant dense<0xFF800000> : vector<256xf32>
    %reduce_max3A_24 = vector.multi_reduction <maximumf>, %slice3A_22, %reduce_max3A_23 [1] : vector<256x128xf32> to vector<256xf32>
    %broadcast_in_dim3A_25 = vector.shape_cast %reduce_max3A_24 : vector<256xf32> to vector<256x1xf32>
    %swap3A_26 = arith.constant 0 : index
    %swap3A_27 = arith.constant 0 : index
    %swap3A_28 = arith.constant 1 : index
    %swap3A_29 = vector.load %arg6[%swap3A_26, %swap3A_27, %swap3A_28] : memref<1x256x32xf32, #tpu.memory_space<vmem>>, vector<1x256x1xf32>
    %swap3A_30 = vector.shape_cast %swap3A_29 : vector<1x256x1xf32> to vector<256x1xf32>
    %swap3A_31 = vector.shape_cast %broadcast_in_dim3A_25 : vector<256x1xf32> to vector<1x256x1xf32>
    tpu.vector_store %arg6[%swap3A_26, %swap3A_27, %swap3A_28], %swap3A_31 {strides = array<i32>} : memref<1x256x32xf32, #tpu.memory_space<vmem>>, vector<1x256x1xf32>,
    %max3A = arith.maximumf %broadcast_in_dim3A, %broadcast_in_dim3A_25 : vector<256x1xf32>
    %slice3A_32 = vector.extract_strided_slice %add3A_11 {offsets = [0, 256], sizes = [256, 128], strides = [1, 1]} : vector<256x4096xf32> to vector<256x128xf32>
    %reduce_max3A_33 = arith.constant dense<0xFF800000> : vector<256xf32>
    %reduce_max3A_34 = vector.multi_reduction <maximumf>, %slice3A_32, %reduce_max3A_33 [1] : vector<256x128xf32> to vector<256xf32>
    %broadcast_in_dim3A_35 = vector.shape_cast %reduce_max3A_34 : vector<256xf32> to vector<256x1xf32>
    %swap3A_36 = arith.constant 0 : index
    %swap3A_37 = arith.constant 0 : index
    %swap3A_38 = arith.constant 2 : index
    %swap3A_39 = vector.load %arg6[%swap3A_36, %swap3A_37, %swap3A_38] : memref<1x256x32xf32, #tpu.memory_space<vmem>>, vector<1x256x1xf32>
    %swap3A_40 = vector.shape_cast %swap3A_39 : vector<1x256x1xf32> to vector<256x1xf32>
    %swap3A_41 = vector.shape_cast %broadcast_in_dim3A_35 : vector<256x1xf32> to vector<1x256x1xf32>
    tpu.vector_store %arg6[%swap3A_36, %swap3A_37, %swap3A_38], %swap3A_41 {strides = array<i32>} : memref<1x256x32xf32, #tpu.memory_space<vmem>>, vector<1x256x1xf32>,
    %max3A_42 = arith.maximumf %max3A, %broadcast_in_dim3A_35 : vector<256x1xf32>
    %slice3A_43 = vector.extract_strided_slice %add3A_11 {offsets = [0, 384], sizes = [256, 128], strides = [1, 1]} : vector<256x4096xf32> to vector<256x128xf32>
    %reduce_max3A_44 = arith.constant dense<0xFF800000> : vector<256xf32>
    %reduce_max3A_45 = vector.multi_reduction <maximumf>, %slice3A_43, %reduce_max3A_44 [1] : vector<256x128xf32> to vector<256xf32>
    %broadcast_in_dim3A_46 = vector.shape_cast %reduce_max3A_45 : vector<256xf32> to vector<256x1xf32>
    %swap3A_47 = arith.constant 0 : index
    %swap3A_48 = arith.constant 0 : index
    %swap3A_49 = arith.constant 3 : index
    %swap3A_50 = vector.load %arg6[%swap3A_47, %swap3A_48, %swap3A_49] : memref<1x256x32xf32, #tpu.memory_space<vmem>>, vector<1x256x1xf32>
    %swap3A_51 = vector.shape_cast %swap3A_50 : vector<1x256x1xf32> to vector<256x1xf32>
    %swap3A_52 = vector.shape_cast %broadcast_in_dim3A_46 : vector<256x1xf32> to vector<1x256x1xf32>
    tpu.vector_store %arg6[%swap3A_47, %swap3A_48, %swap3A_49], %swap3A_52 {strides = array<i32>} : memref<1x256x32xf32, #tpu.memory_space<vmem>>, vector<1x256x1xf32>,
    %max3A_53 = arith.maximumf %max3A_42, %broadcast_in_dim3A_46 : vector<256x1xf32>
    %slice3A_54 = vector.extract_strided_slice %add3A_11 {offsets = [0, 512], sizes = [256, 128], strides = [1, 1]} : vector<256x4096xf32> to vector<256x128xf32>
    %reduce_max3A_55 = arith.constant dense<0xFF800000> : vector<256xf32>
    %reduce_max3A_56 = vector.multi_reduction <maximumf>, %slice3A_54, %reduce_max3A_55 [1] : vector<256x128xf32> to vector<256xf32>
    %broadcast_in_dim3A_57 = vector.shape_cast %reduce_max3A_56 : vector<256xf32> to vector<256x1xf32>
    %swap3A_58 = arith.constant 0 : index
    %swap3A_59 = arith.constant 0 : index
    %swap3A_60 = arith.constant 4 : index
    %swap3A_61 = vector.load %arg6[%swap3A_58, %swap3A_59, %swap3A_60] : memref<1x256x32xf32, #tpu.memory_space<vmem>>, vector<1x256x1xf32>
    %swap3A_62 = vector.shape_cast %swap3A_61 : vector<1x256x1xf32> to vector<256x1xf32>
    %swap3A_63 = vector.shape_cast %broadcast_in_dim3A_57 : vector<256x1xf32> to vector<1x256x1xf32>
    tpu.vector_store %arg6[%swap3A_58, %swap3A_59, %swap3A_60], %swap3A_63 {strides = array<i32>} : memref<1x256x32xf32, #tpu.memory_space<vmem>>, vector<1x256x1xf32>,
    %max3A_64 = arith.maximumf %max3A_53, %broadcast_in_dim3A_57 : vector<256x1xf32>
    %slice3A_65 = vector.extract_strided_slice %add3A_11 {offsets = [0, 640], sizes = [256, 128], strides = [1, 1]} : vector<256x4096xf32> to vector<256x128xf32>
    %reduce_max3A_66 = arith.constant dense<0xFF800000> : vector<256xf32>
    %reduce_max3A_67 = vector.multi_reduction <maximumf>, %slice3A_65, %reduce_max3A_66 [1] : vector<256x128xf32> to vector<256xf32>
    %broadcast_in_dim3A_68 = vector.shape_cast %reduce_max3A_67 : vector<256xf32> to vector<256x1xf32>
    %swap3A_69 = arith.constant 0 : index
    %swap3A_70 = arith.constant 0 : index
    %swap3A_71 = arith.constant 5 : index
    %swap3A_72 = vector.load %arg6[%swap3A_69, %swap3A_70, %swap3A_71] : memref<1x256x32xf32, #tpu.memory_space<vmem>>, vector<1x256x1xf32>
    %swap3A_73 = vector.shape_cast %swap3A_72 : vector<1x256x1xf32> to vector<256x1xf32>
    %swap3A_74 = vector.shape_cast %broadcast_in_dim3A_68 : vector<256x1xf32> to vector<1x256x1xf32>
    tpu.vector_store %arg6[%swap3A_69, %swap3A_70, %swap3A_71], %swap3A_74 {strides = array<i32>} : memref<1x256x32xf32, #tpu.memory_space<vmem>>, vector<1x256x1xf32>,
    %max3A_75 = arith.maximumf %max3A_64, %broadcast_in_dim3A_68 : vector<256x1xf32>
    %slice3A_76 = vector.extract_strided_slice %add3A_11 {offsets = [0, 768], sizes = [256, 128], strides = [1, 1]} : vector<256x4096xf32> to vector<256x128xf32>
    %reduce_max3A_77 = arith.constant dense<0xFF800000> : vector<256xf32>
    %reduce_max3A_78 = vector.multi_reduction <maximumf>, %slice3A_76, %reduce_max3A_77 [1] : vector<256x128xf32> to vector<256xf32>
    %broadcast_in_dim3A_79 = vector.shape_cast %reduce_max3A_78 : vector<256xf32> to vector<256x1xf32>
    %swap3A_80 = arith.constant 0 : index
    %swap3A_81 = arith.constant 0 : index
    %swap3A_82 = arith.constant 6 : index
    %swap3A_83 = vector.load %arg6[%swap3A_80, %swap3A_81, %swap3A_82] : memref<1x256x32xf32, #tpu.memory_space<vmem>>, vector<1x256x1xf32>
    %swap3A_84 = vector.shape_cast %swap3A_83 : vector<1x256x1xf32> to vector<256x1xf32>
    %swap3A_85 = vector.shape_cast %broadcast_in_dim3A_79 : vector<256x1xf32> to vector<1x256x1xf32>
    tpu.vector_store %arg6[%swap3A_80, %swap3A_81, %swap3A_82], %swap3A_85 {strides = array<i32>} : memref<1x256x32xf32, #tpu.memory_space<vmem>>, vector<1x256x1xf32>,
    %max3A_86 = arith.maximumf %max3A_75, %broadcast_in_dim3A_79 : vector<256x1xf32>
    %slice3A_87 = vector.extract_strided_slice %add3A_11 {offsets = [0, 896], sizes = [256, 128], strides = [1, 1]} : vector<256x4096xf32> to vector<256x128xf32>
    %reduce_max3A_88 = arith.constant dense<0xFF800000> : vector<256xf32>
    %reduce_max3A_89 = vector.multi_reduction <maximumf>, %slice3A_87, %reduce_max3A_88 [1] : vector<256x128xf32> to vector<256xf32>
    %broadcast_in_dim3A_90 = vector.shape_cast %reduce_max3A_89 : vector<256xf32> to vector<256x1xf32>
    %swap3A_91 = arith.constant 0 : index
    %swap3A_92 = arith.constant 0 : index
    %swap3A_93 = arith.constant 7 : index
    %swap3A_94 = vector.load %arg6[%swap3A_91, %swap3A_92, %swap3A_93] : memref<1x256x32xf32, #tpu.memory_space<vmem>>, vector<1x256x1xf32>
    %swap3A_95 = vector.shape_cast %swap3A_94 : vector<1x256x1xf32> to vector<256x1xf32>
    %swap3A_96 = vector.shape_cast %broadcast_in_dim3A_90 : vector<256x1xf32> to vector<1x256x1xf32>
    tpu.vector_store %arg6[%swap3A_91, %swap3A_92, %swap3A_93], %swap3A_96 {strides = array<i32>} : memref<1x256x32xf32, #tpu.memory_space<vmem>>, vector<1x256x1xf32>,
    %max3A_97 = arith.maximumf %max3A_86, %broadcast_in_dim3A_90 : vector<256x1xf32>
    %slice3A_98 = vector.extract_strided_slice %add3A_11 {offsets = [0, 1024], sizes = [256, 128], strides = [1, 1]} : vector<256x4096xf32> to vector<256x128xf32>
    %reduce_max3A_99 = arith.constant dense<0xFF800000> : vector<256xf32>
    %reduce_max3A_100 = vector.multi_reduction <maximumf>, %slice3A_98, %reduce_max3A_99 [1] : vector<256x128xf32> to vector<256xf32>
    %broadcast_in_dim3A_101 = vector.shape_cast %reduce_max3A_100 : vector<256xf32> to vector<256x1xf32>
    %swap3A_102 = arith.constant 0 : index
    %swap3A_103 = arith.constant 0 : index
    %swap3A_104 = arith.constant 8 : index
    %swap3A_105 = vector.load %arg6[%swap3A_102, %swap3A_103, %swap3A_104] : memref<1x256x32xf32, #tpu.memory_space<vmem>>, vector<1x256x1xf32>
    %swap3A_106 = vector.shape_cast %swap3A_105 : vector<1x256x1xf32> to vector<256x1xf32>
    %swap3A_107 = vector.shape_cast %broadcast_in_dim3A_101 : vector<256x1xf32> to vector<1x256x1xf32>
    tpu.vector_store %arg6[%swap3A_102, %swap3A_103, %swap3A_104], %swap3A_107 {strides = array<i32>} : memref<1x256x32xf32, #tpu.memory_space<vmem>>, vector<1x256x1xf32>,
    %max3A_108 = arith.maximumf %max3A_97, %broadcast_in_dim3A_101 : vector<256x1xf32>
    %slice3A_109 = vector.extract_strided_slice %add3A_11 {offsets = [0, 1152], sizes = [256, 128], strides = [1, 1]} : vector<256x4096xf32> to vector<256x128xf32>
    %reduce_max3A_110 = arith.constant dense<0xFF800000> : vector<256xf32>
    %reduce_max3A_111 = vector.multi_reduction <maximumf>, %slice3A_109, %reduce_max3A_110 [1] : vector<256x128xf32> to vector<256xf32>
    %broadcast_in_dim3A_112 = vector.shape_cast %reduce_max3A_111 : vector<256xf32> to vector<256x1xf32>
    %swap3A_113 = arith.constant 0 : index
    %swap3A_114 = arith.constant 0 : index
    %swap3A_115 = arith.constant 9 : index
    %swap3A_116 = vector.load %arg6[%swap3A_113, %swap3A_114, %swap3A_115] : memref<1x256x32xf32, #tpu.memory_space<vmem>>, vector<1x256x1xf32>
    %swap3A_117 = vector.shape_cast %swap3A_116 : vector<1x256x1xf32> to vector<256x1xf32>
    %swap3A_118 = vector.shape_cast %broadcast_in_dim3A_112 : vector<256x1xf32> to vector<1x256x1xf32>
    tpu.vector_store %arg6[%swap3A_113, %swap3A_114, %swap3A_115], %swap3A_118 {strides = array<i32>} : memref<1x256x32xf32, #tpu.memory_space<vmem>>, vector<1x256x1xf32>,
    %max3A_119 = arith.maximumf %max3A_108, %broadcast_in_dim3A_112 : vector<256x1xf32>
    %slice3A_120 = vector.extract_strided_slice %add3A_11 {offsets = [0, 1280], sizes = [256, 128], strides = [1, 1]} : vector<256x4096xf32> to vector<256x128xf32>
    %reduce_max3A_121 = arith.constant dense<0xFF800000> : vector<256xf32>
    %reduce_max3A_122 = vector.multi_reduction <maximumf>, %slice3A_120, %reduce_max3A_121 [1] : vector<256x128xf32> to vector<256xf32>
    %broadcast_in_dim3A_123 = vector.shape_cast %reduce_max3A_122 : vector<256xf32> to vector<256x1xf32>
    %swap3A_124 = arith.constant 0 : index
    %swap3A_125 = arith.constant 0 : index
    %swap3A_126 = arith.constant 10 : index
    %swap3A_127 = vector.load %arg6[%swap3A_124, %swap3A_125, %swap3A_126] : memref<1x256x32xf32, #tpu.memory_space<vmem>>, vector<1x256x1xf32>
    %swap3A_128 = vector.shape_cast %swap3A_127 : vector<1x256x1xf32> to vector<256x1xf32>
    %swap3A_129 = vector.shape_cast %broadcast_in_dim3A_123 : vector<256x1xf32> to vector<1x256x1xf32>
    tpu.vector_store %arg6[%swap3A_124, %swap3A_125, %swap3A_126], %swap3A_129 {strides = array<i32>} : memref<1x256x32xf32, #tpu.memory_space<vmem>>, vector<1x256x1xf32>,
    %max3A_130 = arith.maximumf %max3A_119, %broadcast_in_dim3A_123 : vector<256x1xf32>
    %slice3A_131 = vector.extract_strided_slice %add3A_11 {offsets = [0, 1408], sizes = [256, 128], strides = [1, 1]} : vector<256x4096xf32> to vector<256x128xf32>
    %reduce_max3A_132 = arith.constant dense<0xFF800000> : vector<256xf32>
    %reduce_max3A_133 = vector.multi_reduction <maximumf>, %slice3A_131, %reduce_max3A_132 [1] : vector<256x128xf32> to vector<256xf32>
    %broadcast_in_dim3A_134 = vector.shape_cast %reduce_max3A_133 : vector<256xf32> to vector<256x1xf32>
    %swap3A_135 = arith.constant 0 : index
    %swap3A_136 = arith.constant 0 : index
    %swap3A_137 = arith.constant 11 : index
    %swap3A_138 = vector.load %arg6[%swap3A_135, %swap3A_136, %swap3A_137] : memref<1x256x32xf32, #tpu.memory_space<vmem>>, vector<1x256x1xf32>
    %swap3A_139 = vector.shape_cast %swap3A_138 : vector<1x256x1xf32> to vector<256x1xf32>
    %swap3A_140 = vector.shape_cast %broadcast_in_dim3A_134 : vector<256x1xf32> to vector<1x256x1xf32>
    tpu.vector_store %arg6[%swap3A_135, %swap3A_136, %swap3A_137], %swap3A_140 {strides = array<i32>} : memref<1x256x32xf32, #tpu.memory_space<vmem>>, vector<1x256x1xf32>,
    %max3A_141 = arith.maximumf %max3A_130, %broadcast_in_dim3A_134 : vector<256x1xf32>
    %slice3A_142 = vector.extract_strided_slice %add3A_11 {offsets = [0, 1536], sizes = [256, 128], strides = [1, 1]} : vector<256x4096xf32> to vector<256x128xf32>
    %reduce_max3A_143 = arith.constant dense<0xFF800000> : vector<256xf32>
    %reduce_max3A_144 = vector.multi_reduction <maximumf>, %slice3A_142, %reduce_max3A_143 [1] : vector<256x128xf32> to vector<256xf32>
    %broadcast_in_dim3A_145 = vector.shape_cast %reduce_max3A_144 : vector<256xf32> to vector<256x1xf32>
    %swap3A_146 = arith.constant 0 : index
    %swap3A_147 = arith.constant 0 : index
    %swap3A_148 = arith.constant 12 : index
    %swap3A_149 = vector.load %arg6[%swap3A_146, %swap3A_147, %swap3A_148] : memref<1x256x32xf32, #tpu.memory_space<vmem>>, vector<1x256x1xf32>
    %swap3A_150 = vector.shape_cast %swap3A_149 : vector<1x256x1xf32> to vector<256x1xf32>
    %swap3A_151 = vector.shape_cast %broadcast_in_dim3A_145 : vector<256x1xf32> to vector<1x256x1xf32>
    tpu.vector_store %arg6[%swap3A_146, %swap3A_147, %swap3A_148], %swap3A_151 {strides = array<i32>} : memref<1x256x32xf32, #tpu.memory_space<vmem>>, vector<1x256x1xf32>,
    %max3A_152 = arith.maximumf %max3A_141, %broadcast_in_dim3A_145 : vector<256x1xf32>
    %slice3A_153 = vector.extract_strided_slice %add3A_11 {offsets = [0, 1664], sizes = [256, 128], strides = [1, 1]} : vector<256x4096xf32> to vector<256x128xf32>
    %reduce_max3A_154 = arith.constant dense<0xFF800000> : vector<256xf32>
    %reduce_max3A_155 = vector.multi_reduction <maximumf>, %slice3A_153, %reduce_max3A_154 [1] : vector<256x128xf32> to vector<256xf32>
    %broadcast_in_dim3A_156 = vector.shape_cast %reduce_max3A_155 : vector<256xf32> to vector<256x1xf32>
    %swap3A_157 = arith.constant 0 : index
    %swap3A_158 = arith.constant 0 : index
    %swap3A_159 = arith.constant 13 : index
    %swap3A_160 = vector.load %arg6[%swap3A_157, %swap3A_158, %swap3A_159] : memref<1x256x32xf32, #tpu.memory_space<vmem>>, vector<1x256x1xf32>
    %swap3A_161 = vector.shape_cast %swap3A_160 : vector<1x256x1xf32> to vector<256x1xf32>
    %swap3A_162 = vector.shape_cast %broadcast_in_dim3A_156 : vector<256x1xf32> to vector<1x256x1xf32>
    tpu.vector_store %arg6[%swap3A_157, %swap3A_158, %swap3A_159], %swap3A_162 {strides = array<i32>} : memref<1x256x32xf32, #tpu.memory_space<vmem>>, vector<1x256x1xf32>,
    %max3A_163 = arith.maximumf %max3A_152, %broadcast_in_dim3A_156 : vector<256x1xf32>
    %slice3A_164 = vector.extract_strided_slice %add3A_11 {offsets = [0, 1792], sizes = [256, 128], strides = [1, 1]} : vector<256x4096xf32> to vector<256x128xf32>
    %reduce_max3A_165 = arith.constant dense<0xFF800000> : vector<256xf32>
    %reduce_max3A_166 = vector.multi_reduction <maximumf>, %slice3A_164, %reduce_max3A_165 [1] : vector<256x128xf32> to vector<256xf32>
    %broadcast_in_dim3A_167 = vector.shape_cast %reduce_max3A_166 : vector<256xf32> to vector<256x1xf32>
    %swap3A_168 = arith.constant 0 : index
    %swap3A_169 = arith.constant 0 : index
    %swap3A_170 = arith.constant 14 : index
    %swap3A_171 = vector.load %arg6[%swap3A_168, %swap3A_169, %swap3A_170] : memref<1x256x32xf32, #tpu.memory_space<vmem>>, vector<1x256x1xf32>
    %swap3A_172 = vector.shape_cast %swap3A_171 : vector<1x256x1xf32> to vector<256x1xf32>
    %swap3A_173 = vector.shape_cast %broadcast_in_dim3A_167 : vector<256x1xf32> to vector<1x256x1xf32>
    tpu.vector_store %arg6[%swap3A_168, %swap3A_169, %swap3A_170], %swap3A_173 {strides = array<i32>} : memref<1x256x32xf32, #tpu.memory_space<vmem>>, vector<1x256x1xf32>,
    %max3A_174 = arith.maximumf %max3A_163, %broadcast_in_dim3A_167 : vector<256x1xf32>
    %slice3A_175 = vector.extract_strided_slice %add3A_11 {offsets = [0, 1920], sizes = [256, 128], strides = [1, 1]} : vector<256x4096xf32> to vector<256x128xf32>
    %reduce_max3A_176 = arith.constant dense<0xFF800000> : vector<256xf32>
    %reduce_max3A_177 = vector.multi_reduction <maximumf>, %slice3A_175, %reduce_max3A_176 [1] : vector<256x128xf32> to vector<256xf32>
    %broadcast_in_dim3A_178 = vector.shape_cast %reduce_max3A_177 : vector<256xf32> to vector<256x1xf32>
    %swap3A_179 = arith.constant 0 : index
    %swap3A_180 = arith.constant 0 : index
    %swap3A_181 = arith.constant 15 : index
    %swap3A_182 = vector.load %arg6[%swap3A_179, %swap3A_180, %swap3A_181] : memref<1x256x32xf32, #tpu.memory_space<vmem>>, vector<1x256x1xf32>
    %swap3A_183 = vector.shape_cast %swap3A_182 : vector<1x256x1xf32> to vector<256x1xf32>
    %swap3A_184 = vector.shape_cast %broadcast_in_dim3A_178 : vector<256x1xf32> to vector<1x256x1xf32>
    tpu.vector_store %arg6[%swap3A_179, %swap3A_180, %swap3A_181], %swap3A_184 {strides = array<i32>} : memref<1x256x32xf32, #tpu.memory_space<vmem>>, vector<1x256x1xf32>,
    %max3A_185 = arith.maximumf %max3A_174, %broadcast_in_dim3A_178 : vector<256x1xf32>
    %slice3A_186 = vector.extract_strided_slice %add3A_11 {offsets = [0, 2048], sizes = [256, 128], strides = [1, 1]} : vector<256x4096xf32> to vector<256x128xf32>
    %reduce_max3A_187 = arith.constant dense<0xFF800000> : vector<256xf32>
    %reduce_max3A_188 = vector.multi_reduction <maximumf>, %slice3A_186, %reduce_max3A_187 [1] : vector<256x128xf32> to vector<256xf32>
    %broadcast_in_dim3A_189 = vector.shape_cast %reduce_max3A_188 : vector<256xf32> to vector<256x1xf32>
    %swap3A_190 = arith.constant 0 : index
    %swap3A_191 = arith.constant 0 : index
    %swap3A_192 = arith.constant 16 : index
    %swap3A_193 = vector.load %arg6[%swap3A_190, %swap3A_191, %swap3A_192] : memref<1x256x32xf32, #tpu.memory_space<vmem>>, vector<1x256x1xf32>
    %swap3A_194 = vector.shape_cast %swap3A_193 : vector<1x256x1xf32> to vector<256x1xf32>
    %swap3A_195 = vector.shape_cast %broadcast_in_dim3A_189 : vector<256x1xf32> to vector<1x256x1xf32>
    tpu.vector_store %arg6[%swap3A_190, %swap3A_191, %swap3A_192], %swap3A_195 {strides = array<i32>} : memref<1x256x32xf32, #tpu.memory_space<vmem>>, vector<1x256x1xf32>,
    %max3A_196 = arith.maximumf %max3A_185, %broadcast_in_dim3A_189 : vector<256x1xf32>
    %slice3A_197 = vector.extract_strided_slice %add3A_11 {offsets = [0, 2176], sizes = [256, 128], strides = [1, 1]} : vector<256x4096xf32> to vector<256x128xf32>
    %reduce_max3A_198 = arith.constant dense<0xFF800000> : vector<256xf32>
    %reduce_max3A_199 = vector.multi_reduction <maximumf>, %slice3A_197, %reduce_max3A_198 [1] : vector<256x128xf32> to vector<256xf32>
    %broadcast_in_dim3A_200 = vector.shape_cast %reduce_max3A_199 : vector<256xf32> to vector<256x1xf32>
    %swap3A_201 = arith.constant 0 : index
    %swap3A_202 = arith.constant 0 : index
    %swap3A_203 = arith.constant 17 : index
    %swap3A_204 = vector.load %arg6[%swap3A_201, %swap3A_202, %swap3A_203] : memref<1x256x32xf32, #tpu.memory_space<vmem>>, vector<1x256x1xf32>
    %swap3A_205 = vector.shape_cast %swap3A_204 : vector<1x256x1xf32> to vector<256x1xf32>
    %swap3A_206 = vector.shape_cast %broadcast_in_dim3A_200 : vector<256x1xf32> to vector<1x256x1xf32>
    tpu.vector_store %arg6[%swap3A_201, %swap3A_202, %swap3A_203], %swap3A_206 {strides = array<i32>} : memref<1x256x32xf32, #tpu.memory_space<vmem>>, vector<1x256x1xf32>,
    %max3A_207 = arith.maximumf %max3A_196, %broadcast_in_dim3A_200 : vector<256x1xf32>
    %slice3A_208 = vector.extract_strided_slice %add3A_11 {offsets = [0, 2304], sizes = [256, 128], strides = [1, 1]} : vector<256x4096xf32> to vector<256x128xf32>
    %reduce_max3A_209 = arith.constant dense<0xFF800000> : vector<256xf32>
    %reduce_max3A_210 = vector.multi_reduction <maximumf>, %slice3A_208, %reduce_max3A_209 [1] : vector<256x128xf32> to vector<256xf32>
    %broadcast_in_dim3A_211 = vector.shape_cast %reduce_max3A_210 : vector<256xf32> to vector<256x1xf32>
    %swap3A_212 = arith.constant 0 : index
    %swap3A_213 = arith.constant 0 : index
    %swap3A_214 = arith.constant 18 : index
    %swap3A_215 = vector.load %arg6[%swap3A_212, %swap3A_213, %swap3A_214] : memref<1x256x32xf32, #tpu.memory_space<vmem>>, vector<1x256x1xf32>
    %swap3A_216 = vector.shape_cast %swap3A_215 : vector<1x256x1xf32> to vector<256x1xf32>
    %swap3A_217 = vector.shape_cast %broadcast_in_dim3A_211 : vector<256x1xf32> to vector<1x256x1xf32>
    tpu.vector_store %arg6[%swap3A_212, %swap3A_213, %swap3A_214], %swap3A_217 {strides = array<i32>} : memref<1x256x32xf32, #tpu.memory_space<vmem>>, vector<1x256x1xf32>,
    %max3A_218 = arith.maximumf %max3A_207, %broadcast_in_dim3A_211 : vector<256x1xf32>
    %slice3A_219 = vector.extract_strided_slice %add3A_11 {offsets = [0, 2432], sizes = [256, 128], strides = [1, 1]} : vector<256x4096xf32> to vector<256x128xf32>
    %reduce_max3A_220 = arith.constant dense<0xFF800000> : vector<256xf32>
    %reduce_max3A_221 = vector.multi_reduction <maximumf>, %slice3A_219, %reduce_max3A_220 [1] : vector<256x128xf32> to vector<256xf32>
    %broadcast_in_dim3A_222 = vector.shape_cast %reduce_max3A_221 : vector<256xf32> to vector<256x1xf32>
    %swap3A_223 = arith.constant 0 : index
    %swap3A_224 = arith.constant 0 : index
    %swap3A_225 = arith.constant 19 : index
    %swap3A_226 = vector.load %arg6[%swap3A_223, %swap3A_224, %swap3A_225] : memref<1x256x32xf32, #tpu.memory_space<vmem>>, vector<1x256x1xf32>
    %swap3A_227 = vector.shape_cast %swap3A_226 : vector<1x256x1xf32> to vector<256x1xf32>
    %swap3A_228 = vector.shape_cast %broadcast_in_dim3A_222 : vector<256x1xf32> to vector<1x256x1xf32>
    tpu.vector_store %arg6[%swap3A_223, %swap3A_224, %swap3A_225], %swap3A_228 {strides = array<i32>} : memref<1x256x32xf32, #tpu.memory_space<vmem>>, vector<1x256x1xf32>,
    %max3A_229 = arith.maximumf %max3A_218, %broadcast_in_dim3A_222 : vector<256x1xf32>
    %slice3A_230 = vector.extract_strided_slice %add3A_11 {offsets = [0, 2560], sizes = [256, 128], strides = [1, 1]} : vector<256x4096xf32> to vector<256x128xf32>
    %reduce_max3A_231 = arith.constant dense<0xFF800000> : vector<256xf32>
    %reduce_max3A_232 = vector.multi_reduction <maximumf>, %slice3A_230, %reduce_max3A_231 [1] : vector<256x128xf32> to vector<256xf32>
    %broadcast_in_dim3A_233 = vector.shape_cast %reduce_max3A_232 : vector<256xf32> to vector<256x1xf32>
    %swap3A_234 = arith.constant 0 : index
    %swap3A_235 = arith.constant 0 : index
    %swap3A_236 = arith.constant 20 : index
    %swap3A_237 = vector.load %arg6[%swap3A_234, %swap3A_235, %swap3A_236] : memref<1x256x32xf32, #tpu.memory_space<vmem>>, vector<1x256x1xf32>
    %swap3A_238 = vector.shape_cast %swap3A_237 : vector<1x256x1xf32> to vector<256x1xf32>
    %swap3A_239 = vector.shape_cast %broadcast_in_dim3A_233 : vector<256x1xf32> to vector<1x256x1xf32>
    tpu.vector_store %arg6[%swap3A_234, %swap3A_235, %swap3A_236], %swap3A_239 {strides = array<i32>} : memref<1x256x32xf32, #tpu.memory_space<vmem>>, vector<1x256x1xf32>,
    %max3A_240 = arith.maximumf %max3A_229, %broadcast_in_dim3A_233 : vector<256x1xf32>
    %slice3A_241 = vector.extract_strided_slice %add3A_11 {offsets = [0, 2688], sizes = [256, 128], strides = [1, 1]} : vector<256x4096xf32> to vector<256x128xf32>
    %reduce_max3A_242 = arith.constant dense<0xFF800000> : vector<256xf32>
    %reduce_max3A_243 = vector.multi_reduction <maximumf>, %slice3A_241, %reduce_max3A_242 [1] : vector<256x128xf32> to vector<256xf32>
    %broadcast_in_dim3A_244 = vector.shape_cast %reduce_max3A_243 : vector<256xf32> to vector<256x1xf32>
    %swap3A_245 = arith.constant 0 : index
    %swap3A_246 = arith.constant 0 : index
    %swap3A_247 = arith.constant 21 : index
    %swap3A_248 = vector.load %arg6[%swap3A_245, %swap3A_246, %swap3A_247] : memref<1x256x32xf32, #tpu.memory_space<vmem>>, vector<1x256x1xf32>
    %swap3A_249 = vector.shape_cast %swap3A_248 : vector<1x256x1xf32> to vector<256x1xf32>
    %swap3A_250 = vector.shape_cast %broadcast_in_dim3A_244 : vector<256x1xf32> to vector<1x256x1xf32>
    tpu.vector_store %arg6[%swap3A_245, %swap3A_246, %swap3A_247], %swap3A_250 {strides = array<i32>} : memref<1x256x32xf32, #tpu.memory_space<vmem>>, vector<1x256x1xf32>,
    %max3A_251 = arith.maximumf %max3A_240, %broadcast_in_dim3A_244 : vector<256x1xf32>
    %slice3A_252 = vector.extract_strided_slice %add3A_11 {offsets = [0, 2816], sizes = [256, 128], strides = [1, 1]} : vector<256x4096xf32> to vector<256x128xf32>
    %reduce_max3A_253 = arith.constant dense<0xFF800000> : vector<256xf32>
    %reduce_max3A_254 = vector.multi_reduction <maximumf>, %slice3A_252, %reduce_max3A_253 [1] : vector<256x128xf32> to vector<256xf32>
    %broadcast_in_dim3A_255 = vector.shape_cast %reduce_max3A_254 : vector<256xf32> to vector<256x1xf32>
    %swap3A_256 = arith.constant 0 : index
    %swap3A_257 = arith.constant 0 : index
    %swap3A_258 = arith.constant 22 : index
    %swap3A_259 = vector.load %arg6[%swap3A_256, %swap3A_257, %swap3A_258] : memref<1x256x32xf32, #tpu.memory_space<vmem>>, vector<1x256x1xf32>
    %swap3A_260 = vector.shape_cast %swap3A_259 : vector<1x256x1xf32> to vector<256x1xf32>
    %swap3A_261 = vector.shape_cast %broadcast_in_dim3A_255 : vector<256x1xf32> to vector<1x256x1xf32>
    tpu.vector_store %arg6[%swap3A_256, %swap3A_257, %swap3A_258], %swap3A_261 {strides = array<i32>} : memref<1x256x32xf32, #tpu.memory_space<vmem>>, vector<1x256x1xf32>,
    %max3A_262 = arith.maximumf %max3A_251, %broadcast_in_dim3A_255 : vector<256x1xf32>
    %slice3A_263 = vector.extract_strided_slice %add3A_11 {offsets = [0, 2944], sizes = [256, 128], strides = [1, 1]} : vector<256x4096xf32> to vector<256x128xf32>
    %reduce_max3A_264 = arith.constant dense<0xFF800000> : vector<256xf32>
    %reduce_max3A_265 = vector.multi_reduction <maximumf>, %slice3A_263, %reduce_max3A_264 [1] : vector<256x128xf32> to vector<256xf32>
    %broadcast_in_dim3A_266 = vector.shape_cast %reduce_max3A_265 : vector<256xf32> to vector<256x1xf32>
    %swap3A_267 = arith.constant 0 : index
    %swap3A_268 = arith.constant 0 : index
    %swap3A_269 = arith.constant 23 : index
    %swap3A_270 = vector.load %arg6[%swap3A_267, %swap3A_268, %swap3A_269] : memref<1x256x32xf32, #tpu.memory_space<vmem>>, vector<1x256x1xf32>
    %swap3A_271 = vector.shape_cast %swap3A_270 : vector<1x256x1xf32> to vector<256x1xf32>
    %swap3A_272 = vector.shape_cast %broadcast_in_dim3A_266 : vector<256x1xf32> to vector<1x256x1xf32>
    tpu.vector_store %arg6[%swap3A_267, %swap3A_268, %swap3A_269], %swap3A_272 {strides = array<i32>} : memref<1x256x32xf32, #tpu.memory_space<vmem>>, vector<1x256x1xf32>,
    %max3A_273 = arith.maximumf %max3A_262, %broadcast_in_dim3A_266 : vector<256x1xf32>
    %slice3A_274 = vector.extract_strided_slice %add3A_11 {offsets = [0, 3072], sizes = [256, 128], strides = [1, 1]} : vector<256x4096xf32> to vector<256x128xf32>
    %reduce_max3A_275 = arith.constant dense<0xFF800000> : vector<256xf32>
    %reduce_max3A_276 = vector.multi_reduction <maximumf>, %slice3A_274, %reduce_max3A_275 [1] : vector<256x128xf32> to vector<256xf32>
    %broadcast_in_dim3A_277 = vector.shape_cast %reduce_max3A_276 : vector<256xf32> to vector<256x1xf32>
    %swap3A_278 = arith.constant 0 : index
    %swap3A_279 = arith.constant 0 : index
    %swap3A_280 = arith.constant 24 : index
    %swap3A_281 = vector.load %arg6[%swap3A_278, %swap3A_279, %swap3A_280] : memref<1x256x32xf32, #tpu.memory_space<vmem>>, vector<1x256x1xf32>
    %swap3A_282 = vector.shape_cast %swap3A_281 : vector<1x256x1xf32> to vector<256x1xf32>
    %swap3A_283 = vector.shape_cast %broadcast_in_dim3A_277 : vector<256x1xf32> to vector<1x256x1xf32>
    tpu.vector_store %arg6[%swap3A_278, %swap3A_279, %swap3A_280], %swap3A_283 {strides = array<i32>} : memref<1x256x32xf32, #tpu.memory_space<vmem>>, vector<1x256x1xf32>,
    %max3A_284 = arith.maximumf %max3A_273, %broadcast_in_dim3A_277 : vector<256x1xf32>
    %slice3A_285 = vector.extract_strided_slice %add3A_11 {offsets = [0, 3200], sizes = [256, 128], strides = [1, 1]} : vector<256x4096xf32> to vector<256x128xf32>
    %reduce_max3A_286 = arith.constant dense<0xFF800000> : vector<256xf32>
    %reduce_max3A_287 = vector.multi_reduction <maximumf>, %slice3A_285, %reduce_max3A_286 [1] : vector<256x128xf32> to vector<256xf32>
    %broadcast_in_dim3A_288 = vector.shape_cast %reduce_max3A_287 : vector<256xf32> to vector<256x1xf32>
    %swap3A_289 = arith.constant 0 : index
    %swap3A_290 = arith.constant 0 : index
    %swap3A_291 = arith.constant 25 : index
    %swap3A_292 = vector.load %arg6[%swap3A_289, %swap3A_290, %swap3A_291] : memref<1x256x32xf32, #tpu.memory_space<vmem>>, vector<1x256x1xf32>
    %swap3A_293 = vector.shape_cast %swap3A_292 : vector<1x256x1xf32> to vector<256x1xf32>
    %swap3A_294 = vector.shape_cast %broadcast_in_dim3A_288 : vector<256x1xf32> to vector<1x256x1xf32>
    tpu.vector_store %arg6[%swap3A_289, %swap3A_290, %swap3A_291], %swap3A_294 {strides = array<i32>} : memref<1x256x32xf32, #tpu.memory_space<vmem>>, vector<1x256x1xf32>,
    %max3A_295 = arith.maximumf %max3A_284, %broadcast_in_dim3A_288 : vector<256x1xf32>
    %slice3A_296 = vector.extract_strided_slice %add3A_11 {offsets = [0, 3328], sizes = [256, 128], strides = [1, 1]} : vector<256x4096xf32> to vector<256x128xf32>
    %reduce_max3A_297 = arith.constant dense<0xFF800000> : vector<256xf32>
    %reduce_max3A_298 = vector.multi_reduction <maximumf>, %slice3A_296, %reduce_max3A_297 [1] : vector<256x128xf32> to vector<256xf32>
    %broadcast_in_dim3A_299 = vector.shape_cast %reduce_max3A_298 : vector<256xf32> to vector<256x1xf32>
    %swap3A_300 = arith.constant 0 : index
    %swap3A_301 = arith.constant 0 : index
    %swap3A_302 = arith.constant 26 : index
    %swap3A_303 = vector.load %arg6[%swap3A_300, %swap3A_301, %swap3A_302] : memref<1x256x32xf32, #tpu.memory_space<vmem>>, vector<1x256x1xf32>
    %swap3A_304 = vector.shape_cast %swap3A_303 : vector<1x256x1xf32> to vector<256x1xf32>
    %swap3A_305 = vector.shape_cast %broadcast_in_dim3A_299 : vector<256x1xf32> to vector<1x256x1xf32>
    tpu.vector_store %arg6[%swap3A_300, %swap3A_301, %swap3A_302], %swap3A_305 {strides = array<i32>} : memref<1x256x32xf32, #tpu.memory_space<vmem>>, vector<1x256x1xf32>,
    %max3A_306 = arith.maximumf %max3A_295, %broadcast_in_dim3A_299 : vector<256x1xf32>
    %slice3A_307 = vector.extract_strided_slice %add3A_11 {offsets = [0, 3456], sizes = [256, 128], strides = [1, 1]} : vector<256x4096xf32> to vector<256x128xf32>
    %reduce_max3A_308 = arith.constant dense<0xFF800000> : vector<256xf32>
    %reduce_max3A_309 = vector.multi_reduction <maximumf>, %slice3A_307, %reduce_max3A_308 [1] : vector<256x128xf32> to vector<256xf32>
    %broadcast_in_dim3A_310 = vector.shape_cast %reduce_max3A_309 : vector<256xf32> to vector<256x1xf32>
    %swap3A_311 = arith.constant 0 : index
    %swap3A_312 = arith.constant 0 : index
    %swap3A_313 = arith.constant 27 : index
    %swap3A_314 = vector.load %arg6[%swap3A_311, %swap3A_312, %swap3A_313] : memref<1x256x32xf32, #tpu.memory_space<vmem>>, vector<1x256x1xf32>
    %swap3A_315 = vector.shape_cast %swap3A_314 : vector<1x256x1xf32> to vector<256x1xf32>
    %swap3A_316 = vector.shape_cast %broadcast_in_dim3A_310 : vector<256x1xf32> to vector<1x256x1xf32>
    tpu.vector_store %arg6[%swap3A_311, %swap3A_312, %swap3A_313], %swap3A_316 {strides = array<i32>} : memref<1x256x32xf32, #tpu.memory_space<vmem>>, vector<1x256x1xf32>,
    %max3A_317 = arith.maximumf %max3A_306, %broadcast_in_dim3A_310 : vector<256x1xf32>
    %slice3A_318 = vector.extract_strided_slice %add3A_11 {offsets = [0, 3584], sizes = [256, 128], strides = [1, 1]} : vector<256x4096xf32> to vector<256x128xf32>
    %reduce_max3A_319 = arith.constant dense<0xFF800000> : vector<256xf32>
    %reduce_max3A_320 = vector.multi_reduction <maximumf>, %slice3A_318, %reduce_max3A_319 [1] : vector<256x128xf32> to vector<256xf32>
    %broadcast_in_dim3A_321 = vector.shape_cast %reduce_max3A_320 : vector<256xf32> to vector<256x1xf32>
    %swap3A_322 = arith.constant 0 : index
    %swap3A_323 = arith.constant 0 : index
    %swap3A_324 = arith.constant 28 : index
    %swap3A_325 = vector.load %arg6[%swap3A_322, %swap3A_323, %swap3A_324] : memref<1x256x32xf32, #tpu.memory_space<vmem>>, vector<1x256x1xf32>
    %swap3A_326 = vector.shape_cast %swap3A_325 : vector<1x256x1xf32> to vector<256x1xf32>
    %swap3A_327 = vector.shape_cast %broadcast_in_dim3A_321 : vector<256x1xf32> to vector<1x256x1xf32>
    tpu.vector_store %arg6[%swap3A_322, %swap3A_323, %swap3A_324], %swap3A_327 {strides = array<i32>} : memref<1x256x32xf32, #tpu.memory_space<vmem>>, vector<1x256x1xf32>,
    %max3A_328 = arith.maximumf %max3A_317, %broadcast_in_dim3A_321 : vector<256x1xf32>
    %slice3A_329 = vector.extract_strided_slice %add3A_11 {offsets = [0, 3712], sizes = [256, 128], strides = [1, 1]} : vector<256x4096xf32> to vector<256x128xf32>
    %reduce_max3A_330 = arith.constant dense<0xFF800000> : vector<256xf32>
    %reduce_max3A_331 = vector.multi_reduction <maximumf>, %slice3A_329, %reduce_max3A_330 [1] : vector<256x128xf32> to vector<256xf32>
    %broadcast_in_dim3A_332 = vector.shape_cast %reduce_max3A_331 : vector<256xf32> to vector<256x1xf32>
    %swap3A_333 = arith.constant 0 : index
    %swap3A_334 = arith.constant 0 : index
    %swap3A_335 = arith.constant 29 : index
    %swap3A_336 = vector.load %arg6[%swap3A_333, %swap3A_334, %swap3A_335] : memref<1x256x32xf32, #tpu.memory_space<vmem>>, vector<1x256x1xf32>
    %swap3A_337 = vector.shape_cast %swap3A_336 : vector<1x256x1xf32> to vector<256x1xf32>
    %swap3A_338 = vector.shape_cast %broadcast_in_dim3A_332 : vector<256x1xf32> to vector<1x256x1xf32>
    tpu.vector_store %arg6[%swap3A_333, %swap3A_334, %swap3A_335], %swap3A_338 {strides = array<i32>} : memref<1x256x32xf32, #tpu.memory_space<vmem>>, vector<1x256x1xf32>,
    %max3A_339 = arith.maximumf %max3A_328, %broadcast_in_dim3A_332 : vector<256x1xf32>
    %slice3A_340 = vector.extract_strided_slice %add3A_11 {offsets = [0, 3840], sizes = [256, 128], strides = [1, 1]} : vector<256x4096xf32> to vector<256x128xf32>
    %reduce_max3A_341 = arith.constant dense<0xFF800000> : vector<256xf32>
    %reduce_max3A_342 = vector.multi_reduction <maximumf>, %slice3A_340, %reduce_max3A_341 [1] : vector<256x128xf32> to vector<256xf32>
    %broadcast_in_dim3A_343 = vector.shape_cast %reduce_max3A_342 : vector<256xf32> to vector<256x1xf32>
    %swap3A_344 = arith.constant 0 : index
    %swap3A_345 = arith.constant 0 : index
    %swap3A_346 = arith.constant 30 : index
    %swap3A_347 = vector.load %arg6[%swap3A_344, %swap3A_345, %swap3A_346] : memref<1x256x32xf32, #tpu.memory_space<vmem>>, vector<1x256x1xf32>
    %swap3A_348 = vector.shape_cast %swap3A_347 : vector<1x256x1xf32> to vector<256x1xf32>
    %swap3A_349 = vector.shape_cast %broadcast_in_dim3A_343 : vector<256x1xf32> to vector<1x256x1xf32>
    tpu.vector_store %arg6[%swap3A_344, %swap3A_345, %swap3A_346], %swap3A_349 {strides = array<i32>} : memref<1x256x32xf32, #tpu.memory_space<vmem>>, vector<1x256x1xf32>,
    %max3A_350 = arith.maximumf %max3A_339, %broadcast_in_dim3A_343 : vector<256x1xf32>
    %slice3A_351 = vector.extract_strided_slice %add3A_11 {offsets = [0, 3968], sizes = [256, 128], strides = [1, 1]} : vector<256x4096xf32> to vector<256x128xf32>
    %reduce_max3A_352 = arith.constant dense<0xFF800000> : vector<256xf32>
    %reduce_max3A_353 = vector.multi_reduction <maximumf>, %slice3A_351, %reduce_max3A_352 [1] : vector<256x128xf32> to vector<256xf32>
    %broadcast_in_dim3A_354 = vector.shape_cast %reduce_max3A_353 : vector<256xf32> to vector<256x1xf32>
    %swap3A_355 = arith.constant 0 : index
    %swap3A_356 = arith.constant 0 : index
    %swap3A_357 = arith.constant 31 : index
    %swap3A_358 = vector.load %arg6[%swap3A_355, %swap3A_356, %swap3A_357] : memref<1x256x32xf32, #tpu.memory_space<vmem>>, vector<1x256x1xf32>
    %swap3A_359 = vector.shape_cast %swap3A_358 : vector<1x256x1xf32> to vector<256x1xf32>
    %swap3A_360 = vector.shape_cast %broadcast_in_dim3A_354 : vector<256x1xf32> to vector<1x256x1xf32>
    tpu.vector_store %arg6[%swap3A_355, %swap3A_356, %swap3A_357], %swap3A_360 {strides = array<i32>} : memref<1x256x32xf32, #tpu.memory_space<vmem>>, vector<1x256x1xf32>,
    %max3A_361 = arith.maximumf %max3A_350, %broadcast_in_dim3A_354 : vector<256x1xf32>
    %get3A_362 = arith.index_cast %arg1 : i32 to index
    %get3A_363 = arith.constant 0 : index
    %get3A_364 = arith.constant 0 : index
    %get3A_365 = vector.load %arg9[%get3A_362, %get3A_363, %get3A_364] : memref<4x256x1xf32, #tpu.memory_space<vmem>>, vector<1x256x1xf32>
    %get3A_366 = vector.shape_cast %get3A_365 : vector<1x256x1xf32> to vector<256x1xf32>
    %get3A_367 = arith.index_cast %arg1 : i32 to index
    %get3A_368 = arith.constant 0 : index
    %get3A_369 = arith.constant 0 : index
    %get3A_370 = vector.load %arg10[%get3A_367, %get3A_368, %get3A_369] : memref<4x256x1xf32, #tpu.memory_space<vmem>>, vector<1x256x1xf32>
    %get3A_371 = vector.shape_cast %get3A_370 : vector<1x256x1xf32> to vector<256x1xf32>
    %max3A_372 = arith.maximumf %get3A_366, %max3A_361 : vector<256x1xf32>
    %sub3A = arith.subf %get3A_366, %max3A_372 : vector<256x1xf32>
    %exp3A = math.exp %sub3A : vector<256x1xf32>
    %mul3A = arith.mulf %get3A_371, %exp3A : vector<256x1xf32>
    %sub3A_373 = vector.broadcast %max3A_372 : vector<256x1xf32> to vector<256x4096xf32>
    %sub3A_374 = arith.subf %add3A_11, %sub3A_373 : vector<256x4096xf32>
    %exp3A_375 = math.exp %sub3A_374 : vector<256x4096xf32>
    %reduce_sum3A = arith.constant dense<0.000000e+00> : vector<256xf32>
    %reduce_sum3A_376 = vector.multi_reduction <add>, %exp3A_375, %reduce_sum3A [1] : vector<256x4096xf32> to vector<256xf32>
    %broadcast_in_dim3A_377 = vector.shape_cast %reduce_sum3A_376 : vector<256xf32> to vector<256x1xf32>
    %add3A_378 = arith.addf %mul3A, %broadcast_in_dim3A_377 : vector<256x1xf32>
    %swap3A_379 = arith.index_cast %arg1 : i32 to index
    %swap3A_380 = arith.constant 0 : index
    %swap3A_381 = arith.constant 0 : index
    %swap3A_382 = vector.load %arg9[%swap3A_379, %swap3A_380, %swap3A_381] : memref<4x256x1xf32, #tpu.memory_space<vmem>>, vector<1x256x1xf32>
    %swap3A_383 = vector.shape_cast %swap3A_382 : vector<1x256x1xf32> to vector<256x1xf32>
    %swap3A_384 = vector.shape_cast %max3A_372 : vector<256x1xf32> to vector<1x256x1xf32>
    tpu.vector_store %arg9[%swap3A_379, %swap3A_380, %swap3A_381], %swap3A_384 {strides = array<i32>} : memref<4x256x1xf32, #tpu.memory_space<vmem>>, vector<1x256x1xf32>,
    %swap3A_385 = arith.index_cast %arg1 : i32 to index
    %swap3A_386 = arith.constant 0 : index
    %swap3A_387 = arith.constant 0 : index
    %swap3A_388 = vector.load %arg10[%swap3A_385, %swap3A_386, %swap3A_387] : memref<4x256x1xf32, #tpu.memory_space<vmem>>, vector<1x256x1xf32>
    %swap3A_389 = vector.shape_cast %swap3A_388 : vector<1x256x1xf32> to vector<256x1xf32>
    %swap3A_390 = vector.shape_cast %add3A_378 : vector<256x1xf32> to vector<1x256x1xf32>
    tpu.vector_store %arg10[%swap3A_385, %swap3A_386, %swap3A_387], %swap3A_390 {strides = array<i32>} : memref<4x256x1xf32, #tpu.memory_space<vmem>>, vector<1x256x1xf32>,
    %swap3A_391 = arith.constant 0 : index
    %swap3A_392 = arith.constant 0 : index
    %swap3A_393 = arith.constant 0 : index
    %swap3A_394 = vector.load %arg7[%swap3A_391, %swap3A_392, %swap3A_393] : memref<1x256x1xf32, #tpu.memory_space<vmem>>, vector<1x256x1xf32>
    %swap3A_395 = vector.shape_cast %swap3A_394 : vector<1x256x1xf32> to vector<256x1xf32>
    %swap3A_396 = vector.shape_cast %max3A_372 : vector<256x1xf32> to vector<1x256x1xf32>
    tpu.vector_store %arg7[%swap3A_391, %swap3A_392, %swap3A_393], %swap3A_396 {strides = array<i32>} : memref<1x256x1xf32, #tpu.memory_space<vmem>>, vector<1x256x1xf32>,
    %swap3A_397 = arith.constant 0 : index
    %swap3A_398 = arith.constant 0 : index
    %swap3A_399 = arith.constant 0 : index
    %swap3A_400 = vector.load %arg8[%swap3A_397, %swap3A_398, %swap3A_399] : memref<1x256x1xf32, #tpu.memory_space<vmem>>, vector<1x256x1xf32>
    %swap3A_401 = vector.shape_cast %swap3A_400 : vector<1x256x1xf32> to vector<256x1xf32>
    %swap3A_402 = vector.shape_cast %add3A_378 : vector<256x1xf32> to vector<1x256x1xf32>
    tpu.vector_store %arg8[%swap3A_397, %swap3A_398, %swap3A_399], %swap3A_402 {strides = array<i32>} : memref<1x256x1xf32, #tpu.memory_space<vmem>>, vector<1x256x1xf32>,
    return
  }
  func.func @transform_0(%arg0: i32, %arg1: i32) -> (i32, i32) {
    %c0_i32 = arith.constant 0 : i32
    %c0_i32_0 = arith.constant 0 : i32
    return %arg1, %c0_i32 : i32, i32
  }
  func.func @transform_1(%arg0: i32, %arg1: i32) -> (i32, i32) {
    %c0_i32 = arith.constant 0 : i32
    %c0_i32_0 = arith.constant 0 : i32
    return %arg0, %c0_i32 : i32, i32
  }
  func.func @transform_2(%arg0: i32, %arg1: i32) -> (i32, i32) {
    %c0_i32 = arith.constant 0 : i32
    %c0_i32_0 = arith.constant 0 : i32
    return %c0_i32, %arg0 : i32, i32
  }
  func.func @transform_3(%arg0: i32, %arg1: i32) -> (i32, i32, i32) {
    %c0_i32 = arith.constant 0 : i32
    %c0_i32_0 = arith.constant 0 : i32
    return %arg1, %arg0, %c0_i32 : i32, i32, i32
  }
  func.func @transform_4(%arg0: i32, %arg1: i32) -> (i32, i32, i32) {
    %c0_i32 = arith.constant 0 : i32
    %c0_i32_0 = arith.constant 0 : i32
    return %arg0, %arg1, %c0_i32 : i32, i32, i32
  }
  func.func @transform_5(%arg0: i32, %arg1: i32) -> (i32, i32, i32) {
    %c0_i32 = arith.constant 0 : i32
    %c0_i32_0 = arith.constant 0 : i32
    return %arg0, %arg1, %c0_i32 : i32, i32, i32
  }
  func.func @transform_6(%arg0: i32, %arg1: i32) -> (i32, i32, i32) {
    %c0_i32 = arith.constant 0 : i32
    %c0_i32_0 = arith.constant 0 : i32
    return %arg0, %arg1, %c0_i32 : i32, i32, i32
  }
}

module attributes {stable_mosaic.version = 14 : i64} {
  func.func @_chunk_topk_kernel(%arg0: i32, %arg1: memref<256x800xf32, #tpu.memory_space<vmem>>, %arg2: memref<256x20xi32, #tpu.memory_space<vmem>>) attributes {dimension_semantics = [#tpu.dimension_semantics<arbitrary>], iteration_bounds = array<i64: 4>, scalar_prefetch = 0 : i64, scratch_operands = 0 : i64, tpu.core_type = #tpu.core_type<tc>, window_params = [{transform_indices = @transform_0, window_bounds = array<i64: 256, 800>}, {transform_indices = @transform_1, window_bounds = array<i64: 256, 20>}]} {
    %get3A = arith.constant 0 : index
    %get3A_0 = arith.constant 0 : index
    %get3A_1 = vector.load %arg1[%get3A, %get3A_0] : memref<256x800xf32, #tpu.memory_space<vmem>>, vector<256x800xf32>
    %iota3A = tpu.iota {dimensions = array<i32: 1>} : vector<256x800xi32>
    %reduce_max3A = arith.constant dense<0xFF800000> : vector<256xf32>
    %reduce_max3A_2 = vector.multi_reduction <maximumf>, %get3A_1, %reduce_max3A [1] : vector<256x800xf32> to vector<256xf32>
    %broadcast_in_dim3A = vector.shape_cast %reduce_max3A_2 : vector<256xf32> to vector<256x1xf32>
    %eq3A = vector.broadcast %broadcast_in_dim3A : vector<256x1xf32> to vector<256x800xf32>
    %eq3A_3 = arith.cmpf oeq, %get3A_1, %eq3A : vector<256x800xf32>
    %jit3A = arith.constant 800 : i32
    %broadcast_in_dim3A_4 = vector.broadcast %jit3A : i32 to vector<256x800xi32>
    %select_n3A = arith.select %eq3A_3, %iota3A, %broadcast_in_dim3A_4 : vector<256x800xi1>, vector<256x800xi32>
    %reduce_min3A = arith.constant dense<2147483647> : vector<256xi32>
    %reduce_min3A_5 = vector.multi_reduction <minsi>, %select_n3A, %reduce_min3A [1] : vector<256x800xi32> to vector<256xi32>
    %broadcast_in_dim3A_6 = vector.shape_cast %reduce_min3A_5 : vector<256xi32> to vector<256x1xi32>
    %swap3A = arith.constant 0 : index
    %swap3A_7 = arith.constant 0 : index
    %swap3A_8 = vector.load %arg2[%swap3A, %swap3A_7] : memref<256x20xi32, #tpu.memory_space<vmem>>, vector<256x1xi32>
    tpu.vector_store %arg2[%swap3A, %swap3A_7], %broadcast_in_dim3A_6 {strides = array<i32>} : memref<256x20xi32, #tpu.memory_space<vmem>>, vector<256x1xi32>,
    %eq3A_9 = vector.broadcast %broadcast_in_dim3A_6 : vector<256x1xi32> to vector<256x800xi32>
    %eq3A_10 = arith.cmpi eq, %iota3A, %eq3A_9 : vector<256x800xi32>
    %jit3A_11 = arith.constant 0xFF800000 : f32
    %broadcast_in_dim3A_12 = vector.broadcast %jit3A_11 : f32 to vector<256x800xf32>
    %select_n3A_13 = arith.select %eq3A_10, %broadcast_in_dim3A_12, %get3A_1 : vector<256x800xi1>, vector<256x800xf32>
    %reduce_max3A_14 = arith.constant dense<0xFF800000> : vector<256xf32>
    %reduce_max3A_15 = vector.multi_reduction <maximumf>, %select_n3A_13, %reduce_max3A_14 [1] : vector<256x800xf32> to vector<256xf32>
    %broadcast_in_dim3A_16 = vector.shape_cast %reduce_max3A_15 : vector<256xf32> to vector<256x1xf32>
    %eq3A_17 = vector.broadcast %broadcast_in_dim3A_16 : vector<256x1xf32> to vector<256x800xf32>
    %eq3A_18 = arith.cmpf oeq, %select_n3A_13, %eq3A_17 : vector<256x800xf32>
    %jit3A_19 = arith.constant 800 : i32
    %broadcast_in_dim3A_20 = vector.broadcast %jit3A_19 : i32 to vector<256x800xi32>
    %select_n3A_21 = arith.select %eq3A_18, %iota3A, %broadcast_in_dim3A_20 : vector<256x800xi1>, vector<256x800xi32>
    %reduce_min3A_22 = arith.constant dense<2147483647> : vector<256xi32>
    %reduce_min3A_23 = vector.multi_reduction <minsi>, %select_n3A_21, %reduce_min3A_22 [1] : vector<256x800xi32> to vector<256xi32>
    %broadcast_in_dim3A_24 = vector.shape_cast %reduce_min3A_23 : vector<256xi32> to vector<256x1xi32>
    %swap3A_25 = arith.constant 0 : index
    %swap3A_26 = arith.constant 1 : index
    %swap3A_27 = vector.load %arg2[%swap3A_25, %swap3A_26] : memref<256x20xi32, #tpu.memory_space<vmem>>, vector<256x1xi32>
    tpu.vector_store %arg2[%swap3A_25, %swap3A_26], %broadcast_in_dim3A_24 {strides = array<i32>} : memref<256x20xi32, #tpu.memory_space<vmem>>, vector<256x1xi32>,
    %eq3A_28 = vector.broadcast %broadcast_in_dim3A_24 : vector<256x1xi32> to vector<256x800xi32>
    %eq3A_29 = arith.cmpi eq, %iota3A, %eq3A_28 : vector<256x800xi32>
    %jit3A_30 = arith.constant 0xFF800000 : f32
    %broadcast_in_dim3A_31 = vector.broadcast %jit3A_30 : f32 to vector<256x800xf32>
    %select_n3A_32 = arith.select %eq3A_29, %broadcast_in_dim3A_31, %select_n3A_13 : vector<256x800xi1>, vector<256x800xf32>
    %reduce_max3A_33 = arith.constant dense<0xFF800000> : vector<256xf32>
    %reduce_max3A_34 = vector.multi_reduction <maximumf>, %select_n3A_32, %reduce_max3A_33 [1] : vector<256x800xf32> to vector<256xf32>
    %broadcast_in_dim3A_35 = vector.shape_cast %reduce_max3A_34 : vector<256xf32> to vector<256x1xf32>
    %eq3A_36 = vector.broadcast %broadcast_in_dim3A_35 : vector<256x1xf32> to vector<256x800xf32>
    %eq3A_37 = arith.cmpf oeq, %select_n3A_32, %eq3A_36 : vector<256x800xf32>
    %jit3A_38 = arith.constant 800 : i32
    %broadcast_in_dim3A_39 = vector.broadcast %jit3A_38 : i32 to vector<256x800xi32>
    %select_n3A_40 = arith.select %eq3A_37, %iota3A, %broadcast_in_dim3A_39 : vector<256x800xi1>, vector<256x800xi32>
    %reduce_min3A_41 = arith.constant dense<2147483647> : vector<256xi32>
    %reduce_min3A_42 = vector.multi_reduction <minsi>, %select_n3A_40, %reduce_min3A_41 [1] : vector<256x800xi32> to vector<256xi32>
    %broadcast_in_dim3A_43 = vector.shape_cast %reduce_min3A_42 : vector<256xi32> to vector<256x1xi32>
    %swap3A_44 = arith.constant 0 : index
    %swap3A_45 = arith.constant 2 : index
    %swap3A_46 = vector.load %arg2[%swap3A_44, %swap3A_45] : memref<256x20xi32, #tpu.memory_space<vmem>>, vector<256x1xi32>
    tpu.vector_store %arg2[%swap3A_44, %swap3A_45], %broadcast_in_dim3A_43 {strides = array<i32>} : memref<256x20xi32, #tpu.memory_space<vmem>>, vector<256x1xi32>,
    %eq3A_47 = vector.broadcast %broadcast_in_dim3A_43 : vector<256x1xi32> to vector<256x800xi32>
    %eq3A_48 = arith.cmpi eq, %iota3A, %eq3A_47 : vector<256x800xi32>
    %jit3A_49 = arith.constant 0xFF800000 : f32
    %broadcast_in_dim3A_50 = vector.broadcast %jit3A_49 : f32 to vector<256x800xf32>
    %select_n3A_51 = arith.select %eq3A_48, %broadcast_in_dim3A_50, %select_n3A_32 : vector<256x800xi1>, vector<256x800xf32>
    %reduce_max3A_52 = arith.constant dense<0xFF800000> : vector<256xf32>
    %reduce_max3A_53 = vector.multi_reduction <maximumf>, %select_n3A_51, %reduce_max3A_52 [1] : vector<256x800xf32> to vector<256xf32>
    %broadcast_in_dim3A_54 = vector.shape_cast %reduce_max3A_53 : vector<256xf32> to vector<256x1xf32>
    %eq3A_55 = vector.broadcast %broadcast_in_dim3A_54 : vector<256x1xf32> to vector<256x800xf32>
    %eq3A_56 = arith.cmpf oeq, %select_n3A_51, %eq3A_55 : vector<256x800xf32>
    %jit3A_57 = arith.constant 800 : i32
    %broadcast_in_dim3A_58 = vector.broadcast %jit3A_57 : i32 to vector<256x800xi32>
    %select_n3A_59 = arith.select %eq3A_56, %iota3A, %broadcast_in_dim3A_58 : vector<256x800xi1>, vector<256x800xi32>
    %reduce_min3A_60 = arith.constant dense<2147483647> : vector<256xi32>
    %reduce_min3A_61 = vector.multi_reduction <minsi>, %select_n3A_59, %reduce_min3A_60 [1] : vector<256x800xi32> to vector<256xi32>
    %broadcast_in_dim3A_62 = vector.shape_cast %reduce_min3A_61 : vector<256xi32> to vector<256x1xi32>
    %swap3A_63 = arith.constant 0 : index
    %swap3A_64 = arith.constant 3 : index
    %swap3A_65 = vector.load %arg2[%swap3A_63, %swap3A_64] : memref<256x20xi32, #tpu.memory_space<vmem>>, vector<256x1xi32>
    tpu.vector_store %arg2[%swap3A_63, %swap3A_64], %broadcast_in_dim3A_62 {strides = array<i32>} : memref<256x20xi32, #tpu.memory_space<vmem>>, vector<256x1xi32>,
    %eq3A_66 = vector.broadcast %broadcast_in_dim3A_62 : vector<256x1xi32> to vector<256x800xi32>
    %eq3A_67 = arith.cmpi eq, %iota3A, %eq3A_66 : vector<256x800xi32>
    %jit3A_68 = arith.constant 0xFF800000 : f32
    %broadcast_in_dim3A_69 = vector.broadcast %jit3A_68 : f32 to vector<256x800xf32>
    %select_n3A_70 = arith.select %eq3A_67, %broadcast_in_dim3A_69, %select_n3A_51 : vector<256x800xi1>, vector<256x800xf32>
    %reduce_max3A_71 = arith.constant dense<0xFF800000> : vector<256xf32>
    %reduce_max3A_72 = vector.multi_reduction <maximumf>, %select_n3A_70, %reduce_max3A_71 [1] : vector<256x800xf32> to vector<256xf32>
    %broadcast_in_dim3A_73 = vector.shape_cast %reduce_max3A_72 : vector<256xf32> to vector<256x1xf32>
    %eq3A_74 = vector.broadcast %broadcast_in_dim3A_73 : vector<256x1xf32> to vector<256x800xf32>
    %eq3A_75 = arith.cmpf oeq, %select_n3A_70, %eq3A_74 : vector<256x800xf32>
    %jit3A_76 = arith.constant 800 : i32
    %broadcast_in_dim3A_77 = vector.broadcast %jit3A_76 : i32 to vector<256x800xi32>
    %select_n3A_78 = arith.select %eq3A_75, %iota3A, %broadcast_in_dim3A_77 : vector<256x800xi1>, vector<256x800xi32>
    %reduce_min3A_79 = arith.constant dense<2147483647> : vector<256xi32>
    %reduce_min3A_80 = vector.multi_reduction <minsi>, %select_n3A_78, %reduce_min3A_79 [1] : vector<256x800xi32> to vector<256xi32>
    %broadcast_in_dim3A_81 = vector.shape_cast %reduce_min3A_80 : vector<256xi32> to vector<256x1xi32>
    %swap3A_82 = arith.constant 0 : index
    %swap3A_83 = arith.constant 4 : index
    %swap3A_84 = vector.load %arg2[%swap3A_82, %swap3A_83] : memref<256x20xi32, #tpu.memory_space<vmem>>, vector<256x1xi32>
    tpu.vector_store %arg2[%swap3A_82, %swap3A_83], %broadcast_in_dim3A_81 {strides = array<i32>} : memref<256x20xi32, #tpu.memory_space<vmem>>, vector<256x1xi32>,
    %eq3A_85 = vector.broadcast %broadcast_in_dim3A_81 : vector<256x1xi32> to vector<256x800xi32>
    %eq3A_86 = arith.cmpi eq, %iota3A, %eq3A_85 : vector<256x800xi32>
    %jit3A_87 = arith.constant 0xFF800000 : f32
    %broadcast_in_dim3A_88 = vector.broadcast %jit3A_87 : f32 to vector<256x800xf32>
    %select_n3A_89 = arith.select %eq3A_86, %broadcast_in_dim3A_88, %select_n3A_70 : vector<256x800xi1>, vector<256x800xf32>
    %reduce_max3A_90 = arith.constant dense<0xFF800000> : vector<256xf32>
    %reduce_max3A_91 = vector.multi_reduction <maximumf>, %select_n3A_89, %reduce_max3A_90 [1] : vector<256x800xf32> to vector<256xf32>
    %broadcast_in_dim3A_92 = vector.shape_cast %reduce_max3A_91 : vector<256xf32> to vector<256x1xf32>
    %eq3A_93 = vector.broadcast %broadcast_in_dim3A_92 : vector<256x1xf32> to vector<256x800xf32>
    %eq3A_94 = arith.cmpf oeq, %select_n3A_89, %eq3A_93 : vector<256x800xf32>
    %jit3A_95 = arith.constant 800 : i32
    %broadcast_in_dim3A_96 = vector.broadcast %jit3A_95 : i32 to vector<256x800xi32>
    %select_n3A_97 = arith.select %eq3A_94, %iota3A, %broadcast_in_dim3A_96 : vector<256x800xi1>, vector<256x800xi32>
    %reduce_min3A_98 = arith.constant dense<2147483647> : vector<256xi32>
    %reduce_min3A_99 = vector.multi_reduction <minsi>, %select_n3A_97, %reduce_min3A_98 [1] : vector<256x800xi32> to vector<256xi32>
    %broadcast_in_dim3A_100 = vector.shape_cast %reduce_min3A_99 : vector<256xi32> to vector<256x1xi32>
    %swap3A_101 = arith.constant 0 : index
    %swap3A_102 = arith.constant 5 : index
    %swap3A_103 = vector.load %arg2[%swap3A_101, %swap3A_102] : memref<256x20xi32, #tpu.memory_space<vmem>>, vector<256x1xi32>
    tpu.vector_store %arg2[%swap3A_101, %swap3A_102], %broadcast_in_dim3A_100 {strides = array<i32>} : memref<256x20xi32, #tpu.memory_space<vmem>>, vector<256x1xi32>,
    %eq3A_104 = vector.broadcast %broadcast_in_dim3A_100 : vector<256x1xi32> to vector<256x800xi32>
    %eq3A_105 = arith.cmpi eq, %iota3A, %eq3A_104 : vector<256x800xi32>
    %jit3A_106 = arith.constant 0xFF800000 : f32
    %broadcast_in_dim3A_107 = vector.broadcast %jit3A_106 : f32 to vector<256x800xf32>
    %select_n3A_108 = arith.select %eq3A_105, %broadcast_in_dim3A_107, %select_n3A_89 : vector<256x800xi1>, vector<256x800xf32>
    %reduce_max3A_109 = arith.constant dense<0xFF800000> : vector<256xf32>
    %reduce_max3A_110 = vector.multi_reduction <maximumf>, %select_n3A_108, %reduce_max3A_109 [1] : vector<256x800xf32> to vector<256xf32>
    %broadcast_in_dim3A_111 = vector.shape_cast %reduce_max3A_110 : vector<256xf32> to vector<256x1xf32>
    %eq3A_112 = vector.broadcast %broadcast_in_dim3A_111 : vector<256x1xf32> to vector<256x800xf32>
    %eq3A_113 = arith.cmpf oeq, %select_n3A_108, %eq3A_112 : vector<256x800xf32>
    %jit3A_114 = arith.constant 800 : i32
    %broadcast_in_dim3A_115 = vector.broadcast %jit3A_114 : i32 to vector<256x800xi32>
    %select_n3A_116 = arith.select %eq3A_113, %iota3A, %broadcast_in_dim3A_115 : vector<256x800xi1>, vector<256x800xi32>
    %reduce_min3A_117 = arith.constant dense<2147483647> : vector<256xi32>
    %reduce_min3A_118 = vector.multi_reduction <minsi>, %select_n3A_116, %reduce_min3A_117 [1] : vector<256x800xi32> to vector<256xi32>
    %broadcast_in_dim3A_119 = vector.shape_cast %reduce_min3A_118 : vector<256xi32> to vector<256x1xi32>
    %swap3A_120 = arith.constant 0 : index
    %swap3A_121 = arith.constant 6 : index
    %swap3A_122 = vector.load %arg2[%swap3A_120, %swap3A_121] : memref<256x20xi32, #tpu.memory_space<vmem>>, vector<256x1xi32>
    tpu.vector_store %arg2[%swap3A_120, %swap3A_121], %broadcast_in_dim3A_119 {strides = array<i32>} : memref<256x20xi32, #tpu.memory_space<vmem>>, vector<256x1xi32>,
    %eq3A_123 = vector.broadcast %broadcast_in_dim3A_119 : vector<256x1xi32> to vector<256x800xi32>
    %eq3A_124 = arith.cmpi eq, %iota3A, %eq3A_123 : vector<256x800xi32>
    %jit3A_125 = arith.constant 0xFF800000 : f32
    %broadcast_in_dim3A_126 = vector.broadcast %jit3A_125 : f32 to vector<256x800xf32>
    %select_n3A_127 = arith.select %eq3A_124, %broadcast_in_dim3A_126, %select_n3A_108 : vector<256x800xi1>, vector<256x800xf32>
    %reduce_max3A_128 = arith.constant dense<0xFF800000> : vector<256xf32>
    %reduce_max3A_129 = vector.multi_reduction <maximumf>, %select_n3A_127, %reduce_max3A_128 [1] : vector<256x800xf32> to vector<256xf32>
    %broadcast_in_dim3A_130 = vector.shape_cast %reduce_max3A_129 : vector<256xf32> to vector<256x1xf32>
    %eq3A_131 = vector.broadcast %broadcast_in_dim3A_130 : vector<256x1xf32> to vector<256x800xf32>
    %eq3A_132 = arith.cmpf oeq, %select_n3A_127, %eq3A_131 : vector<256x800xf32>
    %jit3A_133 = arith.constant 800 : i32
    %broadcast_in_dim3A_134 = vector.broadcast %jit3A_133 : i32 to vector<256x800xi32>
    %select_n3A_135 = arith.select %eq3A_132, %iota3A, %broadcast_in_dim3A_134 : vector<256x800xi1>, vector<256x800xi32>
    %reduce_min3A_136 = arith.constant dense<2147483647> : vector<256xi32>
    %reduce_min3A_137 = vector.multi_reduction <minsi>, %select_n3A_135, %reduce_min3A_136 [1] : vector<256x800xi32> to vector<256xi32>
    %broadcast_in_dim3A_138 = vector.shape_cast %reduce_min3A_137 : vector<256xi32> to vector<256x1xi32>
    %swap3A_139 = arith.constant 0 : index
    %swap3A_140 = arith.constant 7 : index
    %swap3A_141 = vector.load %arg2[%swap3A_139, %swap3A_140] : memref<256x20xi32, #tpu.memory_space<vmem>>, vector<256x1xi32>
    tpu.vector_store %arg2[%swap3A_139, %swap3A_140], %broadcast_in_dim3A_138 {strides = array<i32>} : memref<256x20xi32, #tpu.memory_space<vmem>>, vector<256x1xi32>,
    %eq3A_142 = vector.broadcast %broadcast_in_dim3A_138 : vector<256x1xi32> to vector<256x800xi32>
    %eq3A_143 = arith.cmpi eq, %iota3A, %eq3A_142 : vector<256x800xi32>
    %jit3A_144 = arith.constant 0xFF800000 : f32
    %broadcast_in_dim3A_145 = vector.broadcast %jit3A_144 : f32 to vector<256x800xf32>
    %select_n3A_146 = arith.select %eq3A_143, %broadcast_in_dim3A_145, %select_n3A_127 : vector<256x800xi1>, vector<256x800xf32>
    %reduce_max3A_147 = arith.constant dense<0xFF800000> : vector<256xf32>
    %reduce_max3A_148 = vector.multi_reduction <maximumf>, %select_n3A_146, %reduce_max3A_147 [1] : vector<256x800xf32> to vector<256xf32>
    %broadcast_in_dim3A_149 = vector.shape_cast %reduce_max3A_148 : vector<256xf32> to vector<256x1xf32>
    %eq3A_150 = vector.broadcast %broadcast_in_dim3A_149 : vector<256x1xf32> to vector<256x800xf32>
    %eq3A_151 = arith.cmpf oeq, %select_n3A_146, %eq3A_150 : vector<256x800xf32>
    %jit3A_152 = arith.constant 800 : i32
    %broadcast_in_dim3A_153 = vector.broadcast %jit3A_152 : i32 to vector<256x800xi32>
    %select_n3A_154 = arith.select %eq3A_151, %iota3A, %broadcast_in_dim3A_153 : vector<256x800xi1>, vector<256x800xi32>
    %reduce_min3A_155 = arith.constant dense<2147483647> : vector<256xi32>
    %reduce_min3A_156 = vector.multi_reduction <minsi>, %select_n3A_154, %reduce_min3A_155 [1] : vector<256x800xi32> to vector<256xi32>
    %broadcast_in_dim3A_157 = vector.shape_cast %reduce_min3A_156 : vector<256xi32> to vector<256x1xi32>
    %swap3A_158 = arith.constant 0 : index
    %swap3A_159 = arith.constant 8 : index
    %swap3A_160 = vector.load %arg2[%swap3A_158, %swap3A_159] : memref<256x20xi32, #tpu.memory_space<vmem>>, vector<256x1xi32>
    tpu.vector_store %arg2[%swap3A_158, %swap3A_159], %broadcast_in_dim3A_157 {strides = array<i32>} : memref<256x20xi32, #tpu.memory_space<vmem>>, vector<256x1xi32>,
    %eq3A_161 = vector.broadcast %broadcast_in_dim3A_157 : vector<256x1xi32> to vector<256x800xi32>
    %eq3A_162 = arith.cmpi eq, %iota3A, %eq3A_161 : vector<256x800xi32>
    %jit3A_163 = arith.constant 0xFF800000 : f32
    %broadcast_in_dim3A_164 = vector.broadcast %jit3A_163 : f32 to vector<256x800xf32>
    %select_n3A_165 = arith.select %eq3A_162, %broadcast_in_dim3A_164, %select_n3A_146 : vector<256x800xi1>, vector<256x800xf32>
    %reduce_max3A_166 = arith.constant dense<0xFF800000> : vector<256xf32>
    %reduce_max3A_167 = vector.multi_reduction <maximumf>, %select_n3A_165, %reduce_max3A_166 [1] : vector<256x800xf32> to vector<256xf32>
    %broadcast_in_dim3A_168 = vector.shape_cast %reduce_max3A_167 : vector<256xf32> to vector<256x1xf32>
    %eq3A_169 = vector.broadcast %broadcast_in_dim3A_168 : vector<256x1xf32> to vector<256x800xf32>
    %eq3A_170 = arith.cmpf oeq, %select_n3A_165, %eq3A_169 : vector<256x800xf32>
    %jit3A_171 = arith.constant 800 : i32
    %broadcast_in_dim3A_172 = vector.broadcast %jit3A_171 : i32 to vector<256x800xi32>
    %select_n3A_173 = arith.select %eq3A_170, %iota3A, %broadcast_in_dim3A_172 : vector<256x800xi1>, vector<256x800xi32>
    %reduce_min3A_174 = arith.constant dense<2147483647> : vector<256xi32>
    %reduce_min3A_175 = vector.multi_reduction <minsi>, %select_n3A_173, %reduce_min3A_174 [1] : vector<256x800xi32> to vector<256xi32>
    %broadcast_in_dim3A_176 = vector.shape_cast %reduce_min3A_175 : vector<256xi32> to vector<256x1xi32>
    %swap3A_177 = arith.constant 0 : index
    %swap3A_178 = arith.constant 9 : index
    %swap3A_179 = vector.load %arg2[%swap3A_177, %swap3A_178] : memref<256x20xi32, #tpu.memory_space<vmem>>, vector<256x1xi32>
    tpu.vector_store %arg2[%swap3A_177, %swap3A_178], %broadcast_in_dim3A_176 {strides = array<i32>} : memref<256x20xi32, #tpu.memory_space<vmem>>, vector<256x1xi32>,
    %eq3A_180 = vector.broadcast %broadcast_in_dim3A_176 : vector<256x1xi32> to vector<256x800xi32>
    %eq3A_181 = arith.cmpi eq, %iota3A, %eq3A_180 : vector<256x800xi32>
    %jit3A_182 = arith.constant 0xFF800000 : f32
    %broadcast_in_dim3A_183 = vector.broadcast %jit3A_182 : f32 to vector<256x800xf32>
    %select_n3A_184 = arith.select %eq3A_181, %broadcast_in_dim3A_183, %select_n3A_165 : vector<256x800xi1>, vector<256x800xf32>
    %reduce_max3A_185 = arith.constant dense<0xFF800000> : vector<256xf32>
    %reduce_max3A_186 = vector.multi_reduction <maximumf>, %select_n3A_184, %reduce_max3A_185 [1] : vector<256x800xf32> to vector<256xf32>
    %broadcast_in_dim3A_187 = vector.shape_cast %reduce_max3A_186 : vector<256xf32> to vector<256x1xf32>
    %eq3A_188 = vector.broadcast %broadcast_in_dim3A_187 : vector<256x1xf32> to vector<256x800xf32>
    %eq3A_189 = arith.cmpf oeq, %select_n3A_184, %eq3A_188 : vector<256x800xf32>
    %jit3A_190 = arith.constant 800 : i32
    %broadcast_in_dim3A_191 = vector.broadcast %jit3A_190 : i32 to vector<256x800xi32>
    %select_n3A_192 = arith.select %eq3A_189, %iota3A, %broadcast_in_dim3A_191 : vector<256x800xi1>, vector<256x800xi32>
    %reduce_min3A_193 = arith.constant dense<2147483647> : vector<256xi32>
    %reduce_min3A_194 = vector.multi_reduction <minsi>, %select_n3A_192, %reduce_min3A_193 [1] : vector<256x800xi32> to vector<256xi32>
    %broadcast_in_dim3A_195 = vector.shape_cast %reduce_min3A_194 : vector<256xi32> to vector<256x1xi32>
    %swap3A_196 = arith.constant 0 : index
    %swap3A_197 = arith.constant 10 : index
    %swap3A_198 = vector.load %arg2[%swap3A_196, %swap3A_197] : memref<256x20xi32, #tpu.memory_space<vmem>>, vector<256x1xi32>
    tpu.vector_store %arg2[%swap3A_196, %swap3A_197], %broadcast_in_dim3A_195 {strides = array<i32>} : memref<256x20xi32, #tpu.memory_space<vmem>>, vector<256x1xi32>,
    %eq3A_199 = vector.broadcast %broadcast_in_dim3A_195 : vector<256x1xi32> to vector<256x800xi32>
    %eq3A_200 = arith.cmpi eq, %iota3A, %eq3A_199 : vector<256x800xi32>
    %jit3A_201 = arith.constant 0xFF800000 : f32
    %broadcast_in_dim3A_202 = vector.broadcast %jit3A_201 : f32 to vector<256x800xf32>
    %select_n3A_203 = arith.select %eq3A_200, %broadcast_in_dim3A_202, %select_n3A_184 : vector<256x800xi1>, vector<256x800xf32>
    %reduce_max3A_204 = arith.constant dense<0xFF800000> : vector<256xf32>
    %reduce_max3A_205 = vector.multi_reduction <maximumf>, %select_n3A_203, %reduce_max3A_204 [1] : vector<256x800xf32> to vector<256xf32>
    %broadcast_in_dim3A_206 = vector.shape_cast %reduce_max3A_205 : vector<256xf32> to vector<256x1xf32>
    %eq3A_207 = vector.broadcast %broadcast_in_dim3A_206 : vector<256x1xf32> to vector<256x800xf32>
    %eq3A_208 = arith.cmpf oeq, %select_n3A_203, %eq3A_207 : vector<256x800xf32>
    %jit3A_209 = arith.constant 800 : i32
    %broadcast_in_dim3A_210 = vector.broadcast %jit3A_209 : i32 to vector<256x800xi32>
    %select_n3A_211 = arith.select %eq3A_208, %iota3A, %broadcast_in_dim3A_210 : vector<256x800xi1>, vector<256x800xi32>
    %reduce_min3A_212 = arith.constant dense<2147483647> : vector<256xi32>
    %reduce_min3A_213 = vector.multi_reduction <minsi>, %select_n3A_211, %reduce_min3A_212 [1] : vector<256x800xi32> to vector<256xi32>
    %broadcast_in_dim3A_214 = vector.shape_cast %reduce_min3A_213 : vector<256xi32> to vector<256x1xi32>
    %swap3A_215 = arith.constant 0 : index
    %swap3A_216 = arith.constant 11 : index
    %swap3A_217 = vector.load %arg2[%swap3A_215, %swap3A_216] : memref<256x20xi32, #tpu.memory_space<vmem>>, vector<256x1xi32>
    tpu.vector_store %arg2[%swap3A_215, %swap3A_216], %broadcast_in_dim3A_214 {strides = array<i32>} : memref<256x20xi32, #tpu.memory_space<vmem>>, vector<256x1xi32>,
    %eq3A_218 = vector.broadcast %broadcast_in_dim3A_214 : vector<256x1xi32> to vector<256x800xi32>
    %eq3A_219 = arith.cmpi eq, %iota3A, %eq3A_218 : vector<256x800xi32>
    %jit3A_220 = arith.constant 0xFF800000 : f32
    %broadcast_in_dim3A_221 = vector.broadcast %jit3A_220 : f32 to vector<256x800xf32>
    %select_n3A_222 = arith.select %eq3A_219, %broadcast_in_dim3A_221, %select_n3A_203 : vector<256x800xi1>, vector<256x800xf32>
    %reduce_max3A_223 = arith.constant dense<0xFF800000> : vector<256xf32>
    %reduce_max3A_224 = vector.multi_reduction <maximumf>, %select_n3A_222, %reduce_max3A_223 [1] : vector<256x800xf32> to vector<256xf32>
    %broadcast_in_dim3A_225 = vector.shape_cast %reduce_max3A_224 : vector<256xf32> to vector<256x1xf32>
    %eq3A_226 = vector.broadcast %broadcast_in_dim3A_225 : vector<256x1xf32> to vector<256x800xf32>
    %eq3A_227 = arith.cmpf oeq, %select_n3A_222, %eq3A_226 : vector<256x800xf32>
    %jit3A_228 = arith.constant 800 : i32
    %broadcast_in_dim3A_229 = vector.broadcast %jit3A_228 : i32 to vector<256x800xi32>
    %select_n3A_230 = arith.select %eq3A_227, %iota3A, %broadcast_in_dim3A_229 : vector<256x800xi1>, vector<256x800xi32>
    %reduce_min3A_231 = arith.constant dense<2147483647> : vector<256xi32>
    %reduce_min3A_232 = vector.multi_reduction <minsi>, %select_n3A_230, %reduce_min3A_231 [1] : vector<256x800xi32> to vector<256xi32>
    %broadcast_in_dim3A_233 = vector.shape_cast %reduce_min3A_232 : vector<256xi32> to vector<256x1xi32>
    %swap3A_234 = arith.constant 0 : index
    %swap3A_235 = arith.constant 12 : index
    %swap3A_236 = vector.load %arg2[%swap3A_234, %swap3A_235] : memref<256x20xi32, #tpu.memory_space<vmem>>, vector<256x1xi32>
    tpu.vector_store %arg2[%swap3A_234, %swap3A_235], %broadcast_in_dim3A_233 {strides = array<i32>} : memref<256x20xi32, #tpu.memory_space<vmem>>, vector<256x1xi32>,
    %eq3A_237 = vector.broadcast %broadcast_in_dim3A_233 : vector<256x1xi32> to vector<256x800xi32>
    %eq3A_238 = arith.cmpi eq, %iota3A, %eq3A_237 : vector<256x800xi32>
    %jit3A_239 = arith.constant 0xFF800000 : f32
    %broadcast_in_dim3A_240 = vector.broadcast %jit3A_239 : f32 to vector<256x800xf32>
    %select_n3A_241 = arith.select %eq3A_238, %broadcast_in_dim3A_240, %select_n3A_222 : vector<256x800xi1>, vector<256x800xf32>
    %reduce_max3A_242 = arith.constant dense<0xFF800000> : vector<256xf32>
    %reduce_max3A_243 = vector.multi_reduction <maximumf>, %select_n3A_241, %reduce_max3A_242 [1] : vector<256x800xf32> to vector<256xf32>
    %broadcast_in_dim3A_244 = vector.shape_cast %reduce_max3A_243 : vector<256xf32> to vector<256x1xf32>
    %eq3A_245 = vector.broadcast %broadcast_in_dim3A_244 : vector<256x1xf32> to vector<256x800xf32>
    %eq3A_246 = arith.cmpf oeq, %select_n3A_241, %eq3A_245 : vector<256x800xf32>
    %jit3A_247 = arith.constant 800 : i32
    %broadcast_in_dim3A_248 = vector.broadcast %jit3A_247 : i32 to vector<256x800xi32>
    %select_n3A_249 = arith.select %eq3A_246, %iota3A, %broadcast_in_dim3A_248 : vector<256x800xi1>, vector<256x800xi32>
    %reduce_min3A_250 = arith.constant dense<2147483647> : vector<256xi32>
    %reduce_min3A_251 = vector.multi_reduction <minsi>, %select_n3A_249, %reduce_min3A_250 [1] : vector<256x800xi32> to vector<256xi32>
    %broadcast_in_dim3A_252 = vector.shape_cast %reduce_min3A_251 : vector<256xi32> to vector<256x1xi32>
    %swap3A_253 = arith.constant 0 : index
    %swap3A_254 = arith.constant 13 : index
    %swap3A_255 = vector.load %arg2[%swap3A_253, %swap3A_254] : memref<256x20xi32, #tpu.memory_space<vmem>>, vector<256x1xi32>
    tpu.vector_store %arg2[%swap3A_253, %swap3A_254], %broadcast_in_dim3A_252 {strides = array<i32>} : memref<256x20xi32, #tpu.memory_space<vmem>>, vector<256x1xi32>,
    %eq3A_256 = vector.broadcast %broadcast_in_dim3A_252 : vector<256x1xi32> to vector<256x800xi32>
    %eq3A_257 = arith.cmpi eq, %iota3A, %eq3A_256 : vector<256x800xi32>
    %jit3A_258 = arith.constant 0xFF800000 : f32
    %broadcast_in_dim3A_259 = vector.broadcast %jit3A_258 : f32 to vector<256x800xf32>
    %select_n3A_260 = arith.select %eq3A_257, %broadcast_in_dim3A_259, %select_n3A_241 : vector<256x800xi1>, vector<256x800xf32>
    %reduce_max3A_261 = arith.constant dense<0xFF800000> : vector<256xf32>
    %reduce_max3A_262 = vector.multi_reduction <maximumf>, %select_n3A_260, %reduce_max3A_261 [1] : vector<256x800xf32> to vector<256xf32>
    %broadcast_in_dim3A_263 = vector.shape_cast %reduce_max3A_262 : vector<256xf32> to vector<256x1xf32>
    %eq3A_264 = vector.broadcast %broadcast_in_dim3A_263 : vector<256x1xf32> to vector<256x800xf32>
    %eq3A_265 = arith.cmpf oeq, %select_n3A_260, %eq3A_264 : vector<256x800xf32>
    %jit3A_266 = arith.constant 800 : i32
    %broadcast_in_dim3A_267 = vector.broadcast %jit3A_266 : i32 to vector<256x800xi32>
    %select_n3A_268 = arith.select %eq3A_265, %iota3A, %broadcast_in_dim3A_267 : vector<256x800xi1>, vector<256x800xi32>
    %reduce_min3A_269 = arith.constant dense<2147483647> : vector<256xi32>
    %reduce_min3A_270 = vector.multi_reduction <minsi>, %select_n3A_268, %reduce_min3A_269 [1] : vector<256x800xi32> to vector<256xi32>
    %broadcast_in_dim3A_271 = vector.shape_cast %reduce_min3A_270 : vector<256xi32> to vector<256x1xi32>
    %swap3A_272 = arith.constant 0 : index
    %swap3A_273 = arith.constant 14 : index
    %swap3A_274 = vector.load %arg2[%swap3A_272, %swap3A_273] : memref<256x20xi32, #tpu.memory_space<vmem>>, vector<256x1xi32>
    tpu.vector_store %arg2[%swap3A_272, %swap3A_273], %broadcast_in_dim3A_271 {strides = array<i32>} : memref<256x20xi32, #tpu.memory_space<vmem>>, vector<256x1xi32>,
    %eq3A_275 = vector.broadcast %broadcast_in_dim3A_271 : vector<256x1xi32> to vector<256x800xi32>
    %eq3A_276 = arith.cmpi eq, %iota3A, %eq3A_275 : vector<256x800xi32>
    %jit3A_277 = arith.constant 0xFF800000 : f32
    %broadcast_in_dim3A_278 = vector.broadcast %jit3A_277 : f32 to vector<256x800xf32>
    %select_n3A_279 = arith.select %eq3A_276, %broadcast_in_dim3A_278, %select_n3A_260 : vector<256x800xi1>, vector<256x800xf32>
    %reduce_max3A_280 = arith.constant dense<0xFF800000> : vector<256xf32>
    %reduce_max3A_281 = vector.multi_reduction <maximumf>, %select_n3A_279, %reduce_max3A_280 [1] : vector<256x800xf32> to vector<256xf32>
    %broadcast_in_dim3A_282 = vector.shape_cast %reduce_max3A_281 : vector<256xf32> to vector<256x1xf32>
    %eq3A_283 = vector.broadcast %broadcast_in_dim3A_282 : vector<256x1xf32> to vector<256x800xf32>
    %eq3A_284 = arith.cmpf oeq, %select_n3A_279, %eq3A_283 : vector<256x800xf32>
    %jit3A_285 = arith.constant 800 : i32
    %broadcast_in_dim3A_286 = vector.broadcast %jit3A_285 : i32 to vector<256x800xi32>
    %select_n3A_287 = arith.select %eq3A_284, %iota3A, %broadcast_in_dim3A_286 : vector<256x800xi1>, vector<256x800xi32>
    %reduce_min3A_288 = arith.constant dense<2147483647> : vector<256xi32>
    %reduce_min3A_289 = vector.multi_reduction <minsi>, %select_n3A_287, %reduce_min3A_288 [1] : vector<256x800xi32> to vector<256xi32>
    %broadcast_in_dim3A_290 = vector.shape_cast %reduce_min3A_289 : vector<256xi32> to vector<256x1xi32>
    %swap3A_291 = arith.constant 0 : index
    %swap3A_292 = arith.constant 15 : index
    %swap3A_293 = vector.load %arg2[%swap3A_291, %swap3A_292] : memref<256x20xi32, #tpu.memory_space<vmem>>, vector<256x1xi32>
    tpu.vector_store %arg2[%swap3A_291, %swap3A_292], %broadcast_in_dim3A_290 {strides = array<i32>} : memref<256x20xi32, #tpu.memory_space<vmem>>, vector<256x1xi32>,
    %eq3A_294 = vector.broadcast %broadcast_in_dim3A_290 : vector<256x1xi32> to vector<256x800xi32>
    %eq3A_295 = arith.cmpi eq, %iota3A, %eq3A_294 : vector<256x800xi32>
    %jit3A_296 = arith.constant 0xFF800000 : f32
    %broadcast_in_dim3A_297 = vector.broadcast %jit3A_296 : f32 to vector<256x800xf32>
    %select_n3A_298 = arith.select %eq3A_295, %broadcast_in_dim3A_297, %select_n3A_279 : vector<256x800xi1>, vector<256x800xf32>
    %reduce_max3A_299 = arith.constant dense<0xFF800000> : vector<256xf32>
    %reduce_max3A_300 = vector.multi_reduction <maximumf>, %select_n3A_298, %reduce_max3A_299 [1] : vector<256x800xf32> to vector<256xf32>
    %broadcast_in_dim3A_301 = vector.shape_cast %reduce_max3A_300 : vector<256xf32> to vector<256x1xf32>
    %eq3A_302 = vector.broadcast %broadcast_in_dim3A_301 : vector<256x1xf32> to vector<256x800xf32>
    %eq3A_303 = arith.cmpf oeq, %select_n3A_298, %eq3A_302 : vector<256x800xf32>
    %jit3A_304 = arith.constant 800 : i32
    %broadcast_in_dim3A_305 = vector.broadcast %jit3A_304 : i32 to vector<256x800xi32>
    %select_n3A_306 = arith.select %eq3A_303, %iota3A, %broadcast_in_dim3A_305 : vector<256x800xi1>, vector<256x800xi32>
    %reduce_min3A_307 = arith.constant dense<2147483647> : vector<256xi32>
    %reduce_min3A_308 = vector.multi_reduction <minsi>, %select_n3A_306, %reduce_min3A_307 [1] : vector<256x800xi32> to vector<256xi32>
    %broadcast_in_dim3A_309 = vector.shape_cast %reduce_min3A_308 : vector<256xi32> to vector<256x1xi32>
    %swap3A_310 = arith.constant 0 : index
    %swap3A_311 = arith.constant 16 : index
    %swap3A_312 = vector.load %arg2[%swap3A_310, %swap3A_311] : memref<256x20xi32, #tpu.memory_space<vmem>>, vector<256x1xi32>
    tpu.vector_store %arg2[%swap3A_310, %swap3A_311], %broadcast_in_dim3A_309 {strides = array<i32>} : memref<256x20xi32, #tpu.memory_space<vmem>>, vector<256x1xi32>,
    %eq3A_313 = vector.broadcast %broadcast_in_dim3A_309 : vector<256x1xi32> to vector<256x800xi32>
    %eq3A_314 = arith.cmpi eq, %iota3A, %eq3A_313 : vector<256x800xi32>
    %jit3A_315 = arith.constant 0xFF800000 : f32
    %broadcast_in_dim3A_316 = vector.broadcast %jit3A_315 : f32 to vector<256x800xf32>
    %select_n3A_317 = arith.select %eq3A_314, %broadcast_in_dim3A_316, %select_n3A_298 : vector<256x800xi1>, vector<256x800xf32>
    %reduce_max3A_318 = arith.constant dense<0xFF800000> : vector<256xf32>
    %reduce_max3A_319 = vector.multi_reduction <maximumf>, %select_n3A_317, %reduce_max3A_318 [1] : vector<256x800xf32> to vector<256xf32>
    %broadcast_in_dim3A_320 = vector.shape_cast %reduce_max3A_319 : vector<256xf32> to vector<256x1xf32>
    %eq3A_321 = vector.broadcast %broadcast_in_dim3A_320 : vector<256x1xf32> to vector<256x800xf32>
    %eq3A_322 = arith.cmpf oeq, %select_n3A_317, %eq3A_321 : vector<256x800xf32>
    %jit3A_323 = arith.constant 800 : i32
    %broadcast_in_dim3A_324 = vector.broadcast %jit3A_323 : i32 to vector<256x800xi32>
    %select_n3A_325 = arith.select %eq3A_322, %iota3A, %broadcast_in_dim3A_324 : vector<256x800xi1>, vector<256x800xi32>
    %reduce_min3A_326 = arith.constant dense<2147483647> : vector<256xi32>
    %reduce_min3A_327 = vector.multi_reduction <minsi>, %select_n3A_325, %reduce_min3A_326 [1] : vector<256x800xi32> to vector<256xi32>
    %broadcast_in_dim3A_328 = vector.shape_cast %reduce_min3A_327 : vector<256xi32> to vector<256x1xi32>
    %swap3A_329 = arith.constant 0 : index
    %swap3A_330 = arith.constant 17 : index
    %swap3A_331 = vector.load %arg2[%swap3A_329, %swap3A_330] : memref<256x20xi32, #tpu.memory_space<vmem>>, vector<256x1xi32>
    tpu.vector_store %arg2[%swap3A_329, %swap3A_330], %broadcast_in_dim3A_328 {strides = array<i32>} : memref<256x20xi32, #tpu.memory_space<vmem>>, vector<256x1xi32>,
    %eq3A_332 = vector.broadcast %broadcast_in_dim3A_328 : vector<256x1xi32> to vector<256x800xi32>
    %eq3A_333 = arith.cmpi eq, %iota3A, %eq3A_332 : vector<256x800xi32>
    %jit3A_334 = arith.constant 0xFF800000 : f32
    %broadcast_in_dim3A_335 = vector.broadcast %jit3A_334 : f32 to vector<256x800xf32>
    %select_n3A_336 = arith.select %eq3A_333, %broadcast_in_dim3A_335, %select_n3A_317 : vector<256x800xi1>, vector<256x800xf32>
    %reduce_max3A_337 = arith.constant dense<0xFF800000> : vector<256xf32>
    %reduce_max3A_338 = vector.multi_reduction <maximumf>, %select_n3A_336, %reduce_max3A_337 [1] : vector<256x800xf32> to vector<256xf32>
    %broadcast_in_dim3A_339 = vector.shape_cast %reduce_max3A_338 : vector<256xf32> to vector<256x1xf32>
    %eq3A_340 = vector.broadcast %broadcast_in_dim3A_339 : vector<256x1xf32> to vector<256x800xf32>
    %eq3A_341 = arith.cmpf oeq, %select_n3A_336, %eq3A_340 : vector<256x800xf32>
    %jit3A_342 = arith.constant 800 : i32
    %broadcast_in_dim3A_343 = vector.broadcast %jit3A_342 : i32 to vector<256x800xi32>
    %select_n3A_344 = arith.select %eq3A_341, %iota3A, %broadcast_in_dim3A_343 : vector<256x800xi1>, vector<256x800xi32>
    %reduce_min3A_345 = arith.constant dense<2147483647> : vector<256xi32>
    %reduce_min3A_346 = vector.multi_reduction <minsi>, %select_n3A_344, %reduce_min3A_345 [1] : vector<256x800xi32> to vector<256xi32>
    %broadcast_in_dim3A_347 = vector.shape_cast %reduce_min3A_346 : vector<256xi32> to vector<256x1xi32>
    %swap3A_348 = arith.constant 0 : index
    %swap3A_349 = arith.constant 18 : index
    %swap3A_350 = vector.load %arg2[%swap3A_348, %swap3A_349] : memref<256x20xi32, #tpu.memory_space<vmem>>, vector<256x1xi32>
    tpu.vector_store %arg2[%swap3A_348, %swap3A_349], %broadcast_in_dim3A_347 {strides = array<i32>} : memref<256x20xi32, #tpu.memory_space<vmem>>, vector<256x1xi32>,
    %eq3A_351 = vector.broadcast %broadcast_in_dim3A_347 : vector<256x1xi32> to vector<256x800xi32>
    %eq3A_352 = arith.cmpi eq, %iota3A, %eq3A_351 : vector<256x800xi32>
    %jit3A_353 = arith.constant 0xFF800000 : f32
    %broadcast_in_dim3A_354 = vector.broadcast %jit3A_353 : f32 to vector<256x800xf32>
    %select_n3A_355 = arith.select %eq3A_352, %broadcast_in_dim3A_354, %select_n3A_336 : vector<256x800xi1>, vector<256x800xf32>
    %reduce_max3A_356 = arith.constant dense<0xFF800000> : vector<256xf32>
    %reduce_max3A_357 = vector.multi_reduction <maximumf>, %select_n3A_355, %reduce_max3A_356 [1] : vector<256x800xf32> to vector<256xf32>
    %broadcast_in_dim3A_358 = vector.shape_cast %reduce_max3A_357 : vector<256xf32> to vector<256x1xf32>
    %eq3A_359 = vector.broadcast %broadcast_in_dim3A_358 : vector<256x1xf32> to vector<256x800xf32>
    %eq3A_360 = arith.cmpf oeq, %select_n3A_355, %eq3A_359 : vector<256x800xf32>
    %jit3A_361 = arith.constant 800 : i32
    %broadcast_in_dim3A_362 = vector.broadcast %jit3A_361 : i32 to vector<256x800xi32>
    %select_n3A_363 = arith.select %eq3A_360, %iota3A, %broadcast_in_dim3A_362 : vector<256x800xi1>, vector<256x800xi32>
    %reduce_min3A_364 = arith.constant dense<2147483647> : vector<256xi32>
    %reduce_min3A_365 = vector.multi_reduction <minsi>, %select_n3A_363, %reduce_min3A_364 [1] : vector<256x800xi32> to vector<256xi32>
    %broadcast_in_dim3A_366 = vector.shape_cast %reduce_min3A_365 : vector<256xi32> to vector<256x1xi32>
    %swap3A_367 = arith.constant 0 : index
    %swap3A_368 = arith.constant 19 : index
    %swap3A_369 = vector.load %arg2[%swap3A_367, %swap3A_368] : memref<256x20xi32, #tpu.memory_space<vmem>>, vector<256x1xi32>
    tpu.vector_store %arg2[%swap3A_367, %swap3A_368], %broadcast_in_dim3A_366 {strides = array<i32>} : memref<256x20xi32, #tpu.memory_space<vmem>>, vector<256x1xi32>,
    return
  }
  func.func @transform_0(%arg0: i32) -> (i32, i32) {
    %c0_i32 = arith.constant 0 : i32
    %c0_i32_0 = arith.constant 0 : i32
    return %arg0, %c0_i32 : i32, i32
  }
  func.func @transform_1(%arg0: i32) -> (i32, i32) {
    %c0_i32 = arith.constant 0 : i32
    %c0_i32_0 = arith.constant 0 : i32
    return %arg0, %c0_i32 : i32, i32
  }
}

module attributes {stable_mosaic.version = 14 : i64} {
  func.func @_cand_topk_kernel(%arg0: i32, %arg1: memref<256x2560xf32, #tpu.memory_space<vmem>>, %arg2: memref<256x20xi32, #tpu.memory_space<vmem>>, %arg3: memref<256x1xf32, #tpu.memory_space<vmem>>, %arg4: memref<256x1xf32, #tpu.memory_space<vmem>>, %arg5: memref<256x20xf32, #tpu.memory_space<vmem>>, %arg6: memref<256x20xi32, #tpu.memory_space<vmem>>) attributes {dimension_semantics = [#tpu.dimension_semantics<arbitrary>], iteration_bounds = array<i64: 4>, scalar_prefetch = 0 : i64, scratch_operands = 0 : i64, tpu.core_type = #tpu.core_type<tc>, window_params = [{transform_indices = @transform_0, window_bounds = array<i64: 256, 2560>}, {transform_indices = @transform_1, window_bounds = array<i64: 256, 20>}, {transform_indices = @transform_2, window_bounds = array<i64: 256, 1>}, {transform_indices = @transform_3, window_bounds = array<i64: 256, 1>}, {transform_indices = @transform_4, window_bounds = array<i64: 256, 20>}, {transform_indices = @transform_5, window_bounds = array<i64: 256, 20>}]} {
    %get3A = arith.constant 0 : index
    %get3A_0 = arith.constant 0 : index
    %get3A_1 = vector.load %arg2[%get3A, %get3A_0] : memref<256x20xi32, #tpu.memory_space<vmem>>, vector<256x20xi32>
    %iota3A = tpu.iota {dimensions = array<i32: 1>} : vector<256x128xi32>
    %slice3A = vector.extract_strided_slice %get3A_1 {offsets = [0, 0], sizes = [256, 1], strides = [1, 1]} : vector<256x20xi32> to vector<256x1xi32>
    %broadcast_in_dim3A = vector.shape_cast %slice3A : vector<256x1xi32> to vector<256x1xi32>
    %broadcast_in_dim3A_2 = vector.broadcast %broadcast_in_dim3A : vector<256x1xi32> to vector<256x128xi32>
    %mul3A = arith.constant 128 : i32
    %mul3A_3 = vector.broadcast %mul3A : i32 to vector<256x128xi32>
    %mul3A_4 = arith.muli %broadcast_in_dim3A_2, %mul3A_3 : vector<256x128xi32>
    %add3A = arith.addi %mul3A_4, %iota3A : vector<256x128xi32>
    %slice3A_5 = vector.extract_strided_slice %get3A_1 {offsets = [0, 1], sizes = [256, 1], strides = [1, 1]} : vector<256x20xi32> to vector<256x1xi32>
    %broadcast_in_dim3A_6 = vector.shape_cast %slice3A_5 : vector<256x1xi32> to vector<256x1xi32>
    %broadcast_in_dim3A_7 = vector.broadcast %broadcast_in_dim3A_6 : vector<256x1xi32> to vector<256x128xi32>
    %mul3A_8 = arith.constant 128 : i32
    %mul3A_9 = vector.broadcast %mul3A_8 : i32 to vector<256x128xi32>
    %mul3A_10 = arith.muli %broadcast_in_dim3A_7, %mul3A_9 : vector<256x128xi32>
    %add3A_11 = arith.addi %mul3A_10, %iota3A : vector<256x128xi32>
    %slice3A_12 = vector.extract_strided_slice %get3A_1 {offsets = [0, 2], sizes = [256, 1], strides = [1, 1]} : vector<256x20xi32> to vector<256x1xi32>
    %broadcast_in_dim3A_13 = vector.shape_cast %slice3A_12 : vector<256x1xi32> to vector<256x1xi32>
    %broadcast_in_dim3A_14 = vector.broadcast %broadcast_in_dim3A_13 : vector<256x1xi32> to vector<256x128xi32>
    %mul3A_15 = arith.constant 128 : i32
    %mul3A_16 = vector.broadcast %mul3A_15 : i32 to vector<256x128xi32>
    %mul3A_17 = arith.muli %broadcast_in_dim3A_14, %mul3A_16 : vector<256x128xi32>
    %add3A_18 = arith.addi %mul3A_17, %iota3A : vector<256x128xi32>
    %slice3A_19 = vector.extract_strided_slice %get3A_1 {offsets = [0, 3], sizes = [256, 1], strides = [1, 1]} : vector<256x20xi32> to vector<256x1xi32>
    %broadcast_in_dim3A_20 = vector.shape_cast %slice3A_19 : vector<256x1xi32> to vector<256x1xi32>
    %broadcast_in_dim3A_21 = vector.broadcast %broadcast_in_dim3A_20 : vector<256x1xi32> to vector<256x128xi32>
    %mul3A_22 = arith.constant 128 : i32
    %mul3A_23 = vector.broadcast %mul3A_22 : i32 to vector<256x128xi32>
    %mul3A_24 = arith.muli %broadcast_in_dim3A_21, %mul3A_23 : vector<256x128xi32>
    %add3A_25 = arith.addi %mul3A_24, %iota3A : vector<256x128xi32>
    %slice3A_26 = vector.extract_strided_slice %get3A_1 {offsets = [0, 4], sizes = [256, 1], strides = [1, 1]} : vector<256x20xi32> to vector<256x1xi32>
    %broadcast_in_dim3A_27 = vector.shape_cast %slice3A_26 : vector<256x1xi32> to vector<256x1xi32>
    %broadcast_in_dim3A_28 = vector.broadcast %broadcast_in_dim3A_27 : vector<256x1xi32> to vector<256x128xi32>
    %mul3A_29 = arith.constant 128 : i32
    %mul3A_30 = vector.broadcast %mul3A_29 : i32 to vector<256x128xi32>
    %mul3A_31 = arith.muli %broadcast_in_dim3A_28, %mul3A_30 : vector<256x128xi32>
    %add3A_32 = arith.addi %mul3A_31, %iota3A : vector<256x128xi32>
    %slice3A_33 = vector.extract_strided_slice %get3A_1 {offsets = [0, 5], sizes = [256, 1], strides = [1, 1]} : vector<256x20xi32> to vector<256x1xi32>
    %broadcast_in_dim3A_34 = vector.shape_cast %slice3A_33 : vector<256x1xi32> to vector<256x1xi32>
    %broadcast_in_dim3A_35 = vector.broadcast %broadcast_in_dim3A_34 : vector<256x1xi32> to vector<256x128xi32>
    %mul3A_36 = arith.constant 128 : i32
    %mul3A_37 = vector.broadcast %mul3A_36 : i32 to vector<256x128xi32>
    %mul3A_38 = arith.muli %broadcast_in_dim3A_35, %mul3A_37 : vector<256x128xi32>
    %add3A_39 = arith.addi %mul3A_38, %iota3A : vector<256x128xi32>
    %slice3A_40 = vector.extract_strided_slice %get3A_1 {offsets = [0, 6], sizes = [256, 1], strides = [1, 1]} : vector<256x20xi32> to vector<256x1xi32>
    %broadcast_in_dim3A_41 = vector.shape_cast %slice3A_40 : vector<256x1xi32> to vector<256x1xi32>
    %broadcast_in_dim3A_42 = vector.broadcast %broadcast_in_dim3A_41 : vector<256x1xi32> to vector<256x128xi32>
    %mul3A_43 = arith.constant 128 : i32
    %mul3A_44 = vector.broadcast %mul3A_43 : i32 to vector<256x128xi32>
    %mul3A_45 = arith.muli %broadcast_in_dim3A_42, %mul3A_44 : vector<256x128xi32>
    %add3A_46 = arith.addi %mul3A_45, %iota3A : vector<256x128xi32>
    %slice3A_47 = vector.extract_strided_slice %get3A_1 {offsets = [0, 7], sizes = [256, 1], strides = [1, 1]} : vector<256x20xi32> to vector<256x1xi32>
    %broadcast_in_dim3A_48 = vector.shape_cast %slice3A_47 : vector<256x1xi32> to vector<256x1xi32>
    %broadcast_in_dim3A_49 = vector.broadcast %broadcast_in_dim3A_48 : vector<256x1xi32> to vector<256x128xi32>
    %mul3A_50 = arith.constant 128 : i32
    %mul3A_51 = vector.broadcast %mul3A_50 : i32 to vector<256x128xi32>
    %mul3A_52 = arith.muli %broadcast_in_dim3A_49, %mul3A_51 : vector<256x128xi32>
    %add3A_53 = arith.addi %mul3A_52, %iota3A : vector<256x128xi32>
    %slice3A_54 = vector.extract_strided_slice %get3A_1 {offsets = [0, 8], sizes = [256, 1], strides = [1, 1]} : vector<256x20xi32> to vector<256x1xi32>
    %broadcast_in_dim3A_55 = vector.shape_cast %slice3A_54 : vector<256x1xi32> to vector<256x1xi32>
    %broadcast_in_dim3A_56 = vector.broadcast %broadcast_in_dim3A_55 : vector<256x1xi32> to vector<256x128xi32>
    %mul3A_57 = arith.constant 128 : i32
    %mul3A_58 = vector.broadcast %mul3A_57 : i32 to vector<256x128xi32>
    %mul3A_59 = arith.muli %broadcast_in_dim3A_56, %mul3A_58 : vector<256x128xi32>
    %add3A_60 = arith.addi %mul3A_59, %iota3A : vector<256x128xi32>
    %slice3A_61 = vector.extract_strided_slice %get3A_1 {offsets = [0, 9], sizes = [256, 1], strides = [1, 1]} : vector<256x20xi32> to vector<256x1xi32>
    %broadcast_in_dim3A_62 = vector.shape_cast %slice3A_61 : vector<256x1xi32> to vector<256x1xi32>
    %broadcast_in_dim3A_63 = vector.broadcast %broadcast_in_dim3A_62 : vector<256x1xi32> to vector<256x128xi32>
    %mul3A_64 = arith.constant 128 : i32
    %mul3A_65 = vector.broadcast %mul3A_64 : i32 to vector<256x128xi32>
    %mul3A_66 = arith.muli %broadcast_in_dim3A_63, %mul3A_65 : vector<256x128xi32>
    %add3A_67 = arith.addi %mul3A_66, %iota3A : vector<256x128xi32>
    %slice3A_68 = vector.extract_strided_slice %get3A_1 {offsets = [0, 10], sizes = [256, 1], strides = [1, 1]} : vector<256x20xi32> to vector<256x1xi32>
    %broadcast_in_dim3A_69 = vector.shape_cast %slice3A_68 : vector<256x1xi32> to vector<256x1xi32>
    %broadcast_in_dim3A_70 = vector.broadcast %broadcast_in_dim3A_69 : vector<256x1xi32> to vector<256x128xi32>
    %mul3A_71 = arith.constant 128 : i32
    %mul3A_72 = vector.broadcast %mul3A_71 : i32 to vector<256x128xi32>
    %mul3A_73 = arith.muli %broadcast_in_dim3A_70, %mul3A_72 : vector<256x128xi32>
    %add3A_74 = arith.addi %mul3A_73, %iota3A : vector<256x128xi32>
    %slice3A_75 = vector.extract_strided_slice %get3A_1 {offsets = [0, 11], sizes = [256, 1], strides = [1, 1]} : vector<256x20xi32> to vector<256x1xi32>
    %broadcast_in_dim3A_76 = vector.shape_cast %slice3A_75 : vector<256x1xi32> to vector<256x1xi32>
    %broadcast_in_dim3A_77 = vector.broadcast %broadcast_in_dim3A_76 : vector<256x1xi32> to vector<256x128xi32>
    %mul3A_78 = arith.constant 128 : i32
    %mul3A_79 = vector.broadcast %mul3A_78 : i32 to vector<256x128xi32>
    %mul3A_80 = arith.muli %broadcast_in_dim3A_77, %mul3A_79 : vector<256x128xi32>
    %add3A_81 = arith.addi %mul3A_80, %iota3A : vector<256x128xi32>
    %slice3A_82 = vector.extract_strided_slice %get3A_1 {offsets = [0, 12], sizes = [256, 1], strides = [1, 1]} : vector<256x20xi32> to vector<256x1xi32>
    %broadcast_in_dim3A_83 = vector.shape_cast %slice3A_82 : vector<256x1xi32> to vector<256x1xi32>
    %broadcast_in_dim3A_84 = vector.broadcast %broadcast_in_dim3A_83 : vector<256x1xi32> to vector<256x128xi32>
    %mul3A_85 = arith.constant 128 : i32
    %mul3A_86 = vector.broadcast %mul3A_85 : i32 to vector<256x128xi32>
    %mul3A_87 = arith.muli %broadcast_in_dim3A_84, %mul3A_86 : vector<256x128xi32>
    %add3A_88 = arith.addi %mul3A_87, %iota3A : vector<256x128xi32>
    %slice3A_89 = vector.extract_strided_slice %get3A_1 {offsets = [0, 13], sizes = [256, 1], strides = [1, 1]} : vector<256x20xi32> to vector<256x1xi32>
    %broadcast_in_dim3A_90 = vector.shape_cast %slice3A_89 : vector<256x1xi32> to vector<256x1xi32>
    %broadcast_in_dim3A_91 = vector.broadcast %broadcast_in_dim3A_90 : vector<256x1xi32> to vector<256x128xi32>
    %mul3A_92 = arith.constant 128 : i32
    %mul3A_93 = vector.broadcast %mul3A_92 : i32 to vector<256x128xi32>
    %mul3A_94 = arith.muli %broadcast_in_dim3A_91, %mul3A_93 : vector<256x128xi32>
    %add3A_95 = arith.addi %mul3A_94, %iota3A : vector<256x128xi32>
    %slice3A_96 = vector.extract_strided_slice %get3A_1 {offsets = [0, 14], sizes = [256, 1], strides = [1, 1]} : vector<256x20xi32> to vector<256x1xi32>
    %broadcast_in_dim3A_97 = vector.shape_cast %slice3A_96 : vector<256x1xi32> to vector<256x1xi32>
    %broadcast_in_dim3A_98 = vector.broadcast %broadcast_in_dim3A_97 : vector<256x1xi32> to vector<256x128xi32>
    %mul3A_99 = arith.constant 128 : i32
    %mul3A_100 = vector.broadcast %mul3A_99 : i32 to vector<256x128xi32>
    %mul3A_101 = arith.muli %broadcast_in_dim3A_98, %mul3A_100 : vector<256x128xi32>
    %add3A_102 = arith.addi %mul3A_101, %iota3A : vector<256x128xi32>
    %slice3A_103 = vector.extract_strided_slice %get3A_1 {offsets = [0, 15], sizes = [256, 1], strides = [1, 1]} : vector<256x20xi32> to vector<256x1xi32>
    %broadcast_in_dim3A_104 = vector.shape_cast %slice3A_103 : vector<256x1xi32> to vector<256x1xi32>
    %broadcast_in_dim3A_105 = vector.broadcast %broadcast_in_dim3A_104 : vector<256x1xi32> to vector<256x128xi32>
    %mul3A_106 = arith.constant 128 : i32
    %mul3A_107 = vector.broadcast %mul3A_106 : i32 to vector<256x128xi32>
    %mul3A_108 = arith.muli %broadcast_in_dim3A_105, %mul3A_107 : vector<256x128xi32>
    %add3A_109 = arith.addi %mul3A_108, %iota3A : vector<256x128xi32>
    %slice3A_110 = vector.extract_strided_slice %get3A_1 {offsets = [0, 16], sizes = [256, 1], strides = [1, 1]} : vector<256x20xi32> to vector<256x1xi32>
    %broadcast_in_dim3A_111 = vector.shape_cast %slice3A_110 : vector<256x1xi32> to vector<256x1xi32>
    %broadcast_in_dim3A_112 = vector.broadcast %broadcast_in_dim3A_111 : vector<256x1xi32> to vector<256x128xi32>
    %mul3A_113 = arith.constant 128 : i32
    %mul3A_114 = vector.broadcast %mul3A_113 : i32 to vector<256x128xi32>
    %mul3A_115 = arith.muli %broadcast_in_dim3A_112, %mul3A_114 : vector<256x128xi32>
    %add3A_116 = arith.addi %mul3A_115, %iota3A : vector<256x128xi32>
    %slice3A_117 = vector.extract_strided_slice %get3A_1 {offsets = [0, 17], sizes = [256, 1], strides = [1, 1]} : vector<256x20xi32> to vector<256x1xi32>
    %broadcast_in_dim3A_118 = vector.shape_cast %slice3A_117 : vector<256x1xi32> to vector<256x1xi32>
    %broadcast_in_dim3A_119 = vector.broadcast %broadcast_in_dim3A_118 : vector<256x1xi32> to vector<256x128xi32>
    %mul3A_120 = arith.constant 128 : i32
    %mul3A_121 = vector.broadcast %mul3A_120 : i32 to vector<256x128xi32>
    %mul3A_122 = arith.muli %broadcast_in_dim3A_119, %mul3A_121 : vector<256x128xi32>
    %add3A_123 = arith.addi %mul3A_122, %iota3A : vector<256x128xi32>
    %slice3A_124 = vector.extract_strided_slice %get3A_1 {offsets = [0, 18], sizes = [256, 1], strides = [1, 1]} : vector<256x20xi32> to vector<256x1xi32>
    %broadcast_in_dim3A_125 = vector.shape_cast %slice3A_124 : vector<256x1xi32> to vector<256x1xi32>
    %broadcast_in_dim3A_126 = vector.broadcast %broadcast_in_dim3A_125 : vector<256x1xi32> to vector<256x128xi32>
    %mul3A_127 = arith.constant 128 : i32
    %mul3A_128 = vector.broadcast %mul3A_127 : i32 to vector<256x128xi32>
    %mul3A_129 = arith.muli %broadcast_in_dim3A_126, %mul3A_128 : vector<256x128xi32>
    %add3A_130 = arith.addi %mul3A_129, %iota3A : vector<256x128xi32>
    %slice3A_131 = vector.extract_strided_slice %get3A_1 {offsets = [0, 19], sizes = [256, 1], strides = [1, 1]} : vector<256x20xi32> to vector<256x1xi32>
    %broadcast_in_dim3A_132 = vector.shape_cast %slice3A_131 : vector<256x1xi32> to vector<256x1xi32>
    %broadcast_in_dim3A_133 = vector.broadcast %broadcast_in_dim3A_132 : vector<256x1xi32> to vector<256x128xi32>
    %mul3A_134 = arith.constant 128 : i32
    %mul3A_135 = vector.broadcast %mul3A_134 : i32 to vector<256x128xi32>
    %mul3A_136 = arith.muli %broadcast_in_dim3A_133, %mul3A_135 : vector<256x128xi32>
    %add3A_137 = arith.addi %mul3A_136, %iota3A : vector<256x128xi32>
    %concatenate3A = tpu.concatenate %add3A, %add3A_11, %add3A_18, %add3A_25, %add3A_32, %add3A_39, %add3A_46, %add3A_53, %add3A_60, %add3A_67, %add3A_74, %add3A_81, %add3A_88, %add3A_95, %add3A_102, %add3A_109, %add3A_116, %add3A_123, %add3A_130, %add3A_137 in 1 : vector<256x128xi32>, vector<256x128xi32>, vector<256x128xi32>, vector<256x128xi32>, vector<256x128xi32>, vector<256x128xi32>, vector<256x128xi32>, vector<256x128xi32>, vector<256x128xi32>, vector<256x128xi32>, vector<256x128xi32>, vector<256x128xi32>, vector<256x128xi32>, vector<256x128xi32>, vector<256x128xi32>, vector<256x128xi32>, vector<256x128xi32>, vector<256x128xi32>, vector<256x128xi32>, vector<256x128xi32> -> vector<256x2560xi32>
    %get3A_138 = arith.constant 0 : index
    %get3A_139 = arith.constant 0 : index
    %get3A_140 = vector.load %arg1[%get3A_138, %get3A_139] : memref<256x2560xf32, #tpu.memory_space<vmem>>, vector<256x2560xf32>
    %get3A_141 = arith.constant 0 : index
    %get3A_142 = arith.constant 0 : index
    %get3A_143 = vector.load %arg3[%get3A_141, %get3A_142] : memref<256x1xf32, #tpu.memory_space<vmem>>, vector<256x1xf32>
    %sub3A = vector.broadcast %get3A_143 : vector<256x1xf32> to vector<256x2560xf32>
    %sub3A_144 = arith.subf %get3A_140, %sub3A : vector<256x2560xf32>
    %exp3A = math.exp %sub3A_144 : vector<256x2560xf32>
    %get3A_145 = arith.constant 0 : index
    %get3A_146 = arith.constant 0 : index
    %get3A_147 = vector.load %arg4[%get3A_145, %get3A_146] : memref<256x1xf32, #tpu.memory_space<vmem>>, vector<256x1xf32>
    %div3A = vector.broadcast %get3A_147 : vector<256x1xf32> to vector<256x2560xf32>
    %div3A_148 = arith.divf %exp3A, %div3A : vector<256x2560xf32>
    %reduce_max3A = arith.constant dense<0xFF800000> : vector<256xf32>
    %reduce_max3A_149 = vector.multi_reduction <maximumf>, %div3A_148, %reduce_max3A [1] : vector<256x2560xf32> to vector<256xf32>
    %broadcast_in_dim3A_150 = vector.shape_cast %reduce_max3A_149 : vector<256xf32> to vector<256x1xf32>
    %eq3A = vector.broadcast %broadcast_in_dim3A_150 : vector<256x1xf32> to vector<256x2560xf32>
    %eq3A_151 = arith.cmpf oeq, %div3A_148, %eq3A : vector<256x2560xf32>
    %jit3A = arith.constant 1073741824 : i32
    %broadcast_in_dim3A_152 = vector.broadcast %jit3A : i32 to vector<256x2560xi32>
    %select_n3A = arith.select %eq3A_151, %concatenate3A, %broadcast_in_dim3A_152 : vector<256x2560xi1>, vector<256x2560xi32>
    %reduce_min3A = arith.constant dense<2147483647> : vector<256xi32>
    %reduce_min3A_153 = vector.multi_reduction <minsi>, %select_n3A, %reduce_min3A [1] : vector<256x2560xi32> to vector<256xi32>
    %broadcast_in_dim3A_154 = vector.shape_cast %reduce_min3A_153 : vector<256xi32> to vector<256x1xi32>
    %swap3A = arith.constant 0 : index
    %swap3A_155 = arith.constant 0 : index
    %swap3A_156 = vector.load %arg5[%swap3A, %swap3A_155] : memref<256x20xf32, #tpu.memory_space<vmem>>, vector<256x1xf32>
    tpu.vector_store %arg5[%swap3A, %swap3A_155], %broadcast_in_dim3A_150 {strides = array<i32>} : memref<256x20xf32, #tpu.memory_space<vmem>>, vector<256x1xf32>,
    %swap3A_157 = arith.constant 0 : index
    %swap3A_158 = arith.constant 0 : index
    %swap3A_159 = vector.load %arg6[%swap3A_157, %swap3A_158] : memref<256x20xi32, #tpu.memory_space<vmem>>, vector<256x1xi32>
    tpu.vector_store %arg6[%swap3A_157, %swap3A_158], %broadcast_in_dim3A_154 {strides = array<i32>} : memref<256x20xi32, #tpu.memory_space<vmem>>, vector<256x1xi32>,
    %eq3A_160 = vector.broadcast %broadcast_in_dim3A_154 : vector<256x1xi32> to vector<256x2560xi32>
    %eq3A_161 = arith.cmpi eq, %concatenate3A, %eq3A_160 : vector<256x2560xi32>
    %jit3A_162 = arith.constant -1.000000e+00 : f32
    %broadcast_in_dim3A_163 = vector.broadcast %jit3A_162 : f32 to vector<256x2560xf32>
    %select_n3A_164 = arith.select %eq3A_161, %broadcast_in_dim3A_163, %div3A_148 : vector<256x2560xi1>, vector<256x2560xf32>
    %reduce_max3A_165 = arith.constant dense<0xFF800000> : vector<256xf32>
    %reduce_max3A_166 = vector.multi_reduction <maximumf>, %select_n3A_164, %reduce_max3A_165 [1] : vector<256x2560xf32> to vector<256xf32>
    %broadcast_in_dim3A_167 = vector.shape_cast %reduce_max3A_166 : vector<256xf32> to vector<256x1xf32>
    %eq3A_168 = vector.broadcast %broadcast_in_dim3A_167 : vector<256x1xf32> to vector<256x2560xf32>
    %eq3A_169 = arith.cmpf oeq, %select_n3A_164, %eq3A_168 : vector<256x2560xf32>
    %jit3A_170 = arith.constant 1073741824 : i32
    %broadcast_in_dim3A_171 = vector.broadcast %jit3A_170 : i32 to vector<256x2560xi32>
    %select_n3A_172 = arith.select %eq3A_169, %concatenate3A, %broadcast_in_dim3A_171 : vector<256x2560xi1>, vector<256x2560xi32>
    %reduce_min3A_173 = arith.constant dense<2147483647> : vector<256xi32>
    %reduce_min3A_174 = vector.multi_reduction <minsi>, %select_n3A_172, %reduce_min3A_173 [1] : vector<256x2560xi32> to vector<256xi32>
    %broadcast_in_dim3A_175 = vector.shape_cast %reduce_min3A_174 : vector<256xi32> to vector<256x1xi32>
    %swap3A_176 = arith.constant 0 : index
    %swap3A_177 = arith.constant 1 : index
    %swap3A_178 = vector.load %arg5[%swap3A_176, %swap3A_177] : memref<256x20xf32, #tpu.memory_space<vmem>>, vector<256x1xf32>
    tpu.vector_store %arg5[%swap3A_176, %swap3A_177], %broadcast_in_dim3A_167 {strides = array<i32>} : memref<256x20xf32, #tpu.memory_space<vmem>>, vector<256x1xf32>,
    %swap3A_179 = arith.constant 0 : index
    %swap3A_180 = arith.constant 1 : index
    %swap3A_181 = vector.load %arg6[%swap3A_179, %swap3A_180] : memref<256x20xi32, #tpu.memory_space<vmem>>, vector<256x1xi32>
    tpu.vector_store %arg6[%swap3A_179, %swap3A_180], %broadcast_in_dim3A_175 {strides = array<i32>} : memref<256x20xi32, #tpu.memory_space<vmem>>, vector<256x1xi32>,
    %eq3A_182 = vector.broadcast %broadcast_in_dim3A_175 : vector<256x1xi32> to vector<256x2560xi32>
    %eq3A_183 = arith.cmpi eq, %concatenate3A, %eq3A_182 : vector<256x2560xi32>
    %jit3A_184 = arith.constant -1.000000e+00 : f32
    %broadcast_in_dim3A_185 = vector.broadcast %jit3A_184 : f32 to vector<256x2560xf32>
    %select_n3A_186 = arith.select %eq3A_183, %broadcast_in_dim3A_185, %select_n3A_164 : vector<256x2560xi1>, vector<256x2560xf32>
    %reduce_max3A_187 = arith.constant dense<0xFF800000> : vector<256xf32>
    %reduce_max3A_188 = vector.multi_reduction <maximumf>, %select_n3A_186, %reduce_max3A_187 [1] : vector<256x2560xf32> to vector<256xf32>
    %broadcast_in_dim3A_189 = vector.shape_cast %reduce_max3A_188 : vector<256xf32> to vector<256x1xf32>
    %eq3A_190 = vector.broadcast %broadcast_in_dim3A_189 : vector<256x1xf32> to vector<256x2560xf32>
    %eq3A_191 = arith.cmpf oeq, %select_n3A_186, %eq3A_190 : vector<256x2560xf32>
    %jit3A_192 = arith.constant 1073741824 : i32
    %broadcast_in_dim3A_193 = vector.broadcast %jit3A_192 : i32 to vector<256x2560xi32>
    %select_n3A_194 = arith.select %eq3A_191, %concatenate3A, %broadcast_in_dim3A_193 : vector<256x2560xi1>, vector<256x2560xi32>
    %reduce_min3A_195 = arith.constant dense<2147483647> : vector<256xi32>
    %reduce_min3A_196 = vector.multi_reduction <minsi>, %select_n3A_194, %reduce_min3A_195 [1] : vector<256x2560xi32> to vector<256xi32>
    %broadcast_in_dim3A_197 = vector.shape_cast %reduce_min3A_196 : vector<256xi32> to vector<256x1xi32>
    %swap3A_198 = arith.constant 0 : index
    %swap3A_199 = arith.constant 2 : index
    %swap3A_200 = vector.load %arg5[%swap3A_198, %swap3A_199] : memref<256x20xf32, #tpu.memory_space<vmem>>, vector<256x1xf32>
    tpu.vector_store %arg5[%swap3A_198, %swap3A_199], %broadcast_in_dim3A_189 {strides = array<i32>} : memref<256x20xf32, #tpu.memory_space<vmem>>, vector<256x1xf32>,
    %swap3A_201 = arith.constant 0 : index
    %swap3A_202 = arith.constant 2 : index
    %swap3A_203 = vector.load %arg6[%swap3A_201, %swap3A_202] : memref<256x20xi32, #tpu.memory_space<vmem>>, vector<256x1xi32>
    tpu.vector_store %arg6[%swap3A_201, %swap3A_202], %broadcast_in_dim3A_197 {strides = array<i32>} : memref<256x20xi32, #tpu.memory_space<vmem>>, vector<256x1xi32>,
    %eq3A_204 = vector.broadcast %broadcast_in_dim3A_197 : vector<256x1xi32> to vector<256x2560xi32>
    %eq3A_205 = arith.cmpi eq, %concatenate3A, %eq3A_204 : vector<256x2560xi32>
    %jit3A_206 = arith.constant -1.000000e+00 : f32
    %broadcast_in_dim3A_207 = vector.broadcast %jit3A_206 : f32 to vector<256x2560xf32>
    %select_n3A_208 = arith.select %eq3A_205, %broadcast_in_dim3A_207, %select_n3A_186 : vector<256x2560xi1>, vector<256x2560xf32>
    %reduce_max3A_209 = arith.constant dense<0xFF800000> : vector<256xf32>
    %reduce_max3A_210 = vector.multi_reduction <maximumf>, %select_n3A_208, %reduce_max3A_209 [1] : vector<256x2560xf32> to vector<256xf32>
    %broadcast_in_dim3A_211 = vector.shape_cast %reduce_max3A_210 : vector<256xf32> to vector<256x1xf32>
    %eq3A_212 = vector.broadcast %broadcast_in_dim3A_211 : vector<256x1xf32> to vector<256x2560xf32>
    %eq3A_213 = arith.cmpf oeq, %select_n3A_208, %eq3A_212 : vector<256x2560xf32>
    %jit3A_214 = arith.constant 1073741824 : i32
    %broadcast_in_dim3A_215 = vector.broadcast %jit3A_214 : i32 to vector<256x2560xi32>
    %select_n3A_216 = arith.select %eq3A_213, %concatenate3A, %broadcast_in_dim3A_215 : vector<256x2560xi1>, vector<256x2560xi32>
    %reduce_min3A_217 = arith.constant dense<2147483647> : vector<256xi32>
    %reduce_min3A_218 = vector.multi_reduction <minsi>, %select_n3A_216, %reduce_min3A_217 [1] : vector<256x2560xi32> to vector<256xi32>
    %broadcast_in_dim3A_219 = vector.shape_cast %reduce_min3A_218 : vector<256xi32> to vector<256x1xi32>
    %swap3A_220 = arith.constant 0 : index
    %swap3A_221 = arith.constant 3 : index
    %swap3A_222 = vector.load %arg5[%swap3A_220, %swap3A_221] : memref<256x20xf32, #tpu.memory_space<vmem>>, vector<256x1xf32>
    tpu.vector_store %arg5[%swap3A_220, %swap3A_221], %broadcast_in_dim3A_211 {strides = array<i32>} : memref<256x20xf32, #tpu.memory_space<vmem>>, vector<256x1xf32>,
    %swap3A_223 = arith.constant 0 : index
    %swap3A_224 = arith.constant 3 : index
    %swap3A_225 = vector.load %arg6[%swap3A_223, %swap3A_224] : memref<256x20xi32, #tpu.memory_space<vmem>>, vector<256x1xi32>
    tpu.vector_store %arg6[%swap3A_223, %swap3A_224], %broadcast_in_dim3A_219 {strides = array<i32>} : memref<256x20xi32, #tpu.memory_space<vmem>>, vector<256x1xi32>,
    %eq3A_226 = vector.broadcast %broadcast_in_dim3A_219 : vector<256x1xi32> to vector<256x2560xi32>
    %eq3A_227 = arith.cmpi eq, %concatenate3A, %eq3A_226 : vector<256x2560xi32>
    %jit3A_228 = arith.constant -1.000000e+00 : f32
    %broadcast_in_dim3A_229 = vector.broadcast %jit3A_228 : f32 to vector<256x2560xf32>
    %select_n3A_230 = arith.select %eq3A_227, %broadcast_in_dim3A_229, %select_n3A_208 : vector<256x2560xi1>, vector<256x2560xf32>
    %reduce_max3A_231 = arith.constant dense<0xFF800000> : vector<256xf32>
    %reduce_max3A_232 = vector.multi_reduction <maximumf>, %select_n3A_230, %reduce_max3A_231 [1] : vector<256x2560xf32> to vector<256xf32>
    %broadcast_in_dim3A_233 = vector.shape_cast %reduce_max3A_232 : vector<256xf32> to vector<256x1xf32>
    %eq3A_234 = vector.broadcast %broadcast_in_dim3A_233 : vector<256x1xf32> to vector<256x2560xf32>
    %eq3A_235 = arith.cmpf oeq, %select_n3A_230, %eq3A_234 : vector<256x2560xf32>
    %jit3A_236 = arith.constant 1073741824 : i32
    %broadcast_in_dim3A_237 = vector.broadcast %jit3A_236 : i32 to vector<256x2560xi32>
    %select_n3A_238 = arith.select %eq3A_235, %concatenate3A, %broadcast_in_dim3A_237 : vector<256x2560xi1>, vector<256x2560xi32>
    %reduce_min3A_239 = arith.constant dense<2147483647> : vector<256xi32>
    %reduce_min3A_240 = vector.multi_reduction <minsi>, %select_n3A_238, %reduce_min3A_239 [1] : vector<256x2560xi32> to vector<256xi32>
    %broadcast_in_dim3A_241 = vector.shape_cast %reduce_min3A_240 : vector<256xi32> to vector<256x1xi32>
    %swap3A_242 = arith.constant 0 : index
    %swap3A_243 = arith.constant 4 : index
    %swap3A_244 = vector.load %arg5[%swap3A_242, %swap3A_243] : memref<256x20xf32, #tpu.memory_space<vmem>>, vector<256x1xf32>
    tpu.vector_store %arg5[%swap3A_242, %swap3A_243], %broadcast_in_dim3A_233 {strides = array<i32>} : memref<256x20xf32, #tpu.memory_space<vmem>>, vector<256x1xf32>,
    %swap3A_245 = arith.constant 0 : index
    %swap3A_246 = arith.constant 4 : index
    %swap3A_247 = vector.load %arg6[%swap3A_245, %swap3A_246] : memref<256x20xi32, #tpu.memory_space<vmem>>, vector<256x1xi32>
    tpu.vector_store %arg6[%swap3A_245, %swap3A_246], %broadcast_in_dim3A_241 {strides = array<i32>} : memref<256x20xi32, #tpu.memory_space<vmem>>, vector<256x1xi32>,
    %eq3A_248 = vector.broadcast %broadcast_in_dim3A_241 : vector<256x1xi32> to vector<256x2560xi32>
    %eq3A_249 = arith.cmpi eq, %concatenate3A, %eq3A_248 : vector<256x2560xi32>
    %jit3A_250 = arith.constant -1.000000e+00 : f32
    %broadcast_in_dim3A_251 = vector.broadcast %jit3A_250 : f32 to vector<256x2560xf32>
    %select_n3A_252 = arith.select %eq3A_249, %broadcast_in_dim3A_251, %select_n3A_230 : vector<256x2560xi1>, vector<256x2560xf32>
    %reduce_max3A_253 = arith.constant dense<0xFF800000> : vector<256xf32>
    %reduce_max3A_254 = vector.multi_reduction <maximumf>, %select_n3A_252, %reduce_max3A_253 [1] : vector<256x2560xf32> to vector<256xf32>
    %broadcast_in_dim3A_255 = vector.shape_cast %reduce_max3A_254 : vector<256xf32> to vector<256x1xf32>
    %eq3A_256 = vector.broadcast %broadcast_in_dim3A_255 : vector<256x1xf32> to vector<256x2560xf32>
    %eq3A_257 = arith.cmpf oeq, %select_n3A_252, %eq3A_256 : vector<256x2560xf32>
    %jit3A_258 = arith.constant 1073741824 : i32
    %broadcast_in_dim3A_259 = vector.broadcast %jit3A_258 : i32 to vector<256x2560xi32>
    %select_n3A_260 = arith.select %eq3A_257, %concatenate3A, %broadcast_in_dim3A_259 : vector<256x2560xi1>, vector<256x2560xi32>
    %reduce_min3A_261 = arith.constant dense<2147483647> : vector<256xi32>
    %reduce_min3A_262 = vector.multi_reduction <minsi>, %select_n3A_260, %reduce_min3A_261 [1] : vector<256x2560xi32> to vector<256xi32>
    %broadcast_in_dim3A_263 = vector.shape_cast %reduce_min3A_262 : vector<256xi32> to vector<256x1xi32>
    %swap3A_264 = arith.constant 0 : index
    %swap3A_265 = arith.constant 5 : index
    %swap3A_266 = vector.load %arg5[%swap3A_264, %swap3A_265] : memref<256x20xf32, #tpu.memory_space<vmem>>, vector<256x1xf32>
    tpu.vector_store %arg5[%swap3A_264, %swap3A_265], %broadcast_in_dim3A_255 {strides = array<i32>} : memref<256x20xf32, #tpu.memory_space<vmem>>, vector<256x1xf32>,
    %swap3A_267 = arith.constant 0 : index
    %swap3A_268 = arith.constant 5 : index
    %swap3A_269 = vector.load %arg6[%swap3A_267, %swap3A_268] : memref<256x20xi32, #tpu.memory_space<vmem>>, vector<256x1xi32>
    tpu.vector_store %arg6[%swap3A_267, %swap3A_268], %broadcast_in_dim3A_263 {strides = array<i32>} : memref<256x20xi32, #tpu.memory_space<vmem>>, vector<256x1xi32>,
    %eq3A_270 = vector.broadcast %broadcast_in_dim3A_263 : vector<256x1xi32> to vector<256x2560xi32>
    %eq3A_271 = arith.cmpi eq, %concatenate3A, %eq3A_270 : vector<256x2560xi32>
    %jit3A_272 = arith.constant -1.000000e+00 : f32
    %broadcast_in_dim3A_273 = vector.broadcast %jit3A_272 : f32 to vector<256x2560xf32>
    %select_n3A_274 = arith.select %eq3A_271, %broadcast_in_dim3A_273, %select_n3A_252 : vector<256x2560xi1>, vector<256x2560xf32>
    %reduce_max3A_275 = arith.constant dense<0xFF800000> : vector<256xf32>
    %reduce_max3A_276 = vector.multi_reduction <maximumf>, %select_n3A_274, %reduce_max3A_275 [1] : vector<256x2560xf32> to vector<256xf32>
    %broadcast_in_dim3A_277 = vector.shape_cast %reduce_max3A_276 : vector<256xf32> to vector<256x1xf32>
    %eq3A_278 = vector.broadcast %broadcast_in_dim3A_277 : vector<256x1xf32> to vector<256x2560xf32>
    %eq3A_279 = arith.cmpf oeq, %select_n3A_274, %eq3A_278 : vector<256x2560xf32>
    %jit3A_280 = arith.constant 1073741824 : i32
    %broadcast_in_dim3A_281 = vector.broadcast %jit3A_280 : i32 to vector<256x2560xi32>
    %select_n3A_282 = arith.select %eq3A_279, %concatenate3A, %broadcast_in_dim3A_281 : vector<256x2560xi1>, vector<256x2560xi32>
    %reduce_min3A_283 = arith.constant dense<2147483647> : vector<256xi32>
    %reduce_min3A_284 = vector.multi_reduction <minsi>, %select_n3A_282, %reduce_min3A_283 [1] : vector<256x2560xi32> to vector<256xi32>
    %broadcast_in_dim3A_285 = vector.shape_cast %reduce_min3A_284 : vector<256xi32> to vector<256x1xi32>
    %swap3A_286 = arith.constant 0 : index
    %swap3A_287 = arith.constant 6 : index
    %swap3A_288 = vector.load %arg5[%swap3A_286, %swap3A_287] : memref<256x20xf32, #tpu.memory_space<vmem>>, vector<256x1xf32>
    tpu.vector_store %arg5[%swap3A_286, %swap3A_287], %broadcast_in_dim3A_277 {strides = array<i32>} : memref<256x20xf32, #tpu.memory_space<vmem>>, vector<256x1xf32>,
    %swap3A_289 = arith.constant 0 : index
    %swap3A_290 = arith.constant 6 : index
    %swap3A_291 = vector.load %arg6[%swap3A_289, %swap3A_290] : memref<256x20xi32, #tpu.memory_space<vmem>>, vector<256x1xi32>
    tpu.vector_store %arg6[%swap3A_289, %swap3A_290], %broadcast_in_dim3A_285 {strides = array<i32>} : memref<256x20xi32, #tpu.memory_space<vmem>>, vector<256x1xi32>,
    %eq3A_292 = vector.broadcast %broadcast_in_dim3A_285 : vector<256x1xi32> to vector<256x2560xi32>
    %eq3A_293 = arith.cmpi eq, %concatenate3A, %eq3A_292 : vector<256x2560xi32>
    %jit3A_294 = arith.constant -1.000000e+00 : f32
    %broadcast_in_dim3A_295 = vector.broadcast %jit3A_294 : f32 to vector<256x2560xf32>
    %select_n3A_296 = arith.select %eq3A_293, %broadcast_in_dim3A_295, %select_n3A_274 : vector<256x2560xi1>, vector<256x2560xf32>
    %reduce_max3A_297 = arith.constant dense<0xFF800000> : vector<256xf32>
    %reduce_max3A_298 = vector.multi_reduction <maximumf>, %select_n3A_296, %reduce_max3A_297 [1] : vector<256x2560xf32> to vector<256xf32>
    %broadcast_in_dim3A_299 = vector.shape_cast %reduce_max3A_298 : vector<256xf32> to vector<256x1xf32>
    %eq3A_300 = vector.broadcast %broadcast_in_dim3A_299 : vector<256x1xf32> to vector<256x2560xf32>
    %eq3A_301 = arith.cmpf oeq, %select_n3A_296, %eq3A_300 : vector<256x2560xf32>
    %jit3A_302 = arith.constant 1073741824 : i32
    %broadcast_in_dim3A_303 = vector.broadcast %jit3A_302 : i32 to vector<256x2560xi32>
    %select_n3A_304 = arith.select %eq3A_301, %concatenate3A, %broadcast_in_dim3A_303 : vector<256x2560xi1>, vector<256x2560xi32>
    %reduce_min3A_305 = arith.constant dense<2147483647> : vector<256xi32>
    %reduce_min3A_306 = vector.multi_reduction <minsi>, %select_n3A_304, %reduce_min3A_305 [1] : vector<256x2560xi32> to vector<256xi32>
    %broadcast_in_dim3A_307 = vector.shape_cast %reduce_min3A_306 : vector<256xi32> to vector<256x1xi32>
    %swap3A_308 = arith.constant 0 : index
    %swap3A_309 = arith.constant 7 : index
    %swap3A_310 = vector.load %arg5[%swap3A_308, %swap3A_309] : memref<256x20xf32, #tpu.memory_space<vmem>>, vector<256x1xf32>
    tpu.vector_store %arg5[%swap3A_308, %swap3A_309], %broadcast_in_dim3A_299 {strides = array<i32>} : memref<256x20xf32, #tpu.memory_space<vmem>>, vector<256x1xf32>,
    %swap3A_311 = arith.constant 0 : index
    %swap3A_312 = arith.constant 7 : index
    %swap3A_313 = vector.load %arg6[%swap3A_311, %swap3A_312] : memref<256x20xi32, #tpu.memory_space<vmem>>, vector<256x1xi32>
    tpu.vector_store %arg6[%swap3A_311, %swap3A_312], %broadcast_in_dim3A_307 {strides = array<i32>} : memref<256x20xi32, #tpu.memory_space<vmem>>, vector<256x1xi32>,
    %eq3A_314 = vector.broadcast %broadcast_in_dim3A_307 : vector<256x1xi32> to vector<256x2560xi32>
    %eq3A_315 = arith.cmpi eq, %concatenate3A, %eq3A_314 : vector<256x2560xi32>
    %jit3A_316 = arith.constant -1.000000e+00 : f32
    %broadcast_in_dim3A_317 = vector.broadcast %jit3A_316 : f32 to vector<256x2560xf32>
    %select_n3A_318 = arith.select %eq3A_315, %broadcast_in_dim3A_317, %select_n3A_296 : vector<256x2560xi1>, vector<256x2560xf32>
    %reduce_max3A_319 = arith.constant dense<0xFF800000> : vector<256xf32>
    %reduce_max3A_320 = vector.multi_reduction <maximumf>, %select_n3A_318, %reduce_max3A_319 [1] : vector<256x2560xf32> to vector<256xf32>
    %broadcast_in_dim3A_321 = vector.shape_cast %reduce_max3A_320 : vector<256xf32> to vector<256x1xf32>
    %eq3A_322 = vector.broadcast %broadcast_in_dim3A_321 : vector<256x1xf32> to vector<256x2560xf32>
    %eq3A_323 = arith.cmpf oeq, %select_n3A_318, %eq3A_322 : vector<256x2560xf32>
    %jit3A_324 = arith.constant 1073741824 : i32
    %broadcast_in_dim3A_325 = vector.broadcast %jit3A_324 : i32 to vector<256x2560xi32>
    %select_n3A_326 = arith.select %eq3A_323, %concatenate3A, %broadcast_in_dim3A_325 : vector<256x2560xi1>, vector<256x2560xi32>
    %reduce_min3A_327 = arith.constant dense<2147483647> : vector<256xi32>
    %reduce_min3A_328 = vector.multi_reduction <minsi>, %select_n3A_326, %reduce_min3A_327 [1] : vector<256x2560xi32> to vector<256xi32>
    %broadcast_in_dim3A_329 = vector.shape_cast %reduce_min3A_328 : vector<256xi32> to vector<256x1xi32>
    %swap3A_330 = arith.constant 0 : index
    %swap3A_331 = arith.constant 8 : index
    %swap3A_332 = vector.load %arg5[%swap3A_330, %swap3A_331] : memref<256x20xf32, #tpu.memory_space<vmem>>, vector<256x1xf32>
    tpu.vector_store %arg5[%swap3A_330, %swap3A_331], %broadcast_in_dim3A_321 {strides = array<i32>} : memref<256x20xf32, #tpu.memory_space<vmem>>, vector<256x1xf32>,
    %swap3A_333 = arith.constant 0 : index
    %swap3A_334 = arith.constant 8 : index
    %swap3A_335 = vector.load %arg6[%swap3A_333, %swap3A_334] : memref<256x20xi32, #tpu.memory_space<vmem>>, vector<256x1xi32>
    tpu.vector_store %arg6[%swap3A_333, %swap3A_334], %broadcast_in_dim3A_329 {strides = array<i32>} : memref<256x20xi32, #tpu.memory_space<vmem>>, vector<256x1xi32>,
    %eq3A_336 = vector.broadcast %broadcast_in_dim3A_329 : vector<256x1xi32> to vector<256x2560xi32>
    %eq3A_337 = arith.cmpi eq, %concatenate3A, %eq3A_336 : vector<256x2560xi32>
    %jit3A_338 = arith.constant -1.000000e+00 : f32
    %broadcast_in_dim3A_339 = vector.broadcast %jit3A_338 : f32 to vector<256x2560xf32>
    %select_n3A_340 = arith.select %eq3A_337, %broadcast_in_dim3A_339, %select_n3A_318 : vector<256x2560xi1>, vector<256x2560xf32>
    %reduce_max3A_341 = arith.constant dense<0xFF800000> : vector<256xf32>
    %reduce_max3A_342 = vector.multi_reduction <maximumf>, %select_n3A_340, %reduce_max3A_341 [1] : vector<256x2560xf32> to vector<256xf32>
    %broadcast_in_dim3A_343 = vector.shape_cast %reduce_max3A_342 : vector<256xf32> to vector<256x1xf32>
    %eq3A_344 = vector.broadcast %broadcast_in_dim3A_343 : vector<256x1xf32> to vector<256x2560xf32>
    %eq3A_345 = arith.cmpf oeq, %select_n3A_340, %eq3A_344 : vector<256x2560xf32>
    %jit3A_346 = arith.constant 1073741824 : i32
    %broadcast_in_dim3A_347 = vector.broadcast %jit3A_346 : i32 to vector<256x2560xi32>
    %select_n3A_348 = arith.select %eq3A_345, %concatenate3A, %broadcast_in_dim3A_347 : vector<256x2560xi1>, vector<256x2560xi32>
    %reduce_min3A_349 = arith.constant dense<2147483647> : vector<256xi32>
    %reduce_min3A_350 = vector.multi_reduction <minsi>, %select_n3A_348, %reduce_min3A_349 [1] : vector<256x2560xi32> to vector<256xi32>
    %broadcast_in_dim3A_351 = vector.shape_cast %reduce_min3A_350 : vector<256xi32> to vector<256x1xi32>
    %swap3A_352 = arith.constant 0 : index
    %swap3A_353 = arith.constant 9 : index
    %swap3A_354 = vector.load %arg5[%swap3A_352, %swap3A_353] : memref<256x20xf32, #tpu.memory_space<vmem>>, vector<256x1xf32>
    tpu.vector_store %arg5[%swap3A_352, %swap3A_353], %broadcast_in_dim3A_343 {strides = array<i32>} : memref<256x20xf32, #tpu.memory_space<vmem>>, vector<256x1xf32>,
    %swap3A_355 = arith.constant 0 : index
    %swap3A_356 = arith.constant 9 : index
    %swap3A_357 = vector.load %arg6[%swap3A_355, %swap3A_356] : memref<256x20xi32, #tpu.memory_space<vmem>>, vector<256x1xi32>
    tpu.vector_store %arg6[%swap3A_355, %swap3A_356], %broadcast_in_dim3A_351 {strides = array<i32>} : memref<256x20xi32, #tpu.memory_space<vmem>>, vector<256x1xi32>,
    %eq3A_358 = vector.broadcast %broadcast_in_dim3A_351 : vector<256x1xi32> to vector<256x2560xi32>
    %eq3A_359 = arith.cmpi eq, %concatenate3A, %eq3A_358 : vector<256x2560xi32>
    %jit3A_360 = arith.constant -1.000000e+00 : f32
    %broadcast_in_dim3A_361 = vector.broadcast %jit3A_360 : f32 to vector<256x2560xf32>
    %select_n3A_362 = arith.select %eq3A_359, %broadcast_in_dim3A_361, %select_n3A_340 : vector<256x2560xi1>, vector<256x2560xf32>
    %reduce_max3A_363 = arith.constant dense<0xFF800000> : vector<256xf32>
    %reduce_max3A_364 = vector.multi_reduction <maximumf>, %select_n3A_362, %reduce_max3A_363 [1] : vector<256x2560xf32> to vector<256xf32>
    %broadcast_in_dim3A_365 = vector.shape_cast %reduce_max3A_364 : vector<256xf32> to vector<256x1xf32>
    %eq3A_366 = vector.broadcast %broadcast_in_dim3A_365 : vector<256x1xf32> to vector<256x2560xf32>
    %eq3A_367 = arith.cmpf oeq, %select_n3A_362, %eq3A_366 : vector<256x2560xf32>
    %jit3A_368 = arith.constant 1073741824 : i32
    %broadcast_in_dim3A_369 = vector.broadcast %jit3A_368 : i32 to vector<256x2560xi32>
    %select_n3A_370 = arith.select %eq3A_367, %concatenate3A, %broadcast_in_dim3A_369 : vector<256x2560xi1>, vector<256x2560xi32>
    %reduce_min3A_371 = arith.constant dense<2147483647> : vector<256xi32>
    %reduce_min3A_372 = vector.multi_reduction <minsi>, %select_n3A_370, %reduce_min3A_371 [1] : vector<256x2560xi32> to vector<256xi32>
    %broadcast_in_dim3A_373 = vector.shape_cast %reduce_min3A_372 : vector<256xi32> to vector<256x1xi32>
    %swap3A_374 = arith.constant 0 : index
    %swap3A_375 = arith.constant 10 : index
    %swap3A_376 = vector.load %arg5[%swap3A_374, %swap3A_375] : memref<256x20xf32, #tpu.memory_space<vmem>>, vector<256x1xf32>
    tpu.vector_store %arg5[%swap3A_374, %swap3A_375], %broadcast_in_dim3A_365 {strides = array<i32>} : memref<256x20xf32, #tpu.memory_space<vmem>>, vector<256x1xf32>,
    %swap3A_377 = arith.constant 0 : index
    %swap3A_378 = arith.constant 10 : index
    %swap3A_379 = vector.load %arg6[%swap3A_377, %swap3A_378] : memref<256x20xi32, #tpu.memory_space<vmem>>, vector<256x1xi32>
    tpu.vector_store %arg6[%swap3A_377, %swap3A_378], %broadcast_in_dim3A_373 {strides = array<i32>} : memref<256x20xi32, #tpu.memory_space<vmem>>, vector<256x1xi32>,
    %eq3A_380 = vector.broadcast %broadcast_in_dim3A_373 : vector<256x1xi32> to vector<256x2560xi32>
    %eq3A_381 = arith.cmpi eq, %concatenate3A, %eq3A_380 : vector<256x2560xi32>
    %jit3A_382 = arith.constant -1.000000e+00 : f32
    %broadcast_in_dim3A_383 = vector.broadcast %jit3A_382 : f32 to vector<256x2560xf32>
    %select_n3A_384 = arith.select %eq3A_381, %broadcast_in_dim3A_383, %select_n3A_362 : vector<256x2560xi1>, vector<256x2560xf32>
    %reduce_max3A_385 = arith.constant dense<0xFF800000> : vector<256xf32>
    %reduce_max3A_386 = vector.multi_reduction <maximumf>, %select_n3A_384, %reduce_max3A_385 [1] : vector<256x2560xf32> to vector<256xf32>
    %broadcast_in_dim3A_387 = vector.shape_cast %reduce_max3A_386 : vector<256xf32> to vector<256x1xf32>
    %eq3A_388 = vector.broadcast %broadcast_in_dim3A_387 : vector<256x1xf32> to vector<256x2560xf32>
    %eq3A_389 = arith.cmpf oeq, %select_n3A_384, %eq3A_388 : vector<256x2560xf32>
    %jit3A_390 = arith.constant 1073741824 : i32
    %broadcast_in_dim3A_391 = vector.broadcast %jit3A_390 : i32 to vector<256x2560xi32>
    %select_n3A_392 = arith.select %eq3A_389, %concatenate3A, %broadcast_in_dim3A_391 : vector<256x2560xi1>, vector<256x2560xi32>
    %reduce_min3A_393 = arith.constant dense<2147483647> : vector<256xi32>
    %reduce_min3A_394 = vector.multi_reduction <minsi>, %select_n3A_392, %reduce_min3A_393 [1] : vector<256x2560xi32> to vector<256xi32>
    %broadcast_in_dim3A_395 = vector.shape_cast %reduce_min3A_394 : vector<256xi32> to vector<256x1xi32>
    %swap3A_396 = arith.constant 0 : index
    %swap3A_397 = arith.constant 11 : index
    %swap3A_398 = vector.load %arg5[%swap3A_396, %swap3A_397] : memref<256x20xf32, #tpu.memory_space<vmem>>, vector<256x1xf32>
    tpu.vector_store %arg5[%swap3A_396, %swap3A_397], %broadcast_in_dim3A_387 {strides = array<i32>} : memref<256x20xf32, #tpu.memory_space<vmem>>, vector<256x1xf32>,
    %swap3A_399 = arith.constant 0 : index
    %swap3A_400 = arith.constant 11 : index
    %swap3A_401 = vector.load %arg6[%swap3A_399, %swap3A_400] : memref<256x20xi32, #tpu.memory_space<vmem>>, vector<256x1xi32>
    tpu.vector_store %arg6[%swap3A_399, %swap3A_400], %broadcast_in_dim3A_395 {strides = array<i32>} : memref<256x20xi32, #tpu.memory_space<vmem>>, vector<256x1xi32>,
    %eq3A_402 = vector.broadcast %broadcast_in_dim3A_395 : vector<256x1xi32> to vector<256x2560xi32>
    %eq3A_403 = arith.cmpi eq, %concatenate3A, %eq3A_402 : vector<256x2560xi32>
    %jit3A_404 = arith.constant -1.000000e+00 : f32
    %broadcast_in_dim3A_405 = vector.broadcast %jit3A_404 : f32 to vector<256x2560xf32>
    %select_n3A_406 = arith.select %eq3A_403, %broadcast_in_dim3A_405, %select_n3A_384 : vector<256x2560xi1>, vector<256x2560xf32>
    %reduce_max3A_407 = arith.constant dense<0xFF800000> : vector<256xf32>
    %reduce_max3A_408 = vector.multi_reduction <maximumf>, %select_n3A_406, %reduce_max3A_407 [1] : vector<256x2560xf32> to vector<256xf32>
    %broadcast_in_dim3A_409 = vector.shape_cast %reduce_max3A_408 : vector<256xf32> to vector<256x1xf32>
    %eq3A_410 = vector.broadcast %broadcast_in_dim3A_409 : vector<256x1xf32> to vector<256x2560xf32>
    %eq3A_411 = arith.cmpf oeq, %select_n3A_406, %eq3A_410 : vector<256x2560xf32>
    %jit3A_412 = arith.constant 1073741824 : i32
    %broadcast_in_dim3A_413 = vector.broadcast %jit3A_412 : i32 to vector<256x2560xi32>
    %select_n3A_414 = arith.select %eq3A_411, %concatenate3A, %broadcast_in_dim3A_413 : vector<256x2560xi1>, vector<256x2560xi32>
    %reduce_min3A_415 = arith.constant dense<2147483647> : vector<256xi32>
    %reduce_min3A_416 = vector.multi_reduction <minsi>, %select_n3A_414, %reduce_min3A_415 [1] : vector<256x2560xi32> to vector<256xi32>
    %broadcast_in_dim3A_417 = vector.shape_cast %reduce_min3A_416 : vector<256xi32> to vector<256x1xi32>
    %swap3A_418 = arith.constant 0 : index
    %swap3A_419 = arith.constant 12 : index
    %swap3A_420 = vector.load %arg5[%swap3A_418, %swap3A_419] : memref<256x20xf32, #tpu.memory_space<vmem>>, vector<256x1xf32>
    tpu.vector_store %arg5[%swap3A_418, %swap3A_419], %broadcast_in_dim3A_409 {strides = array<i32>} : memref<256x20xf32, #tpu.memory_space<vmem>>, vector<256x1xf32>,
    %swap3A_421 = arith.constant 0 : index
    %swap3A_422 = arith.constant 12 : index
    %swap3A_423 = vector.load %arg6[%swap3A_421, %swap3A_422] : memref<256x20xi32, #tpu.memory_space<vmem>>, vector<256x1xi32>
    tpu.vector_store %arg6[%swap3A_421, %swap3A_422], %broadcast_in_dim3A_417 {strides = array<i32>} : memref<256x20xi32, #tpu.memory_space<vmem>>, vector<256x1xi32>,
    %eq3A_424 = vector.broadcast %broadcast_in_dim3A_417 : vector<256x1xi32> to vector<256x2560xi32>
    %eq3A_425 = arith.cmpi eq, %concatenate3A, %eq3A_424 : vector<256x2560xi32>
    %jit3A_426 = arith.constant -1.000000e+00 : f32
    %broadcast_in_dim3A_427 = vector.broadcast %jit3A_426 : f32 to vector<256x2560xf32>
    %select_n3A_428 = arith.select %eq3A_425, %broadcast_in_dim3A_427, %select_n3A_406 : vector<256x2560xi1>, vector<256x2560xf32>
    %reduce_max3A_429 = arith.constant dense<0xFF800000> : vector<256xf32>
    %reduce_max3A_430 = vector.multi_reduction <maximumf>, %select_n3A_428, %reduce_max3A_429 [1] : vector<256x2560xf32> to vector<256xf32>
    %broadcast_in_dim3A_431 = vector.shape_cast %reduce_max3A_430 : vector<256xf32> to vector<256x1xf32>
    %eq3A_432 = vector.broadcast %broadcast_in_dim3A_431 : vector<256x1xf32> to vector<256x2560xf32>
    %eq3A_433 = arith.cmpf oeq, %select_n3A_428, %eq3A_432 : vector<256x2560xf32>
    %jit3A_434 = arith.constant 1073741824 : i32
    %broadcast_in_dim3A_435 = vector.broadcast %jit3A_434 : i32 to vector<256x2560xi32>
    %select_n3A_436 = arith.select %eq3A_433, %concatenate3A, %broadcast_in_dim3A_435 : vector<256x2560xi1>, vector<256x2560xi32>
    %reduce_min3A_437 = arith.constant dense<2147483647> : vector<256xi32>
    %reduce_min3A_438 = vector.multi_reduction <minsi>, %select_n3A_436, %reduce_min3A_437 [1] : vector<256x2560xi32> to vector<256xi32>
    %broadcast_in_dim3A_439 = vector.shape_cast %reduce_min3A_438 : vector<256xi32> to vector<256x1xi32>
    %swap3A_440 = arith.constant 0 : index
    %swap3A_441 = arith.constant 13 : index
    %swap3A_442 = vector.load %arg5[%swap3A_440, %swap3A_441] : memref<256x20xf32, #tpu.memory_space<vmem>>, vector<256x1xf32>
    tpu.vector_store %arg5[%swap3A_440, %swap3A_441], %broadcast_in_dim3A_431 {strides = array<i32>} : memref<256x20xf32, #tpu.memory_space<vmem>>, vector<256x1xf32>,
    %swap3A_443 = arith.constant 0 : index
    %swap3A_444 = arith.constant 13 : index
    %swap3A_445 = vector.load %arg6[%swap3A_443, %swap3A_444] : memref<256x20xi32, #tpu.memory_space<vmem>>, vector<256x1xi32>
    tpu.vector_store %arg6[%swap3A_443, %swap3A_444], %broadcast_in_dim3A_439 {strides = array<i32>} : memref<256x20xi32, #tpu.memory_space<vmem>>, vector<256x1xi32>,
    %eq3A_446 = vector.broadcast %broadcast_in_dim3A_439 : vector<256x1xi32> to vector<256x2560xi32>
    %eq3A_447 = arith.cmpi eq, %concatenate3A, %eq3A_446 : vector<256x2560xi32>
    %jit3A_448 = arith.constant -1.000000e+00 : f32
    %broadcast_in_dim3A_449 = vector.broadcast %jit3A_448 : f32 to vector<256x2560xf32>
    %select_n3A_450 = arith.select %eq3A_447, %broadcast_in_dim3A_449, %select_n3A_428 : vector<256x2560xi1>, vector<256x2560xf32>
    %reduce_max3A_451 = arith.constant dense<0xFF800000> : vector<256xf32>
    %reduce_max3A_452 = vector.multi_reduction <maximumf>, %select_n3A_450, %reduce_max3A_451 [1] : vector<256x2560xf32> to vector<256xf32>
    %broadcast_in_dim3A_453 = vector.shape_cast %reduce_max3A_452 : vector<256xf32> to vector<256x1xf32>
    %eq3A_454 = vector.broadcast %broadcast_in_dim3A_453 : vector<256x1xf32> to vector<256x2560xf32>
    %eq3A_455 = arith.cmpf oeq, %select_n3A_450, %eq3A_454 : vector<256x2560xf32>
    %jit3A_456 = arith.constant 1073741824 : i32
    %broadcast_in_dim3A_457 = vector.broadcast %jit3A_456 : i32 to vector<256x2560xi32>
    %select_n3A_458 = arith.select %eq3A_455, %concatenate3A, %broadcast_in_dim3A_457 : vector<256x2560xi1>, vector<256x2560xi32>
    %reduce_min3A_459 = arith.constant dense<2147483647> : vector<256xi32>
    %reduce_min3A_460 = vector.multi_reduction <minsi>, %select_n3A_458, %reduce_min3A_459 [1] : vector<256x2560xi32> to vector<256xi32>
    %broadcast_in_dim3A_461 = vector.shape_cast %reduce_min3A_460 : vector<256xi32> to vector<256x1xi32>
    %swap3A_462 = arith.constant 0 : index
    %swap3A_463 = arith.constant 14 : index
    %swap3A_464 = vector.load %arg5[%swap3A_462, %swap3A_463] : memref<256x20xf32, #tpu.memory_space<vmem>>, vector<256x1xf32>
    tpu.vector_store %arg5[%swap3A_462, %swap3A_463], %broadcast_in_dim3A_453 {strides = array<i32>} : memref<256x20xf32, #tpu.memory_space<vmem>>, vector<256x1xf32>,
    %swap3A_465 = arith.constant 0 : index
    %swap3A_466 = arith.constant 14 : index
    %swap3A_467 = vector.load %arg6[%swap3A_465, %swap3A_466] : memref<256x20xi32, #tpu.memory_space<vmem>>, vector<256x1xi32>
    tpu.vector_store %arg6[%swap3A_465, %swap3A_466], %broadcast_in_dim3A_461 {strides = array<i32>} : memref<256x20xi32, #tpu.memory_space<vmem>>, vector<256x1xi32>,
    %eq3A_468 = vector.broadcast %broadcast_in_dim3A_461 : vector<256x1xi32> to vector<256x2560xi32>
    %eq3A_469 = arith.cmpi eq, %concatenate3A, %eq3A_468 : vector<256x2560xi32>
    %jit3A_470 = arith.constant -1.000000e+00 : f32
    %broadcast_in_dim3A_471 = vector.broadcast %jit3A_470 : f32 to vector<256x2560xf32>
    %select_n3A_472 = arith.select %eq3A_469, %broadcast_in_dim3A_471, %select_n3A_450 : vector<256x2560xi1>, vector<256x2560xf32>
    %reduce_max3A_473 = arith.constant dense<0xFF800000> : vector<256xf32>
    %reduce_max3A_474 = vector.multi_reduction <maximumf>, %select_n3A_472, %reduce_max3A_473 [1] : vector<256x2560xf32> to vector<256xf32>
    %broadcast_in_dim3A_475 = vector.shape_cast %reduce_max3A_474 : vector<256xf32> to vector<256x1xf32>
    %eq3A_476 = vector.broadcast %broadcast_in_dim3A_475 : vector<256x1xf32> to vector<256x2560xf32>
    %eq3A_477 = arith.cmpf oeq, %select_n3A_472, %eq3A_476 : vector<256x2560xf32>
    %jit3A_478 = arith.constant 1073741824 : i32
    %broadcast_in_dim3A_479 = vector.broadcast %jit3A_478 : i32 to vector<256x2560xi32>
    %select_n3A_480 = arith.select %eq3A_477, %concatenate3A, %broadcast_in_dim3A_479 : vector<256x2560xi1>, vector<256x2560xi32>
    %reduce_min3A_481 = arith.constant dense<2147483647> : vector<256xi32>
    %reduce_min3A_482 = vector.multi_reduction <minsi>, %select_n3A_480, %reduce_min3A_481 [1] : vector<256x2560xi32> to vector<256xi32>
    %broadcast_in_dim3A_483 = vector.shape_cast %reduce_min3A_482 : vector<256xi32> to vector<256x1xi32>
    %swap3A_484 = arith.constant 0 : index
    %swap3A_485 = arith.constant 15 : index
    %swap3A_486 = vector.load %arg5[%swap3A_484, %swap3A_485] : memref<256x20xf32, #tpu.memory_space<vmem>>, vector<256x1xf32>
    tpu.vector_store %arg5[%swap3A_484, %swap3A_485], %broadcast_in_dim3A_475 {strides = array<i32>} : memref<256x20xf32, #tpu.memory_space<vmem>>, vector<256x1xf32>,
    %swap3A_487 = arith.constant 0 : index
    %swap3A_488 = arith.constant 15 : index
    %swap3A_489 = vector.load %arg6[%swap3A_487, %swap3A_488] : memref<256x20xi32, #tpu.memory_space<vmem>>, vector<256x1xi32>
    tpu.vector_store %arg6[%swap3A_487, %swap3A_488], %broadcast_in_dim3A_483 {strides = array<i32>} : memref<256x20xi32, #tpu.memory_space<vmem>>, vector<256x1xi32>,
    %eq3A_490 = vector.broadcast %broadcast_in_dim3A_483 : vector<256x1xi32> to vector<256x2560xi32>
    %eq3A_491 = arith.cmpi eq, %concatenate3A, %eq3A_490 : vector<256x2560xi32>
    %jit3A_492 = arith.constant -1.000000e+00 : f32
    %broadcast_in_dim3A_493 = vector.broadcast %jit3A_492 : f32 to vector<256x2560xf32>
    %select_n3A_494 = arith.select %eq3A_491, %broadcast_in_dim3A_493, %select_n3A_472 : vector<256x2560xi1>, vector<256x2560xf32>
    %reduce_max3A_495 = arith.constant dense<0xFF800000> : vector<256xf32>
    %reduce_max3A_496 = vector.multi_reduction <maximumf>, %select_n3A_494, %reduce_max3A_495 [1] : vector<256x2560xf32> to vector<256xf32>
    %broadcast_in_dim3A_497 = vector.shape_cast %reduce_max3A_496 : vector<256xf32> to vector<256x1xf32>
    %eq3A_498 = vector.broadcast %broadcast_in_dim3A_497 : vector<256x1xf32> to vector<256x2560xf32>
    %eq3A_499 = arith.cmpf oeq, %select_n3A_494, %eq3A_498 : vector<256x2560xf32>
    %jit3A_500 = arith.constant 1073741824 : i32
    %broadcast_in_dim3A_501 = vector.broadcast %jit3A_500 : i32 to vector<256x2560xi32>
    %select_n3A_502 = arith.select %eq3A_499, %concatenate3A, %broadcast_in_dim3A_501 : vector<256x2560xi1>, vector<256x2560xi32>
    %reduce_min3A_503 = arith.constant dense<2147483647> : vector<256xi32>
    %reduce_min3A_504 = vector.multi_reduction <minsi>, %select_n3A_502, %reduce_min3A_503 [1] : vector<256x2560xi32> to vector<256xi32>
    %broadcast_in_dim3A_505 = vector.shape_cast %reduce_min3A_504 : vector<256xi32> to vector<256x1xi32>
    %swap3A_506 = arith.constant 0 : index
    %swap3A_507 = arith.constant 16 : index
    %swap3A_508 = vector.load %arg5[%swap3A_506, %swap3A_507] : memref<256x20xf32, #tpu.memory_space<vmem>>, vector<256x1xf32>
    tpu.vector_store %arg5[%swap3A_506, %swap3A_507], %broadcast_in_dim3A_497 {strides = array<i32>} : memref<256x20xf32, #tpu.memory_space<vmem>>, vector<256x1xf32>,
    %swap3A_509 = arith.constant 0 : index
    %swap3A_510 = arith.constant 16 : index
    %swap3A_511 = vector.load %arg6[%swap3A_509, %swap3A_510] : memref<256x20xi32, #tpu.memory_space<vmem>>, vector<256x1xi32>
    tpu.vector_store %arg6[%swap3A_509, %swap3A_510], %broadcast_in_dim3A_505 {strides = array<i32>} : memref<256x20xi32, #tpu.memory_space<vmem>>, vector<256x1xi32>,
    %eq3A_512 = vector.broadcast %broadcast_in_dim3A_505 : vector<256x1xi32> to vector<256x2560xi32>
    %eq3A_513 = arith.cmpi eq, %concatenate3A, %eq3A_512 : vector<256x2560xi32>
    %jit3A_514 = arith.constant -1.000000e+00 : f32
    %broadcast_in_dim3A_515 = vector.broadcast %jit3A_514 : f32 to vector<256x2560xf32>
    %select_n3A_516 = arith.select %eq3A_513, %broadcast_in_dim3A_515, %select_n3A_494 : vector<256x2560xi1>, vector<256x2560xf32>
    %reduce_max3A_517 = arith.constant dense<0xFF800000> : vector<256xf32>
    %reduce_max3A_518 = vector.multi_reduction <maximumf>, %select_n3A_516, %reduce_max3A_517 [1] : vector<256x2560xf32> to vector<256xf32>
    %broadcast_in_dim3A_519 = vector.shape_cast %reduce_max3A_518 : vector<256xf32> to vector<256x1xf32>
    %eq3A_520 = vector.broadcast %broadcast_in_dim3A_519 : vector<256x1xf32> to vector<256x2560xf32>
    %eq3A_521 = arith.cmpf oeq, %select_n3A_516, %eq3A_520 : vector<256x2560xf32>
    %jit3A_522 = arith.constant 1073741824 : i32
    %broadcast_in_dim3A_523 = vector.broadcast %jit3A_522 : i32 to vector<256x2560xi32>
    %select_n3A_524 = arith.select %eq3A_521, %concatenate3A, %broadcast_in_dim3A_523 : vector<256x2560xi1>, vector<256x2560xi32>
    %reduce_min3A_525 = arith.constant dense<2147483647> : vector<256xi32>
    %reduce_min3A_526 = vector.multi_reduction <minsi>, %select_n3A_524, %reduce_min3A_525 [1] : vector<256x2560xi32> to vector<256xi32>
    %broadcast_in_dim3A_527 = vector.shape_cast %reduce_min3A_526 : vector<256xi32> to vector<256x1xi32>
    %swap3A_528 = arith.constant 0 : index
    %swap3A_529 = arith.constant 17 : index
    %swap3A_530 = vector.load %arg5[%swap3A_528, %swap3A_529] : memref<256x20xf32, #tpu.memory_space<vmem>>, vector<256x1xf32>
    tpu.vector_store %arg5[%swap3A_528, %swap3A_529], %broadcast_in_dim3A_519 {strides = array<i32>} : memref<256x20xf32, #tpu.memory_space<vmem>>, vector<256x1xf32>,
    %swap3A_531 = arith.constant 0 : index
    %swap3A_532 = arith.constant 17 : index
    %swap3A_533 = vector.load %arg6[%swap3A_531, %swap3A_532] : memref<256x20xi32, #tpu.memory_space<vmem>>, vector<256x1xi32>
    tpu.vector_store %arg6[%swap3A_531, %swap3A_532], %broadcast_in_dim3A_527 {strides = array<i32>} : memref<256x20xi32, #tpu.memory_space<vmem>>, vector<256x1xi32>,
    %eq3A_534 = vector.broadcast %broadcast_in_dim3A_527 : vector<256x1xi32> to vector<256x2560xi32>
    %eq3A_535 = arith.cmpi eq, %concatenate3A, %eq3A_534 : vector<256x2560xi32>
    %jit3A_536 = arith.constant -1.000000e+00 : f32
    %broadcast_in_dim3A_537 = vector.broadcast %jit3A_536 : f32 to vector<256x2560xf32>
    %select_n3A_538 = arith.select %eq3A_535, %broadcast_in_dim3A_537, %select_n3A_516 : vector<256x2560xi1>, vector<256x2560xf32>
    %reduce_max3A_539 = arith.constant dense<0xFF800000> : vector<256xf32>
    %reduce_max3A_540 = vector.multi_reduction <maximumf>, %select_n3A_538, %reduce_max3A_539 [1] : vector<256x2560xf32> to vector<256xf32>
    %broadcast_in_dim3A_541 = vector.shape_cast %reduce_max3A_540 : vector<256xf32> to vector<256x1xf32>
    %eq3A_542 = vector.broadcast %broadcast_in_dim3A_541 : vector<256x1xf32> to vector<256x2560xf32>
    %eq3A_543 = arith.cmpf oeq, %select_n3A_538, %eq3A_542 : vector<256x2560xf32>
    %jit3A_544 = arith.constant 1073741824 : i32
    %broadcast_in_dim3A_545 = vector.broadcast %jit3A_544 : i32 to vector<256x2560xi32>
    %select_n3A_546 = arith.select %eq3A_543, %concatenate3A, %broadcast_in_dim3A_545 : vector<256x2560xi1>, vector<256x2560xi32>
    %reduce_min3A_547 = arith.constant dense<2147483647> : vector<256xi32>
    %reduce_min3A_548 = vector.multi_reduction <minsi>, %select_n3A_546, %reduce_min3A_547 [1] : vector<256x2560xi32> to vector<256xi32>
    %broadcast_in_dim3A_549 = vector.shape_cast %reduce_min3A_548 : vector<256xi32> to vector<256x1xi32>
    %swap3A_550 = arith.constant 0 : index
    %swap3A_551 = arith.constant 18 : index
    %swap3A_552 = vector.load %arg5[%swap3A_550, %swap3A_551] : memref<256x20xf32, #tpu.memory_space<vmem>>, vector<256x1xf32>
    tpu.vector_store %arg5[%swap3A_550, %swap3A_551], %broadcast_in_dim3A_541 {strides = array<i32>} : memref<256x20xf32, #tpu.memory_space<vmem>>, vector<256x1xf32>,
    %swap3A_553 = arith.constant 0 : index
    %swap3A_554 = arith.constant 18 : index
    %swap3A_555 = vector.load %arg6[%swap3A_553, %swap3A_554] : memref<256x20xi32, #tpu.memory_space<vmem>>, vector<256x1xi32>
    tpu.vector_store %arg6[%swap3A_553, %swap3A_554], %broadcast_in_dim3A_549 {strides = array<i32>} : memref<256x20xi32, #tpu.memory_space<vmem>>, vector<256x1xi32>,
    %eq3A_556 = vector.broadcast %broadcast_in_dim3A_549 : vector<256x1xi32> to vector<256x2560xi32>
    %eq3A_557 = arith.cmpi eq, %concatenate3A, %eq3A_556 : vector<256x2560xi32>
    %jit3A_558 = arith.constant -1.000000e+00 : f32
    %broadcast_in_dim3A_559 = vector.broadcast %jit3A_558 : f32 to vector<256x2560xf32>
    %select_n3A_560 = arith.select %eq3A_557, %broadcast_in_dim3A_559, %select_n3A_538 : vector<256x2560xi1>, vector<256x2560xf32>
    %reduce_max3A_561 = arith.constant dense<0xFF800000> : vector<256xf32>
    %reduce_max3A_562 = vector.multi_reduction <maximumf>, %select_n3A_560, %reduce_max3A_561 [1] : vector<256x2560xf32> to vector<256xf32>
    %broadcast_in_dim3A_563 = vector.shape_cast %reduce_max3A_562 : vector<256xf32> to vector<256x1xf32>
    %eq3A_564 = vector.broadcast %broadcast_in_dim3A_563 : vector<256x1xf32> to vector<256x2560xf32>
    %eq3A_565 = arith.cmpf oeq, %select_n3A_560, %eq3A_564 : vector<256x2560xf32>
    %jit3A_566 = arith.constant 1073741824 : i32
    %broadcast_in_dim3A_567 = vector.broadcast %jit3A_566 : i32 to vector<256x2560xi32>
    %select_n3A_568 = arith.select %eq3A_565, %concatenate3A, %broadcast_in_dim3A_567 : vector<256x2560xi1>, vector<256x2560xi32>
    %reduce_min3A_569 = arith.constant dense<2147483647> : vector<256xi32>
    %reduce_min3A_570 = vector.multi_reduction <minsi>, %select_n3A_568, %reduce_min3A_569 [1] : vector<256x2560xi32> to vector<256xi32>
    %broadcast_in_dim3A_571 = vector.shape_cast %reduce_min3A_570 : vector<256xi32> to vector<256x1xi32>
    %swap3A_572 = arith.constant 0 : index
    %swap3A_573 = arith.constant 19 : index
    %swap3A_574 = vector.load %arg5[%swap3A_572, %swap3A_573] : memref<256x20xf32, #tpu.memory_space<vmem>>, vector<256x1xf32>
    tpu.vector_store %arg5[%swap3A_572, %swap3A_573], %broadcast_in_dim3A_563 {strides = array<i32>} : memref<256x20xf32, #tpu.memory_space<vmem>>, vector<256x1xf32>,
    %swap3A_575 = arith.constant 0 : index
    %swap3A_576 = arith.constant 19 : index
    %swap3A_577 = vector.load %arg6[%swap3A_575, %swap3A_576] : memref<256x20xi32, #tpu.memory_space<vmem>>, vector<256x1xi32>
    tpu.vector_store %arg6[%swap3A_575, %swap3A_576], %broadcast_in_dim3A_571 {strides = array<i32>} : memref<256x20xi32, #tpu.memory_space<vmem>>, vector<256x1xi32>,
    return
  }
  func.func @transform_0(%arg0: i32) -> (i32, i32) {
    %c0_i32 = arith.constant 0 : i32
    %c0_i32_0 = arith.constant 0 : i32
    return %arg0, %c0_i32 : i32, i32
  }
  func.func @transform_1(%arg0: i32) -> (i32, i32) {
    %c0_i32 = arith.constant 0 : i32
    %c0_i32_0 = arith.constant 0 : i32
    return %arg0, %c0_i32 : i32, i32
  }
  func.func @transform_2(%arg0: i32) -> (i32, i32) {
    %c0_i32 = arith.constant 0 : i32
    %c0_i32_0 = arith.constant 0 : i32
    return %arg0, %c0_i32 : i32, i32
  }
  func.func @transform_3(%arg0: i32) -> (i32, i32) {
    %c0_i32 = arith.constant 0 : i32
    %c0_i32_0 = arith.constant 0 : i32
    return %arg0, %c0_i32 : i32, i32
  }
  func.func @transform_4(%arg0: i32) -> (i32, i32) {
    %c0_i32 = arith.constant 0 : i32
    %c0_i32_0 = arith.constant 0 : i32
    return %arg0, %c0_i32 : i32, i32
  }
  func.func @transform_5(%arg0: i32) -> (i32, i32) {
    %c0_i32 = arith.constant 0 : i32
    %c0_i32_0 = arith.constant 0 : i32
    return %arg0, %c0_i32 : i32, i32
  }
}

</mosaic_0001>

<sc_bundles>
// kernel: gather_offload_async_start.1
scs
__scs_entry_jumppad:
0x0: {  	(pc) =	sbr.rel $0x88, $3  }
0x1: {  	(tag) =	ssettag $0x0;
	lr =	simm.s32 $0x1  }
0x2: {  	[smem:$0x3F9E] =	sst lr;
	_ =	strace $0xD0000000  }
0x3: {  	_ = 	snop  }
0x4: {  	_ = 	snop  }
0x5: {  	_ = 	snop  }
0x6: {  	_ = 	snop  }
0x7: {  	_ = 	snop  }
__scs_overlays_trampoline_lowered:
0x8: {  	[smem:$0x3FAD] =	sst s0  }
0x9: {  	[smem:$0x3FAE] =	sst s1  }
0xa: {  	[smem:$0x3FAF] =	sst s2  }
0xb: {  	[smem:$0x3FB0] =	sst s3  }
0xc: {  	[smem:$0x3FB1] =	sst s4  }
0xd: {  	[smem:$0x3FB2] =	sst s5  }
0xe: {  	[smem:$0x3FB3] =	sst s6  }
0xf: {  	[smem:$0x3FB4] =	sst s7  }
0x10: {  	[smem:$0x3FB5] =	sst s8  }
0x11: {  	[smem:$0x3FB6] =	sst s9;
	s0 =	simm.s32 @!p0 $0x0  }
0x12: {  	s1 =	sld [smem:$0x3F9C];
	s0 =	simm.s32 @p0 $0x1  }
0x13: {  	[smem:$0x3FB7] =	sst s0;
	s0 =	simm.s32 @!p1 $0x0  }
0x14: {  	s2 =	sld [smem:$0x3F9B];
	s0 =	simm.s32 @p1 $0x1  }
0x15: {  	[smem:$0x3FB8] =	sst s0;
	s0 =	simm.s32 @!p2 $0x0  }
0x16: {  	s3 =	sld [smem:$0x3FDB];
	s0 =	simm.s32 @p2 $0x1  }
0x17: {  	s4 =	simm.s32 $0x1BF5;
	[smem:$0x3FBA] =	sst s0  }
0x18: {  	s0 =	sld [smem:$0x3F9D];
	_ =	swait.ge [sflag:s4], $0x0  }
0x19: {  	s7 =	sld [smem:$0x3F9E]  }
0x1a: {  	s8 =	sadd.s32 $0xFFFFE003, lr  }
0x1b: {  	s9 =	sadd.s32 $0xFFFFFEF7, lr;
	s5 =	simm.s32 $0xFFFFFFFF;
	p2 =	slt.u32 s8, $0xFFFFF086  }
0x1c: {  	p1 =	slt.u32 s9, $0xF7A;
	s5 =	simm.s32 @!p2 $0x0  }
0x1d: {  	s5 =	simm.s32 @p1 $0x1;
	p0 =	seq.s32 s7, s2  }
0x1e: {  	s7 =	smul.u32 @!p0 $0xF7A, s2;
	p2 =	seq.s32 @!p0 s5, $0x0  }
0x1f: {  	s9 =	smul.u32 $0xF7A, s1;
	s8 =	simm.s32 @!p0 $0x1BF5;
	p2 =	por !p2, p0  }
0x20: {  	[sflag:s8] =	ssyncset.s32 @!p0 $0xFFFFF086;
	s6 =	sadd.s32 @!p0 s3, s7;
	s7 =	simm.s32 @!p0 $0x108  }
0x21: {  	s3 =	sadd.s32 s3, s9;
	s6 =	sadd.s32 @!p0 $0x88, s6;
	s7 =	simm.s32 @p2 $0x1082  }
0x22: {  	[simem:s7], [sflag:s8] =	dma.local @!p0 [hbm:s6], $0xF7A  }
0x23: {  	s9 =	sor.u32 $0xD0000000, s2;
	s6 =	simm.s32 $0x108;
	_ =	swait.ge @!p0 [sflag:s8], $0x0  }
0x24: {  	s3 =	sadd.s32 $0x88, s3;
	s6 =	simm.s32 @!p1 $0x1082;
	[sflag:s4] =	ssyncset.s32 $0xFFFFF086  }
0x25: {  	[simem:s6], [sflag:s4] =	dma.local [hbm:s3], $0xF7A  }
0x26: {  	[smem:$0x3F9E] =	sst s1;
	(tag) =	ssettag s2;
	_ =	strace s9  }
0x27: {  	s1 =	sld [smem:$0x3FAE]  }
0x28: {  	s2 =	sld [smem:$0x3FAF]  }
0x29: {  	s4 =	sld [smem:$0x3FB1]  }
0x2a: {  	p0 =	seq.s32 s5, $0x0;
	s5 =	sld [smem:$0x3FB2]  }
0x2b: {  	s6 =	sld [smem:$0x3FB3]  }
0x2c: {  	s7 =	sld [smem:$0x3FB4]  }
0x2d: {  	s3 =	simm.s32 $0x108;
	s8 =	sld [smem:$0x3FB5]  }
0x2e: {  	s3 =	simm.s32 @!p0 $0x1082;
	s9 =	sld [smem:$0x3FB6]  }
0x2f: {  	lr =	sadd.s32 s0, s3;
	s0 =	sld [smem:$0x3FAD]  }
0x30: {  	s3 =	sld [smem:$0x3FB0]  }
0x31: {  	[smem:$0x3FB9] =	sst s10  }
0x32: {  	s10 =	sld [smem:$0x3FB7];
	_ =	sdelay $0x3  }
0x33: {  	p0 =	seq.s32 s10, $0x1;
	s10 =	sld [smem:$0x3FB9];
	_ =	sdelay $0x3  }
0x34: {  	[smem:$0x3FB9] =	sst s10  }
0x35: {  	s10 =	sld [smem:$0x3FB8];
	_ =	sdelay $0x3  }
0x36: {  	p1 =	seq.s32 s10, $0x1;
	s10 =	sld [smem:$0x3FB9];
	_ =	sdelay $0x3  }
0x37: {  	[smem:$0x3FB9] =	sst s10  }
0x38: {  	s10 =	sld [smem:$0x3FBA]  }
0x39: {  	_ = 	snop;
	(pc) =	sbr.ind lr, $3  }
0x3a: {  	_ = 	snop  }
0x3b: {  	_ = 	snop  }
0x3c: {  	p2 =	seq.s32 s10, $0x1;
	s10 =	sld [smem:$0x3FB9]  }
0x3d: {  	_ =	shalt  }
0x3e: {  	_ =	shalt  }
0x3f: {  	_ =	shalt  }
0x40: {  	_ =	shalt  }
0x41: {  	_ =	shalt  }
0x42: {  	_ =	shalt  }
0x43: {  	_ =	shalt  }
0x44: {  	_ =	shalt  }
0x45: {  	_ =	shalt  }
0x46: {  	_ =	shalt  }
0x47: {  	_ =	shalt  }
0x48: {  	_ =	shalt  }
0x49: {  	_ =	shalt  }
0x4a: {  	_ =	shalt  }
0x4b: {  	_ =	shalt  }
0x4c: {  	_ =	shalt  }
0x4d: {  	_ =	shalt  }
0x4e: {  	_ =	shalt  }
0x4f: {  	_ =	shalt  }
0x50: {  	_ =	shalt  }
0x51: {  	_ =	shalt  }
0x52: {  	_ =	shalt  }
0x53: {  	_ =	shalt  }
0x54: {  	_ =	shalt  }
0x55: {  	_ =	shalt  }
0x56: {  	_ =	shalt  }
0x57: {  	_ =	shalt  }
0x58: {  	_ =	shalt  }
0x59: {  	_ =	shalt  }
0x5a: {  	_ =	shalt  }
0x5b: {  	_ =	shalt  }
0x5c: {  	_ =	shalt  }
0x5d: {  	_ =	shalt  }
0x5e: {  	_ =	shalt  }
0x5f: {  	_ =	shalt  }
0x60: {  	_ =	shalt  }
0x61: {  	_ =	shalt  }
0x62: {  	_ =	shalt  }
0x63: {  	_ =	shalt  }
0x64: {  	_ =	shalt  }
0x65: {  	_ =	shalt  }
0x66: {  	_ =	shalt  }
0x67: {  	_ =	shalt  }
0x68: {  	_ =	shalt  }
0x69: {  	_ =	shalt  }
0x6a: {  	_ =	shalt  }
0x6b: {  	_ =	shalt  }
0x6c: {  	_ =	shalt  }
0x6d: {  	_ =	shalt  }
0x6e: {  	_ =	shalt  }
0x6f: {  	_ =	shalt  }
0x70: {  	_ =	shalt  }
0x71: {  	_ =	shalt  }
0x72: {  	_ =	shalt  }
0x73: {  	_ =	shalt  }
0x74: {  	_ =	shalt  }
0x75: {  	_ =	shalt  }
0x76: {  	_ =	shalt  }
0x77: {  	_ =	shalt  }
0x78: {  	_ =	shalt  }
0x79: {  	_ =	shalt  }
0x7a: {  	_ =	shalt  }
0x7b: {  	_ =	shalt  }
0x7c: {  	_ =	shalt  }
0x7d: {  	_ =	shalt  }
0x7e: {  	_ =	shalt  }
0x7f: {  	_ =	shalt  }
0x80: {  	_ =	shalt  }
0x81: {  	_ =	shalt  }
0x82: {  	_ =	shalt  }
0x83: {  	_ =	shalt  }
0x84: {  	_ =	shalt  }
0x85: {  	_ =	shalt  }
0x86: {  	_ =	shalt  }
0x87: {  	_ =	shalt  }
.Lfunc_end0:
.L_simem_size_0:
called_computation.2_lowered:
.L_overlay_start_0:
0x88: {  	s2 =	sld [smem:$0x3FD9]  }
0x89: {  	s3 =	sld [smem:$0x3FFE];
	_ =	sdelay $0x1  }
0x8a: {  	s1 =	srdreg.scid  }
0x8b: {  	s0 =	sand.u32 $0x1, s1  }
0x8c: {  	s14 =	sshll.u32 s0, $0xA;
	s2 =	sadd.s32 s3, s2  }
0x8d: {  	s2 =	sadd.s32 s2, s14  }
0x8e: {  	[smem:$0x3FC5] =	sst s2  }
0x8f: {  	_ = 	snop  }
0x90: {  	s2 =	sld [smem:$0x3FD0];
	_ =	sdelay $0x2  }
0x91: {  	s15 =	simm.s32 $0xB;
	s4 =	simm.s32 $0x10  }
0x92: {  	[smem:s4], [sflag:s15] =	dma.local [hbm:s2], $0x1  }
0x93: {  	_ =	swait.eq [sflag:s15], $0x1  }
0x94: {  	[sflag:s15] =	ssyncset.done $0x0  }
0x95: {  	[sflag:s15] =	ssyncadd.s32 $0xFFFFFFFF  }
0x96: {  	s16 =	sld [smem:$0x13];
	(tm) =	ssettm $0x1  }
0x97: {  	s17 =	sld [smem:$0x3FFB];
	_ =	sdelay $0x3  }
0x98: {  	_ =	strace s17  }
0x99: {  	s3 =	sld [smem:$0x3FFC];
	_ =	sdelay $0x3  }
0x9a: {  	_ =	strace s3  }
0x9b: {  	s3 =	sld [smem:$0x3FFD];
	_ =	sdelay $0x3  }
0x9c: {  	_ =	strace s3  }
0x9d: {  	_ =	strace $0x8FFFFFFF  }
0x9e: {  	s18 =	sld [smem:$0x3FDB];
	_ =	sdelay $0x1  }
0x9f: {  	s19 =	simm.s32 $_scs_section_size  }
0xa0: {  	s5 =	simm.s32 $_size__tile_overlayer_lowered;
	s6 =	simm.s32 $_tile_overlayer_lowered  }
0xa1: {  	s22 =	simm.s32 $0x1BFF;
	s21 =	sshll.u32 s6, $0x1;
	s3 =	sadd.s32 s19, s18  }
0xa2: {  	s7 =	simm.s32 $0x0;
	s20 =	sshll.u32 s5, $0x1;
	s5 =	sadd.s32 s21, s3  }
0xa3: {  	[timem:s7], [sflag:s22] =	dma.local [hbm:s5], s20  }
0xa4: {  	_ =	swait.ge [sflag:s22], s20  }
0xa5: {  	s4 =	ssub.s32 $0x0, s20;
	[sflag:s22] =	ssyncset.done $0x0  }
0xa6: {  	[sflag:s22] =	ssyncadd.s32 s4;
	_ =	sdelay $0x1  }
0xa7: {  	s23 =	simm.s32 $0x1B8B  }
0xa8: {  	_ =	swait.ge [sflag:s23], $0x1  }
0xa9: {  	[sflag:s23] =	ssyncset.done $0x0  }
0xaa: {  	s25 =	simm.s32 $0x1B8E;
	s24 =	sld [smem:$0x3FFE];
	[sflag:s23] =	ssyncadd.s32 $0xFFFFFFFF  }
0xab: {  	s26 =	simm.s32 $execute0_lowered;
	[smem:$0x3FD2] =	sst s25  }
0xac: {  	s5 =	sshll.u32 s26, $0x1;
	_ =	strace $0x80000049;
	[dreg:$0x1] =	wrdreg $0xFFFFFFFF  }
0xad: {  	s28 =	simm.s32 $_size_execute0_lowered;
	s3 =	sadd.s32 s3, s5;
	[dreg:$0x0] =	wrdreg $0x0  }
0xae: {  	s5 =	sshll.u32 s28, $0x1;
	[dreg:$0x2] =	wrdreg s3  }
0xaf: {  	[dreg:$0x3] =	wrdreg s5  }
0xb0: {  	[dreg:$0x4] =	wrdreg $0xC0  }
0xb1: {  	_ =	task [dreg:s7], $0x5FFFF  }
0xb2: {  	[dreg:$0x1] =	wrdreg $0xFFFFFFFF  }
0xb3: {  	[dreg:$0x0] =	wrdreg $0x60  }
0xb4: {  	[dreg:$0x2] =	wrdreg s24  }
0xb5: {  	[dreg:$0x3] =	wrdreg s16  }
0xb6: {  	[dreg:$0x4] =	wrdreg $0xA  }
0xb7: {  	_ =	task.clear_ibuf [dreg:s7], $0x5FFFF;
	_ =	strace $0x90000049  }
0xb8: {  	s29 =	simm.s32 $0xA;
	_ =	strace $0x8000004B  }
0xb9: {  	_ =	swait.ge [sflag:s29], $0x1  }
0xba: {  	[sflag:s29] =	ssyncadd.s32 $0xFFFFFFFF  }
0xbb: {  	_ =	strace $0x9000004B  }
0xbc: {  	_ =	sfence  }
0xbd: {  	s30 =	sld [smem:$0x0];
	_ =	sdelay $0x2  }
0xbe: {  	s31 =	sshll.u32 s1, $0xD;
	s1 =	sshrl.u32 s1, $0x2  }
0xbf: {  	s3 =	sand.u32 $0x4000, s31;
	s1 =	sadd.s32 s1, s30  }
0xc0: {  	s0 =	sor.u32 s3, s0;
	s1 =	sshll.u32 s1, $0x11  }
0xc1: {  	s0 =	sor.u32 s1, s0  }
0xc2: {  	s0 =	sadd.s32 $0x8F2B, s0  }
0xc3: {  	[sflag:s0] =	ssyncadd.remote.s32 $0x1  }
0xc4: {  	_ =	sfence.sel $0xFFFF  }
0xc5: {  	[dreg:$0x0] =	wrdreg $0xFFFFFFFF;
	(pc) =	sbr.abs _section_cstart, $3  }
0xc6: {  	[dreg:$0x1] =	wrdreg $0xFFFFFFFF  }
0xc7: {  	_ =	task.clear_ibuf [dreg:s7], $0x2FFFF;
	_ =	strace $0x9FFFFFFF  }
0xc8: {  	(tm) =	ssettm $0x7FFFFFFF  }
0xc9: {  	_ =	shalt  }
tec
execute0_lowered:
.L_overlay_start_1:
0x0: {  	(tag) =	ssettag $0x1  }
0x1: {  	s1 =	srdreg.scid;
	s5 =	rddreg [dreg:$0x0]  }
0x2: {  	s0 =	stileid.u32;
	s2 =	rddreg [dreg:$0x1];
	s6 =	simm.s32 $0x1  }
0x3: {  	s9 =	simm.s32 $0x1;
	s10 =	simm.s32 $0x3;
	s1 =	sshll.u32 s1, $0x9  }
0x4: {  	s13 =	simm.s32 $0x0;
	s3 =	sshll.u32 s0, $0xA;
	s4 =	sand.u32 $0x200, s1  }
0x5: {  	s12 =	simm.s32 $0x0;
	s1 =	rddreg [dreg:$0x2];
	s3 =	sor.u32 s3, s4  }
0x6: {  	_ =	strace $0x8000004A;
	s4 =	sadd.s32 $0x400, s5;
	s8 =	ssub.s32 $0x5000, s3  }
.Ltmp0:
0x7: {  	s5 =	sadd.s32 $0x1C00, s5;
	s7 =	sand.u32 $0x3E00, s8;
	(pc) =	sbr.rel .LBB2_1-.Ltmp0, $4  }
0x8: {  	[sflag:s6] =	ssyncpa.u1 $0x0;
	s11 =	smov.u32 s3;
	p0 =	sne.s32 s7, $0x0  }
0x9: {  	s8 =	sshrl.u32 s8, $0xE;
	s7 =	simm.s32 $0x2;
	s9 =	simm.s32 @!p0 $0x0  }
0xa: {  	[sflag:s7] =	ssyncpa.u1 $0x0;
	p0 =	por $0x0, $0x0;
	s8 =	sadd.s32 s9, s8  }
0xb: {  	vm0 =	vmmov $0xffff;
	[sflag:s10] =	ssyncpa.u1 $0x0;
	s10 =	simm.s32 $0x0;
	s9 =	sadd.s32 $0x1, s8  }
.LBB2_4:
0xc: {  	vm1 =	veq.s32 v0, $0x80000000;
	v63 =	vand.u32 $0x3FF, v0;
	v2 =	vand.u32 $0x1F, v2  }
0xd: {  	v0 =	vsel vm1, $0xFFFFFFFF, v63;
	v2 =	vsel vm1, $0xFFFFFFFF, v2  }
0xe: {  	v3 =	vshll.u32 v2, $0xA;
	v4 =	vshll.u32 v0, $0x3  }
0xf: {  	v2 =	vshll.u32 v2, $0x7;
	v3 =	vand.u32 $0xFFFFE000, v3;
	v4 =	vand.u32 $0xFFFFFC00, v4  }
0x10: {  	v2 =	vand.u32 $0x380, v2;
	v3 =	vadd.s32 v4, v3  }
0x11: {  	v0 =	vand.u32 $0x7F, v0;
	v2 =	vor.u32 v2, v3  }
0x12: {  	v0 =	vor.u32 v0, v2;
	_ =	sdelay $0x1  }
0x13: {  	(ifvalue) =	ssetifvalue $0x7FFFFFFF;
	s14 =	sadd.s32 $0x10, s14  }
0x14: {  	[tilespmem:s14], [sflag:$0x1] =	stream.indirect_vreg.gather [hbm4b:s4+s10], $0x1, v1, vm0, $0x4038;
	[tilespmem:$0x800] =	vst v63  }
0x15: {  	(ifvalue) =	ssetifvalue $0x7FFFFFFF;
	s14 =	sadd.s32 $0x10, s14  }
0x16: {  	[tilespmem:s14], [sflag:$0x1] =	stream.indirect_vreg.gather [hbm4b:s4+s10], $0x1, v0, vm0, $0x4038;
	[tilespmem:$0x800] =	vst v63  }
0x17: {  	_ =	swait.ge [sflag:s6], $0x200  }
0x18: {  	s30 =	sshrl.u32 s13, $0x3;
	[sflag:s6] =	ssyncset.done $0x0  }
0x19: {  	s31 =	sand.u32 $0x7, s13;
	s14 =	sadd.s32 s2, s30;
	[sflag:s6] =	ssyncadd.s32 $0xFFFFFE00  }
0x1a: {  	[hbm4b:s14+s31] =	stream.linear.scatter [tilespmem:s15], [sflag:$0x3], $0x200, $0x38;
	[tilespmem:$0x800] =	vst v63  }
.LBB2_5:
0x1b: {  	s15 =	sadd.s32 $0x4000, s11  }
0x1c: {  	p2 =	sgt.s32 s15, $0x4FFF  }
0x1d: {  	s15 =	smov.u32 @p2 s3;
	p2 =	sne.s32 s12, s9  }
.Ltmp1:
0x1e: {  	p1 =	slt.u32 s12, $0x2;
	(pc) =	sbr.rel @!p2 .LBB2_6-.Ltmp1, $4  }
0x1f: {  	s14 =	simm.s32 @!p1 $0x3  }
0x20: {  	s16 =	sadd.s32 $0x1, s12;
	_ =	swait.ge @!p1 [sflag:s14], $0x200  }
0x21: {  	s13 =	smov.u32 s11;
	p0 =	por !p0, !p0;
	[sflag:s14] =	ssyncset.done @!p1 $0x0  }
0x22: {  	s12 =	smov.u32 s16;
	s11 =	smov.u32 s15;
	[sflag:s14] =	ssyncadd.s32 @!p1 $0xFFFFFE00  }
.LBB2_1:
0x23: {  	p1 =	sge.u32 s12, s8  }
0x24: {  	s14 =	sxor.u32 @!p1 $0xFFFFFFFF, s12  }
0x25: {  	s31 =	sadd.s32 $0xFFFFFFFF, s12;
	s15 =	sshrl.u32 @!p1 s11, $0x3;
	s14 =	sshll.u32 @!p1 s14, $0x9  }
0x26: {  	s16 =	sand.u32 @!p1 $0x7, s11;
	s15 =	sadd.s32 @!p1 s5, s15;
	s14 =	sand.u32 @!p1 $0x200, s14  }
0x27: {  	[tilespmem:s14], [sflag:$0x2] =	stream.linear.gather @!p1 [hbm4b:s15+s16], $0x200, $0x38;
	[tilespmem:$0x800] =	vst v63  }
0x28: {  	p1 =	sge.u32 s31, s8  }
.Ltmp2:
0x29: {  	_ = 	snop;
	(pc) =	sbr.rel @p1 .LBB2_5-.Ltmp2, $1  }
0x2a: {  	_ =	sdelay $0x3  }
0x2b: {  	s14 =	simm.s32 $0x1  }
0x2c: {  	_ =	swait.ge [sflag:s7], $0x200;
	s14 =	simm.s32 @!p0 $0x0  }
0x2d: {  	[sflag:s7] =	ssyncset.done $0x0;
	s14 =	sshll.u32 s14, $0x9  }
0x2e: {  	[sflag:s7] =	ssyncadd.s32 $0xFFFFFE00;
	(ifvalue) =	ssetifvalue $0x7FFFFFFF;
	v0 =	vld.msk [tilespmem:s14+$0x0 ss:$0x1], $0xffff;
	_ =	sdelay $0x4  }
0x2f: {  	s15 =	sadd.s32 $0x10, s14;
	v1 =	vshrl.u32 v0, $0xA  }
0x30: {  	v2 =	vld.msk [tilespmem:s15+$0x0 ss:$0x1], $0xffff;
	vm1 =	veq.s32 v0, $0x80000000;
	v0 =	vand.u32 $0x3FF, v0;
	v1 =	vand.u32 $0x1F, v1  }
0x31: {  	v0 =	vsel vm1, $0xFFFFFFFF, v0;
	v1 =	vsel vm1, $0xFFFFFFFF, v1  }
0x32: {  	v4 =	vshll.u32 v0, $0x3;
	v3 =	vshll.u32 v1, $0xA  }
0x33: {  	v4 =	vand.u32 $0xFFFFFC00, v4;
	v1 =	vshll.u32 v1, $0x7;
	v3 =	vand.u32 $0xFFFFE000, v3  }
0x34: {  	v0 =	vand.u32 $0x7F, v0;
	v1 =	vand.u32 $0x380, v1;
	v3 =	vadd.s32 v4, v3  }
0x35: {  	vm1 =	veq.s32 v2, $0x80000000;
	v1 =	vor.u32 v1, v3;
	v3 =	vshrl.u32 v2, $0xA  }
0x36: {  	s17 =	sadd.s32 $0x10, s15;
	v2 =	vand.u32 $0x3FF, v2;
	v1 =	vor.u32 v0, v1;
	v3 =	vand.u32 $0x1F, v3  }
0x37: {  	v0 =	vld.msk [tilespmem:s17+$0x0 ss:$0x1], $0xffff;
	v2 =	vsel vm1, $0xFFFFFFFF, v2;
	v3 =	vsel vm1, $0xFFFFFFFF, v3  }
0x38: {  	v5 =	vshll.u32 v2, $0x3;
	v63 =	vshll.u32 v3, $0xA  }
0x39: {  	s31 =	sshll.u32 s12, $0x9;
	v5 =	vand.u32 $0xFFFFFC00, v5;
	v3 =	vshll.u32 v3, $0x7;
	v4 =	vand.u32 $0xFFFFE000, v63  }
0x3a: {  	s14 =	sor.u32 $0x400, s14;
	s15 =	sand.u32 $0x200, s31;
	(ifvalue) =	ssetifvalue $0x7FFFFFFF;
	v3 =	vand.u32 $0x380, v3;
	v4 =	vadd.s32 v5, v4  }
0x3b: {  	[tilespmem:s14], [sflag:$0x1] =	stream.indirect_vreg.gather [hbm4b:s4+s10], $0x1, v1, vm0, $0x4038;
	v1 =	vand.u32 $0x7F, v2;
	v3 =	vor.u32 v3, v4;
	[tilespmem:$0x800] =	vst v63  }
0x3c: {  	s16 =	simm.s32 $0x20;
	s15 =	sor.u32 $0x400, s15;
	s17 =	sadd.s32 $0x10, s17;
	v2 =	vshrl.u32 v0, $0xA;
	v1 =	vor.u32 v1, v3  }
.LBB2_3:
0x3d: {  	s16 =	sadd.s32 $0x10, s16;
	vm1 =	veq.s32 v0, $0x80000000;
	v3 =	vand.u32 $0x3FF, v0;
	v0 =	vld.msk [tilespmem:s17+$0x0 ss:$0x1], $0xffff;
	v2 =	vand.u32 $0x1F, v2  }
0x3e: {  	p1 =	slt.u32 s16, $0x1F0;
	v3 =	vsel vm1, $0xFFFFFFFF, v3;
	v2 =	vsel vm1, $0xFFFFFFFF, v2  }
.Ltmp3:
0x3f: {  	v4 =	vshll.u32 v2, $0xA;
	v5 =	vshll.u32 v3, $0x3;
	(pc) =	sbr.rel @p1 .LBB2_3-.Ltmp3, $4  }
0x40: {  	s14 =	sadd.s32 $0x10, s14;
	v2 =	vshll.u32 v2, $0x7;
	v4 =	vand.u32 $0xFFFFE000, v4;
	v5 =	vand.u32 $0xFFFFFC00, v5;
	(ifvalue) =	ssetifvalue $0x7FFFFFFF  }
0x41: {  	v2 =	vand.u32 $0x380, v2;
	v4 =	vadd.s32 v5, v4;
	[tilespmem:s14], [sflag:$0x1] =	stream.indirect_vreg.gather [hbm4b:s4+s10], $0x1, v1, vm0, $0x4038;
	[tilespmem:$0x800] =	vst v63  }
0x42: {  	v1 =	vand.u32 $0x7F, v3;
	v3 =	vor.u32 v2, v4  }
0x43: {  	s17 =	sadd.s32 $0x10, s17;
	v2 =	vshrl.u32 v0, $0xA;
	v1 =	vor.u32 v1, v3  }
.Ltmp4:
0x44: {  	_ = 	snop;
	(pc) =	sbr.rel .LBB2_4-.Ltmp4, $1  }
0x45: {  	_ =	sdelay $0x3  }
.LBB2_6:
0x46: {  	_ =	sfence.sel $0x180000  }
0x47: {  	s2 =	simm.s32 $0x2;
	[bflag:$0x0] =	sbarrier.arrive $0xFFFF  }
0x48: {  	s30 =	simm.s32 $0x3;
	[sflag:s2] =	ssyncpa.u1 $0x1  }
0x49: {  	s31 =	simm.s32 $0x1;
	[sflag:s30] =	ssyncpa.u1 $0x1  }
0x4a: {  	[sflag:s31] =	ssyncpa.u1 $0x1  }
0x4b: {  	p0 =	sne.s32 s0, $0x0;
	_ =	strace $0x9000004A  }
0x4c: {  	s0 =	sadd.s32 @!p0 $0x100000, s1;
	[bflag:$0x2] =	sbarrier.arrive $0xFFFF  }
0x4d: {  	[sflag:s0] =	ssyncadd.tile.s32 @!p0 $0x1;
	_ =	shalt  }
.Lfunc_end2:
_tile_overlayer_lowered:
.L_overlay_start_2:
0x4e: {  	(tag) =	ssettag $0x2  }
0x4f: {  	s0 =	rddreg [dreg:$0x0];
	s2 =	stileid.u32  }
0x50: {  	s1 =	rddreg [dreg:$0x1];
	p0 =	sne.s32 s2, $0x0  }
0x51: {  	s3 =	rddreg [dreg:$0x2];
	[bflag:$0x3] =	sbarrier.arrive $0xFFFF;
	s2 =	simm.s32 @!p0 $0x1C01  }
0x52: {  	[timem:s3], [sflag:s2] =	dma.local @!p0 [hbm:s0], s1  }
0x53: {  	s0 =	simm.s32 @!p0 $0x1  }
0x54: {  	_ =	swait.ge @!p0 [sflag:s0], s1  }
0x55: {  	s1 =	ssub.s32 @!p0 $0x0, s1;
	[sflag:s0] =	ssyncset.done @!p0 $0x0  }
0x56: {  	[sflag:s0] =	ssyncadd.s32 @!p0 s1  }
0x57: {  	[bflag:$0x3] =	sbarrier.arrive $0xFFFF  }
0x58: {  	_ =	shalt  }

// kernel: gather_offload_async_start
scs
__scs_entry_jumppad:
0x0: {  	(pc) =	sbr.rel $0x88, $3  }
0x1: {  	(tag) =	ssettag $0x0;
	lr =	simm.s32 $0x1  }
0x2: {  	[smem:$0x3F9E] =	sst lr;
	_ =	strace $0xD0000000  }
0x3: {  	_ = 	snop  }
0x4: {  	_ = 	snop  }
0x5: {  	_ = 	snop  }
0x6: {  	_ = 	snop  }
0x7: {  	_ = 	snop  }
__scs_overlays_trampoline_lowered:
0x8: {  	[smem:$0x3FAD] =	sst s0  }
0x9: {  	[smem:$0x3FAE] =	sst s1  }
0xa: {  	[smem:$0x3FAF] =	sst s2  }
0xb: {  	[smem:$0x3FB0] =	sst s3  }
0xc: {  	[smem:$0x3FB1] =	sst s4  }
0xd: {  	[smem:$0x3FB2] =	sst s5  }
0xe: {  	[smem:$0x3FB3] =	sst s6  }
0xf: {  	[smem:$0x3FB4] =	sst s7  }
0x10: {  	[smem:$0x3FB5] =	sst s8  }
0x11: {  	[smem:$0x3FB6] =	sst s9;
	s0 =	simm.s32 @!p0 $0x0  }
0x12: {  	s1 =	sld [smem:$0x3F9C];
	s0 =	simm.s32 @p0 $0x1  }
0x13: {  	[smem:$0x3FB7] =	sst s0;
	s0 =	simm.s32 @!p1 $0x0  }
0x14: {  	s2 =	sld [smem:$0x3F9B];
	s0 =	simm.s32 @p1 $0x1  }
0x15: {  	[smem:$0x3FB8] =	sst s0;
	s0 =	simm.s32 @!p2 $0x0  }
0x16: {  	s3 =	sld [smem:$0x3FDB];
	s0 =	simm.s32 @p2 $0x1  }
0x17: {  	s4 =	simm.s32 $0x1BF5;
	[smem:$0x3FBA] =	sst s0  }
0x18: {  	s0 =	sld [smem:$0x3F9D];
	_ =	swait.ge [sflag:s4], $0x0  }
0x19: {  	s7 =	sld [smem:$0x3F9E]  }
0x1a: {  	s8 =	sadd.s32 $0xFFFFE003, lr  }
0x1b: {  	s9 =	sadd.s32 $0xFFFFFEF7, lr;
	s5 =	simm.s32 $0xFFFFFFFF;
	p2 =	slt.u32 s8, $0xFFFFF086  }
0x1c: {  	p1 =	slt.u32 s9, $0xF7A;
	s5 =	simm.s32 @!p2 $0x0  }
0x1d: {  	s5 =	simm.s32 @p1 $0x1;
	p0 =	seq.s32 s7, s2  }
0x1e: {  	s7 =	smul.u32 @!p0 $0xF7A, s2;
	p2 =	seq.s32 @!p0 s5, $0x0  }
0x1f: {  	s9 =	smul.u32 $0xF7A, s1;
	s8 =	simm.s32 @!p0 $0x1BF5;
	p2 =	por !p2, p0  }
0x20: {  	[sflag:s8] =	ssyncset.s32 @!p0 $0xFFFFF086;
	s6 =	sadd.s32 @!p0 s3, s7;
	s7 =	simm.s32 @!p0 $0x108  }
0x21: {  	s3 =	sadd.s32 s3, s9;
	s6 =	sadd.s32 @!p0 $0x88, s6;
	s7 =	simm.s32 @p2 $0x1082  }
0x22: {  	[simem:s7], [sflag:s8] =	dma.local @!p0 [hbm:s6], $0xF7A  }
0x23: {  	s9 =	sor.u32 $0xD0000000, s2;
	s6 =	simm.s32 $0x108;
	_ =	swait.ge @!p0 [sflag:s8], $0x0  }
0x24: {  	s3 =	sadd.s32 $0x88, s3;
	s6 =	simm.s32 @!p1 $0x1082;
	[sflag:s4] =	ssyncset.s32 $0xFFFFF086  }
0x25: {  	[simem:s6], [sflag:s4] =	dma.local [hbm:s3], $0xF7A  }
0x26: {  	[smem:$0x3F9E] =	sst s1;
	(tag) =	ssettag s2;
	_ =	strace s9  }
0x27: {  	s1 =	sld [smem:$0x3FAE]  }
0x28: {  	s2 =	sld [smem:$0x3FAF]  }
0x29: {  	s4 =	sld [smem:$0x3FB1]  }
0x2a: {  	p0 =	seq.s32 s5, $0x0;
	s5 =	sld [smem:$0x3FB2]  }
0x2b: {  	s6 =	sld [smem:$0x3FB3]  }
0x2c: {  	s7 =	sld [smem:$0x3FB4]  }
0x2d: {  	s3 =	simm.s32 $0x108;
	s8 =	sld [smem:$0x3FB5]  }
0x2e: {  	s3 =	simm.s32 @!p0 $0x1082;
	s9 =	sld [smem:$0x3FB6]  }
0x2f: {  	lr =	sadd.s32 s0, s3;
	s0 =	sld [smem:$0x3FAD]  }
0x30: {  	s3 =	sld [smem:$0x3FB0]  }
0x31: {  	[smem:$0x3FB9] =	sst s10  }
0x32: {  	s10 =	sld [smem:$0x3FB7];
	_ =	sdelay $0x3  }
0x33: {  	p0 =	seq.s32 s10, $0x1;
	s10 =	sld [smem:$0x3FB9];
	_ =	sdelay $0x3  }
0x34: {  	[smem:$0x3FB9] =	sst s10  }
0x35: {  	s10 =	sld [smem:$0x3FB8];
	_ =	sdelay $0x3  }
0x36: {  	p1 =	seq.s32 s10, $0x1;
	s10 =	sld [smem:$0x3FB9];
	_ =	sdelay $0x3  }
0x37: {  	[smem:$0x3FB9] =	sst s10  }
0x38: {  	s10 =	sld [smem:$0x3FBA]  }
0x39: {  	_ = 	snop;
	(pc) =	sbr.ind lr, $3  }
0x3a: {  	_ = 	snop  }
0x3b: {  	_ = 	snop  }
0x3c: {  	p2 =	seq.s32 s10, $0x1;
	s10 =	sld [smem:$0x3FB9]  }
0x3d: {  	_ =	shalt  }
0x3e: {  	_ =	shalt  }
0x3f: {  	_ =	shalt  }
0x40: {  	_ =	shalt  }
0x41: {  	_ =	shalt  }
0x42: {  	_ =	shalt  }
0x43: {  	_ =	shalt  }
0x44: {  	_ =	shalt  }
0x45: {  	_ =	shalt  }
0x46: {  	_ =	shalt  }
0x47: {  	_ =	shalt  }
0x48: {  	_ =	shalt  }
0x49: {  	_ =	shalt  }
0x4a: {  	_ =	shalt  }
0x4b: {  	_ =	shalt  }
0x4c: {  	_ =	shalt  }
0x4d: {  	_ =	shalt  }
0x4e: {  	_ =	shalt  }
0x4f: {  	_ =	shalt  }
0x50: {  	_ =	shalt  }
0x51: {  	_ =	shalt  }
0x52: {  	_ =	shalt  }
0x53: {  	_ =	shalt  }
0x54: {  	_ =	shalt  }
0x55: {  	_ =	shalt  }
0x56: {  	_ =	shalt  }
0x57: {  	_ =	shalt  }
0x58: {  	_ =	shalt  }
0x59: {  	_ =	shalt  }
0x5a: {  	_ =	shalt  }
0x5b: {  	_ =	shalt  }
0x5c: {  	_ =	shalt  }
0x5d: {  	_ =	shalt  }
0x5e: {  	_ =	shalt  }
0x5f: {  	_ =	shalt  }
0x60: {  	_ =	shalt  }
0x61: {  	_ =	shalt  }
0x62: {  	_ =	shalt  }
0x63: {  	_ =	shalt  }
0x64: {  	_ =	shalt  }
0x65: {  	_ =	shalt  }
0x66: {  	_ =	shalt  }
0x67: {  	_ =	shalt  }
0x68: {  	_ =	shalt  }
0x69: {  	_ =	shalt  }
0x6a: {  	_ =	shalt  }
0x6b: {  	_ =	shalt  }
0x6c: {  	_ =	shalt  }
0x6d: {  	_ =	shalt  }
0x6e: {  	_ =	shalt  }
0x6f: {  	_ =	shalt  }
0x70: {  	_ =	shalt  }
0x71: {  	_ =	shalt  }
0x72: {  	_ =	shalt  }
0x73: {  	_ =	shalt  }
0x74: {  	_ =	shalt  }
0x75: {  	_ =	shalt  }
0x76: {  	_ =	shalt  }
0x77: {  	_ =	shalt  }
0x78: {  	_ =	shalt  }
0x79: {  	_ =	shalt  }
0x7a: {  	_ =	shalt  }
0x7b: {  	_ =	shalt  }
0x7c: {  	_ =	shalt  }
0x7d: {  	_ =	shalt  }
0x7e: {  	_ =	shalt  }
0x7f: {  	_ =	shalt  }
0x80: {  	_ =	shalt  }
0x81: {  	_ =	shalt  }
0x82: {  	_ =	shalt  }
0x83: {  	_ =	shalt  }
0x84: {  	_ =	shalt  }
0x85: {  	_ =	shalt  }
0x86: {  	_ =	shalt  }
0x87: {  	_ =	shalt  }
.Lfunc_end0:
.L_simem_size_0:
called_computation.1_lowered:
.L_overlay_start_0:
0x88: {  	s2 =	sld [smem:$0x3FD9]  }
0x89: {  	s3 =	sld [smem:$0x3FFE];
	_ =	sdelay $0x1  }
0x8a: {  	s1 =	srdreg.scid  }
0x8b: {  	s0 =	sand.u32 $0x1, s1  }
0x8c: {  	s15 =	sshll.u32 s0, $0xA;
	s2 =	sadd.s32 s3, s2  }
0x8d: {  	s2 =	sadd.s32 s2, s15  }
0x8e: {  	[smem:$0x3FC5] =	sst s2  }
0x8f: {  	_ = 	snop  }
0x90: {  	s2 =	sld [smem:$0x3FD0];
	_ =	sdelay $0x2  }
0x91: {  	s16 =	simm.s32 $0xB;
	s4 =	simm.s32 $0x10  }
0x92: {  	[smem:s4], [sflag:s16] =	dma.local [hbm:s2], $0x1  }
0x93: {  	_ =	swait.eq [sflag:s16], $0x1  }
0x94: {  	[sflag:s16] =	ssyncset.done $0x0  }
0x95: {  	[sflag:s16] =	ssyncadd.s32 $0xFFFFFFFF  }
0x96: {  	s17 =	sld [smem:$0x11];
	(tm) =	ssettm $0x1  }
0x97: {  	s18 =	sld [smem:$0x3FFB];
	_ =	sdelay $0x3  }
0x98: {  	_ =	strace s18  }
0x99: {  	s2 =	sld [smem:$0x3FFC];
	_ =	sdelay $0x3  }
0x9a: {  	_ =	strace s2  }
0x9b: {  	s2 =	sld [smem:$0x3FFD];
	_ =	sdelay $0x3  }
0x9c: {  	_ =	strace s2  }
0x9d: {  	_ =	strace $0x8FFFFFFF  }
0x9e: {  	s19 =	sld [smem:$0x3FDB];
	_ =	sdelay $0x1  }
0x9f: {  	s20 =	simm.s32 $_scs_section_size  }
0xa0: {  	s5 =	simm.s32 $_size__tile_overlayer_lowered;
	s6 =	simm.s32 $_tile_overlayer_lowered  }
0xa1: {  	s7 =	simm.s32 $0x1BFF;
	s21 =	sshll.u32 s6, $0x1;
	s4 =	sadd.s32 s20, s19  }
0xa2: {  	s22 =	simm.s32 $0x0;
	s5 =	sshll.u32 s5, $0x1;
	s6 =	sadd.s32 s21, s4  }
0xa3: {  	[timem:s22], [sflag:s7] =	dma.local [hbm:s6], s5  }
0xa4: {  	_ =	swait.ge [sflag:s7], s5  }
0xa5: {  	s5 =	ssub.s32 $0x0, s5;
	[sflag:s7] =	ssyncset.done $0x0  }
0xa6: {  	[sflag:s7] =	ssyncadd.s32 s5;
	_ =	sdelay $0x1  }
0xa7: {  	s23 =	simm.s32 $0x1B8B  }
0xa8: {  	_ =	swait.ge [sflag:s23], $0x1  }
0xa9: {  	[sflag:s23] =	ssyncset.done $0x0  }
0xaa: {  	[sflag:s23] =	ssyncadd.s32 $0xFFFFFFFF  }
0xab: {  	s5 =	sld [smem:$0x0]  }
0xac: {  	s6 =	sand.u32 $0xFFFFFFFE, s1  }
0xad: {  	p0 =	sne.s32 s1, s6  }
0xae: {  	s6 =	sshll.u32 @p0 s6, $0xE  }
0xaf: {  	s6 =	sadd.s32 @p0 $0x11B8D, s6;
	s7 =	sshll.u32 @p0 s5, $0x11  }
0xb0: {  	s6 =	sor.u32 @p0 s7, s6  }
0xb1: {  	[sflag:s6] =	ssyncadd.remote.s32 @p0 $0x1;
	_ =	sdelay $0x1  }
0xb2: {  	s6 =	simm.s32 @p0 $0x1B8D  }
0xb3: {  	_ =	swait.eq @p0 [sflag:s6], $0x1  }
0xb4: {  	[sflag:s6] =	ssyncadd.s32 @p0 $0xFFFFFFFF  }
0xb5: {  	s7 =	sshll.u32 @!p0 s1, $0xE  }
0xb6: {  	s7 =	sor.u32 @!p0 $0x4000, s7;
	s6 =	simm.s32 @!p0 $0x1B8D  }
0xb7: {  	s5 =	sshll.u32 @!p0 s5, $0x11;
	s7 =	sadd.s32 @!p0 $0x11B8D, s7;
	_ =	swait.eq @!p0 [sflag:s6], $0x1  }
0xb8: {  	s5 =	sor.u32 @!p0 s5, s7;
	[sflag:s6] =	ssyncadd.s32 @!p0 $0xFFFFFFFF  }
0xb9: {  	s25 =	simm.s32 $0x1B8E;
	s24 =	sld [smem:$0x3FFE];
	[sflag:s5] =	ssyncadd.remote.s32 @!p0 $0x1  }
0xba: {  	s26 =	simm.s32 $execute0_lowered;
	[smem:$0x3FD2] =	sst s25  }
0xbb: {  	s6 =	sshll.u32 s26, $0x1;
	_ =	strace $0x8000004C;
	[dreg:$0x1] =	wrdreg $0xFFFFFFFF  }
0xbc: {  	s28 =	simm.s32 $_size_execute0_lowered;
	s4 =	sadd.s32 s4, s6;
	[dreg:$0x0] =	wrdreg $0x0  }
0xbd: {  	s6 =	sshll.u32 s28, $0x1;
	[dreg:$0x2] =	wrdreg s4  }
0xbe: {  	[dreg:$0x3] =	wrdreg s6  }
0xbf: {  	[dreg:$0x4] =	wrdreg $0xC0  }
0xc0: {  	_ =	task [dreg:s22], $0x5FFFF  }
0xc1: {  	[dreg:$0x1] =	wrdreg $0xFFFFFFFF  }
0xc2: {  	[dreg:$0x0] =	wrdreg $0x60  }
0xc3: {  	[dreg:$0x2] =	wrdreg s24  }
0xc4: {  	[dreg:$0x3] =	wrdreg s17  }
0xc5: {  	[dreg:$0x4] =	wrdreg $0x9  }
0xc6: {  	_ =	task.clear_ibuf [dreg:s22], $0x5FFFF;
	_ =	strace $0x9000004C  }
0xc7: {  	s29 =	simm.s32 $0x9;
	_ =	strace $0x8000004E  }
0xc8: {  	_ =	swait.ge [sflag:s29], $0x1  }
0xc9: {  	[sflag:s29] =	ssyncadd.s32 $0xFFFFFFFF  }
0xca: {  	_ =	strace $0x9000004E  }
0xcb: {  	_ =	sfence  }
0xcc: {  	s30 =	sld [smem:$0x0];
	_ =	sdelay $0x2  }
0xcd: {  	s31 =	sshll.u32 s1, $0xD;
	s1 =	sshrl.u32 s1, $0x2  }
0xce: {  	s4 =	sand.u32 $0x4000, s31;
	s1 =	sadd.s32 s1, s30  }
0xcf: {  	s0 =	sor.u32 s4, s0;
	s1 =	sshll.u32 s1, $0x11  }
0xd0: {  	s0 =	sor.u32 s1, s0  }
0xd1: {  	s0 =	sadd.s32 $0x8F2B, s0  }
0xd2: {  	[sflag:s0] =	ssyncadd.remote.s32 $0x1  }
0xd3: {  	_ =	sfence.sel $0xFFFF  }
0xd4: {  	[dreg:$0x0] =	wrdreg $0xFFFFFFFF;
	(pc) =	sbr.abs _section_cstart, $3  }
0xd5: {  	[dreg:$0x1] =	wrdreg $0xFFFFFFFF  }
0xd6: {  	_ =	task.clear_ibuf [dreg:s22], $0x2FFFF;
	_ =	strace $0x9FFFFFFF  }
0xd7: {  	(tm) =	ssettm $0x7FFFFFFF  }
tec
execute0_lowered:
.L_overlay_start_1:
0x0: {  	(tag) =	ssettag $0x1  }
0x1: {  	s1 =	srdreg.scid;
	s5 =	rddreg [dreg:$0x0]  }
0x2: {  	s0 =	stileid.u32;
	s2 =	rddreg [dreg:$0x1];
	s6 =	simm.s32 $0x1  }
0x3: {  	s9 =	simm.s32 $0x1;
	s10 =	simm.s32 $0x3;
	s1 =	sshll.u32 s1, $0x9  }
0x4: {  	s13 =	simm.s32 $0x0;
	s3 =	sshll.u32 s0, $0xA;
	s4 =	sand.u32 $0x200, s1  }
0x5: {  	s12 =	simm.s32 $0x0;
	s1 =	rddreg [dreg:$0x2];
	s3 =	sor.u32 s3, s4  }
0x6: {  	_ =	strace $0x8000004D;
	s4 =	sadd.s32 $0x1000, s5;
	s8 =	ssub.s32 $0x5000, s3  }
.Ltmp0:
0x7: {  	s5 =	sadd.s32 $0x1C00, s5;
	s7 =	sand.u32 $0x3E00, s8;
	(pc) =	sbr.rel .LBB2_1-.Ltmp0, $4  }
0x8: {  	[sflag:s6] =	ssyncpa.u1 $0x0;
	s11 =	smov.u32 s3;
	p0 =	sne.s32 s7, $0x0  }
0x9: {  	s8 =	sshrl.u32 s8, $0xE;
	s7 =	simm.s32 $0x2;
	s9 =	simm.s32 @!p0 $0x0  }
0xa: {  	[sflag:s7] =	ssyncpa.u1 $0x0;
	p0 =	por $0x0, $0x0;
	s8 =	sadd.s32 s9, s8  }
0xb: {  	vm0 =	vmmov $0xffff;
	[sflag:s10] =	ssyncpa.u1 $0x0;
	s10 =	simm.s32 $0x0;
	s9 =	sadd.s32 $0x1, s8  }
.LBB2_4:
0xc: {  	vm1 =	veq.s32 v0, $0x80000000;
	v63 =	vand.u32 $0x3FF, v0;
	v2 =	vand.u32 $0x1F, v2  }
0xd: {  	v0 =	vsel vm1, $0xFFFFFFFF, v63;
	v2 =	vsel vm1, $0xFFFFFFFF, v2  }
0xe: {  	v3 =	vshll.u32 v2, $0xA;
	v4 =	vshll.u32 v0, $0x3  }
0xf: {  	v2 =	vshll.u32 v2, $0x7;
	v3 =	vand.u32 $0xFFFFE000, v3;
	v4 =	vand.u32 $0xFFFFFC00, v4  }
0x10: {  	v2 =	vand.u32 $0x380, v2;
	v3 =	vadd.s32 v4, v3  }
0x11: {  	v0 =	vand.u32 $0x7F, v0;
	v2 =	vor.u32 v2, v3  }
0x12: {  	v0 =	vor.u32 v0, v2;
	_ =	sdelay $0x1  }
0x13: {  	(ifvalue) =	ssetifvalue $0x7FFFFFFF;
	s14 =	sadd.s32 $0x10, s14  }
0x14: {  	[tilespmem:s14], [sflag:$0x1] =	stream.indirect_vreg.gather [hbm4b:s4+s10], $0x1, v1, vm0, $0x4038;
	[tilespmem:$0x800] =	vst v63  }
0x15: {  	(ifvalue) =	ssetifvalue $0x7FFFFFFF;
	s14 =	sadd.s32 $0x10, s14  }
0x16: {  	[tilespmem:s14], [sflag:$0x1] =	stream.indirect_vreg.gather [hbm4b:s4+s10], $0x1, v0, vm0, $0x4038;
	[tilespmem:$0x800] =	vst v63  }
0x17: {  	_ =	swait.ge [sflag:s6], $0x200  }
0x18: {  	s30 =	sshrl.u32 s13, $0x3;
	[sflag:s6] =	ssyncset.done $0x0  }
0x19: {  	s31 =	sand.u32 $0x7, s13;
	s14 =	sadd.s32 s2, s30;
	[sflag:s6] =	ssyncadd.s32 $0xFFFFFE00  }
0x1a: {  	[hbm4b:s14+s31] =	stream.linear.scatter [tilespmem:s15], [sflag:$0x3], $0x200, $0x38;
	[tilespmem:$0x800] =	vst v63  }
.LBB2_5:
0x1b: {  	s15 =	sadd.s32 $0x4000, s11  }
0x1c: {  	p2 =	sgt.s32 s15, $0x4FFF  }
0x1d: {  	s15 =	smov.u32 @p2 s3;
	p2 =	sne.s32 s12, s9  }
.Ltmp1:
0x1e: {  	p1 =	slt.u32 s12, $0x2;
	(pc) =	sbr.rel @!p2 .LBB2_6-.Ltmp1, $4  }
0x1f: {  	s14 =	simm.s32 @!p1 $0x3  }
0x20: {  	s16 =	sadd.s32 $0x1, s12;
	_ =	swait.ge @!p1 [sflag:s14], $0x200  }
0x21: {  	s13 =	smov.u32 s11;
	p0 =	por !p0, !p0;
	[sflag:s14] =	ssyncset.done @!p1 $0x0  }
0x22: {  	s12 =	smov.u32 s16;
	s11 =	smov.u32 s15;
	[sflag:s14] =	ssyncadd.s32 @!p1 $0xFFFFFE00  }
.LBB2_1:
0x23: {  	p1 =	sge.u32 s12, s8  }
0x24: {  	s14 =	sxor.u32 @!p1 $0xFFFFFFFF, s12  }
0x25: {  	s31 =	sadd.s32 $0xFFFFFFFF, s12;
	s15 =	sshrl.u32 @!p1 s11, $0x3;
	s14 =	sshll.u32 @!p1 s14, $0x9  }
0x26: {  	s16 =	sand.u32 @!p1 $0x7, s11;
	s15 =	sadd.s32 @!p1 s5, s15;
	s14 =	sand.u32 @!p1 $0x200, s14  }
0x27: {  	[tilespmem:s14], [sflag:$0x2] =	stream.linear.gather @!p1 [hbm4b:s15+s16], $0x200, $0x38;
	[tilespmem:$0x800] =	vst v63  }
0x28: {  	p1 =	sge.u32 s31, s8  }
.Ltmp2:
0x29: {  	_ = 	snop;
	(pc) =	sbr.rel @p1 .LBB2_5-.Ltmp2, $1  }
0x2a: {  	_ =	sdelay $0x3  }
0x2b: {  	s14 =	simm.s32 $0x1  }
0x2c: {  	_ =	swait.ge [sflag:s7], $0x200;
	s14 =	simm.s32 @!p0 $0x0  }
0x2d: {  	[sflag:s7] =	ssyncset.done $0x0;
	s14 =	sshll.u32 s14, $0x9  }
0x2e: {  	[sflag:s7] =	ssyncadd.s32 $0xFFFFFE00;
	(ifvalue) =	ssetifvalue $0x7FFFFFFF;
	v0 =	vld.msk [tilespmem:s14+$0x0 ss:$0x1], $0xffff;
	_ =	sdelay $0x4  }
0x2f: {  	s15 =	sadd.s32 $0x10, s14;
	v1 =	vshrl.u32 v0, $0xA  }
0x30: {  	v2 =	vld.msk [tilespmem:s15+$0x0 ss:$0x1], $0xffff;
	vm1 =	veq.s32 v0, $0x80000000;
	v0 =	vand.u32 $0x3FF, v0;
	v1 =	vand.u32 $0x1F, v1  }
0x31: {  	v0 =	vsel vm1, $0xFFFFFFFF, v0;
	v1 =	vsel vm1, $0xFFFFFFFF, v1  }
0x32: {  	v4 =	vshll.u32 v0, $0x3;
	v3 =	vshll.u32 v1, $0xA  }
0x33: {  	v4 =	vand.u32 $0xFFFFFC00, v4;
	v1 =	vshll.u32 v1, $0x7;
	v3 =	vand.u32 $0xFFFFE000, v3  }
0x34: {  	v0 =	vand.u32 $0x7F, v0;
	v1 =	vand.u32 $0x380, v1;
	v3 =	vadd.s32 v4, v3  }
0x35: {  	vm1 =	veq.s32 v2, $0x80000000;
	v1 =	vor.u32 v1, v3;
	v3 =	vshrl.u32 v2, $0xA  }
0x36: {  	s17 =	sadd.s32 $0x10, s15;
	v2 =	vand.u32 $0x3FF, v2;
	v1 =	vor.u32 v0, v1;
	v3 =	vand.u32 $0x1F, v3  }
0x37: {  	v0 =	vld.msk [tilespmem:s17+$0x0 ss:$0x1], $0xffff;
	v2 =	vsel vm1, $0xFFFFFFFF, v2;
	v3 =	vsel vm1, $0xFFFFFFFF, v3  }
0x38: {  	v5 =	vshll.u32 v2, $0x3;
	v63 =	vshll.u32 v3, $0xA  }
0x39: {  	s31 =	sshll.u32 s12, $0x9;
	v5 =	vand.u32 $0xFFFFFC00, v5;
	v3 =	vshll.u32 v3, $0x7;
	v4 =	vand.u32 $0xFFFFE000, v63  }
0x3a: {  	s14 =	sor.u32 $0x400, s14;
	s15 =	sand.u32 $0x200, s31;
	(ifvalue) =	ssetifvalue $0x7FFFFFFF;
	v3 =	vand.u32 $0x380, v3;
	v4 =	vadd.s32 v5, v4  }
0x3b: {  	[tilespmem:s14], [sflag:$0x1] =	stream.indirect_vreg.gather [hbm4b:s4+s10], $0x1, v1, vm0, $0x4038;
	v1 =	vand.u32 $0x7F, v2;
	v3 =	vor.u32 v3, v4;
	[tilespmem:$0x800] =	vst v63  }
0x3c: {  	s16 =	simm.s32 $0x20;
	s15 =	sor.u32 $0x400, s15;
	s17 =	sadd.s32 $0x10, s17;
	v2 =	vshrl.u32 v0, $0xA;
	v1 =	vor.u32 v1, v3  }
.LBB2_3:
0x3d: {  	s16 =	sadd.s32 $0x10, s16;
	vm1 =	veq.s32 v0, $0x80000000;
	v3 =	vand.u32 $0x3FF, v0;
	v0 =	vld.msk [tilespmem:s17+$0x0 ss:$0x1], $0xffff;
	v2 =	vand.u32 $0x1F, v2  }
0x3e: {  	p1 =	slt.u32 s16, $0x1F0;
	v3 =	vsel vm1, $0xFFFFFFFF, v3;
	v2 =	vsel vm1, $0xFFFFFFFF, v2  }
.Ltmp3:
0x3f: {  	v4 =	vshll.u32 v2, $0xA;
	v5 =	vshll.u32 v3, $0x3;
	(pc) =	sbr.rel @p1 .LBB2_3-.Ltmp3, $4  }
0x40: {  	s14 =	sadd.s32 $0x10, s14;
	v2 =	vshll.u32 v2, $0x7;
	v4 =	vand.u32 $0xFFFFE000, v4;
	v5 =	vand.u32 $0xFFFFFC00, v5;
	(ifvalue) =	ssetifvalue $0x7FFFFFFF  }
0x41: {  	v2 =	vand.u32 $0x380, v2;
	v4 =	vadd.s32 v5, v4;
	[tilespmem:s14], [sflag:$0x1] =	stream.indirect_vreg.gather [hbm4b:s4+s10], $0x1, v1, vm0, $0x4038;
	[tilespmem:$0x800] =	vst v63  }
0x42: {  	v1 =	vand.u32 $0x7F, v3;
	v3 =	vor.u32 v2, v4  }
0x43: {  	s17 =	sadd.s32 $0x10, s17;
	v2 =	vshrl.u32 v0, $0xA;
	v1 =	vor.u32 v1, v3  }
.Ltmp4:
0x44: {  	_ = 	snop;
	(pc) =	sbr.rel .LBB2_4-.Ltmp4, $1  }
0x45: {  	_ =	sdelay $0x3  }
.LBB2_6:
0x46: {  	_ =	sfence.sel $0x180000  }
0x47: {  	s2 =	simm.s32 $0x2;
	[bflag:$0x0] =	sbarrier.arrive $0xFFFF  }
0x48: {  	s30 =	simm.s32 $0x3;
	[sflag:s2] =	ssyncpa.u1 $0x1  }
0x49: {  	s31 =	simm.s32 $0x1;
	[sflag:s30] =	ssyncpa.u1 $0x1  }
0x4a: {  	[sflag:s31] =	ssyncpa.u1 $0x1  }
0x4b: {  	p0 =	sne.s32 s0, $0x0;
	_ =	strace $0x9000004D  }
0x4c: {  	s0 =	sadd.s32 @!p0 $0x100000, s1;
	[bflag:$0x2] =	sbarrier.arrive $0xFFFF  }
0x4d: {  	[sflag:s0] =	ssyncadd.tile.s32 @!p0 $0x1;
	_ =	shalt  }
.Lfunc_end2:
_tile_overlayer_lowered:
.L_overlay_start_2:
0x4e: {  	(tag) =	ssettag $0x2  }
0x4f: {  	s0 =	rddreg [dreg:$0x0];
	s2 =	stileid.u32  }
0x50: {  	s1 =	rddreg [dreg:$0x1];
	p0 =	sne.s32 s2, $0x0  }
0x51: {  	s3 =	rddreg [dreg:$0x2];
	[bflag:$0x3] =	sbarrier.arrive $0xFFFF;
	s2 =	simm.s32 @!p0 $0x1C01  }
0x52: {  	[timem:s3], [sflag:s2] =	dma.local @!p0 [hbm:s0], s1  }
0x53: {  	s0 =	simm.s32 @!p0 $0x1  }
0x54: {  	_ =	swait.ge @!p0 [sflag:s0], s1  }
0x55: {  	s1 =	ssub.s32 @!p0 $0x0, s1;
	[sflag:s0] =	ssyncset.done @!p0 $0x0  }
0x56: {  	[sflag:s0] =	ssyncadd.s32 @!p0 s1  }
0x57: {  	[bflag:$0x3] =	sbarrier.arrive $0xFFFF  }
0x58: {  	_ =	shalt  }

// kernel: kernel.6.cloned.1.call-start
scs
__scs_entry_jumppad:
0x0: {  	(pc) =	sbr.rel $0x88, $3  }
0x1: {  	(tag) =	ssettag $0x0;
	lr =	simm.s32 $0x1  }
0x2: {  	[smem:$0x3F9E] =	sst lr;
	_ =	strace $0xD0000000  }
0x3: {  	_ = 	snop  }
0x4: {  	_ = 	snop  }
0x5: {  	_ = 	snop  }
0x6: {  	_ = 	snop  }
0x7: {  	_ = 	snop  }
__scs_overlays_trampoline_lowered:
0x8: {  	[smem:$0x3FAD] =	sst s0  }
0x9: {  	[smem:$0x3FAE] =	sst s1  }
0xa: {  	[smem:$0x3FAF] =	sst s2  }
0xb: {  	[smem:$0x3FB0] =	sst s3  }
0xc: {  	[smem:$0x3FB1] =	sst s4  }
0xd: {  	[smem:$0x3FB2] =	sst s5  }
0xe: {  	[smem:$0x3FB3] =	sst s6  }
0xf: {  	[smem:$0x3FB4] =	sst s7  }
0x10: {  	[smem:$0x3FB5] =	sst s8  }
0x11: {  	[smem:$0x3FB6] =	sst s9;
	s0 =	simm.s32 @!p0 $0x0  }
0x12: {  	s1 =	sld [smem:$0x3F9C];
	s0 =	simm.s32 @p0 $0x1  }
0x13: {  	[smem:$0x3FB7] =	sst s0;
	s0 =	simm.s32 @!p1 $0x0  }
0x14: {  	s2 =	sld [smem:$0x3F9B];
	s0 =	simm.s32 @p1 $0x1  }
0x15: {  	[smem:$0x3FB8] =	sst s0;
	s0 =	simm.s32 @!p2 $0x0  }
0x16: {  	s3 =	sld [smem:$0x3FDB];
	s0 =	simm.s32 @p2 $0x1  }
0x17: {  	s4 =	simm.s32 $0x1BF5;
	[smem:$0x3FBA] =	sst s0  }
0x18: {  	s0 =	sld [smem:$0x3F9D];
	_ =	swait.ge [sflag:s4], $0x0  }
0x19: {  	s7 =	sld [smem:$0x3F9E]  }
0x1a: {  	s8 =	sadd.s32 $0xFFFFE003, lr  }
0x1b: {  	s9 =	sadd.s32 $0xFFFFFEF7, lr;
	s5 =	simm.s32 $0xFFFFFFFF;
	p2 =	slt.u32 s8, $0xFFFFF086  }
0x1c: {  	p1 =	slt.u32 s9, $0xF7A;
	s5 =	simm.s32 @!p2 $0x0  }
0x1d: {  	s5 =	simm.s32 @p1 $0x1;
	p0 =	seq.s32 s7, s2  }
0x1e: {  	s7 =	smul.u32 @!p0 $0xF7A, s2;
	p2 =	seq.s32 @!p0 s5, $0x0  }
0x1f: {  	s9 =	smul.u32 $0xF7A, s1;
	s8 =	simm.s32 @!p0 $0x1BF5;
	p2 =	por !p2, p0  }
0x20: {  	[sflag:s8] =	ssyncset.s32 @!p0 $0xFFFFF086;
	s6 =	sadd.s32 @!p0 s3, s7;
	s7 =	simm.s32 @!p0 $0x108  }
0x21: {  	s3 =	sadd.s32 s3, s9;
	s6 =	sadd.s32 @!p0 $0x88, s6;
	s7 =	simm.s32 @p2 $0x1082  }
0x22: {  	[simem:s7], [sflag:s8] =	dma.local @!p0 [hbm:s6], $0xF7A  }
0x23: {  	s9 =	sor.u32 $0xD0000000, s2;
	s6 =	simm.s32 $0x108;
	_ =	swait.ge @!p0 [sflag:s8], $0x0  }
0x24: {  	s3 =	sadd.s32 $0x88, s3;
	s6 =	simm.s32 @!p1 $0x1082;
	[sflag:s4] =	ssyncset.s32 $0xFFFFF086  }
0x25: {  	[simem:s6], [sflag:s4] =	dma.local [hbm:s3], $0xF7A  }
0x26: {  	[smem:$0x3F9E] =	sst s1;
	(tag) =	ssettag s2;
	_ =	strace s9  }
0x27: {  	s1 =	sld [smem:$0x3FAE]  }
0x28: {  	s2 =	sld [smem:$0x3FAF]  }
0x29: {  	s4 =	sld [smem:$0x3FB1]  }
0x2a: {  	p0 =	seq.s32 s5, $0x0;
	s5 =	sld [smem:$0x3FB2]  }
0x2b: {  	s6 =	sld [smem:$0x3FB3]  }
0x2c: {  	s7 =	sld [smem:$0x3FB4]  }
0x2d: {  	s3 =	simm.s32 $0x108;
	s8 =	sld [smem:$0x3FB5]  }
0x2e: {  	s3 =	simm.s32 @!p0 $0x1082;
	s9 =	sld [smem:$0x3FB6]  }
0x2f: {  	lr =	sadd.s32 s0, s3;
	s0 =	sld [smem:$0x3FAD]  }
0x30: {  	s3 =	sld [smem:$0x3FB0]  }
0x31: {  	[smem:$0x3FB9] =	sst s10  }
0x32: {  	s10 =	sld [smem:$0x3FB7];
	_ =	sdelay $0x3  }
0x33: {  	p0 =	seq.s32 s10, $0x1;
	s10 =	sld [smem:$0x3FB9];
	_ =	sdelay $0x3  }
0x34: {  	[smem:$0x3FB9] =	sst s10  }
0x35: {  	s10 =	sld [smem:$0x3FB8];
	_ =	sdelay $0x3  }
0x36: {  	p1 =	seq.s32 s10, $0x1;
	s10 =	sld [smem:$0x3FB9];
	_ =	sdelay $0x3  }
0x37: {  	[smem:$0x3FB9] =	sst s10  }
0x38: {  	s10 =	sld [smem:$0x3FBA]  }
0x39: {  	_ = 	snop;
	(pc) =	sbr.ind lr, $3  }
0x3a: {  	_ = 	snop  }
0x3b: {  	_ = 	snop  }
0x3c: {  	p2 =	seq.s32 s10, $0x1;
	s10 =	sld [smem:$0x3FB9]  }
0x3d: {  	_ =	shalt  }
0x3e: {  	_ =	shalt  }
0x3f: {  	_ =	shalt  }
0x40: {  	_ =	shalt  }
0x41: {  	_ =	shalt  }
0x42: {  	_ =	shalt  }
0x43: {  	_ =	shalt  }
0x44: {  	_ =	shalt  }
0x45: {  	_ =	shalt  }
0x46: {  	_ =	shalt  }
0x47: {  	_ =	shalt  }
0x48: {  	_ =	shalt  }
0x49: {  	_ =	shalt  }
0x4a: {  	_ =	shalt  }
0x4b: {  	_ =	shalt  }
0x4c: {  	_ =	shalt  }
0x4d: {  	_ =	shalt  }
0x4e: {  	_ =	shalt  }
0x4f: {  	_ =	shalt  }
0x50: {  	_ =	shalt  }
0x51: {  	_ =	shalt  }
0x52: {  	_ =	shalt  }
0x53: {  	_ =	shalt  }
0x54: {  	_ =	shalt  }
0x55: {  	_ =	shalt  }
0x56: {  	_ =	shalt  }
0x57: {  	_ =	shalt  }
0x58: {  	_ =	shalt  }
0x59: {  	_ =	shalt  }
0x5a: {  	_ =	shalt  }
0x5b: {  	_ =	shalt  }
0x5c: {  	_ =	shalt  }
0x5d: {  	_ =	shalt  }
0x5e: {  	_ =	shalt  }
0x5f: {  	_ =	shalt  }
0x60: {  	_ =	shalt  }
0x61: {  	_ =	shalt  }
0x62: {  	_ =	shalt  }
0x63: {  	_ =	shalt  }
0x64: {  	_ =	shalt  }
0x65: {  	_ =	shalt  }
0x66: {  	_ =	shalt  }
0x67: {  	_ =	shalt  }
0x68: {  	_ =	shalt  }
0x69: {  	_ =	shalt  }
0x6a: {  	_ =	shalt  }
0x6b: {  	_ =	shalt  }
0x6c: {  	_ =	shalt  }
0x6d: {  	_ =	shalt  }
0x6e: {  	_ =	shalt  }
0x6f: {  	_ =	shalt  }
0x70: {  	_ =	shalt  }
0x71: {  	_ =	shalt  }
0x72: {  	_ =	shalt  }
0x73: {  	_ =	shalt  }
0x74: {  	_ =	shalt  }
0x75: {  	_ =	shalt  }
0x76: {  	_ =	shalt  }
0x77: {  	_ =	shalt  }
0x78: {  	_ =	shalt  }
0x79: {  	_ =	shalt  }
0x7a: {  	_ =	shalt  }
0x7b: {  	_ =	shalt  }
0x7c: {  	_ =	shalt  }
0x7d: {  	_ =	shalt  }
0x7e: {  	_ =	shalt  }
0x7f: {  	_ =	shalt  }
0x80: {  	_ =	shalt  }
0x81: {  	_ =	shalt  }
0x82: {  	_ =	shalt  }
0x83: {  	_ =	shalt  }
0x84: {  	_ =	shalt  }
0x85: {  	_ =	shalt  }
0x86: {  	_ =	shalt  }
0x87: {  	_ =	shalt  }
.Lfunc_end0:
.L_simem_size_0:
called_computation.3_lowered:
.L_overlay_start_0:
0x88: {  	s2 =	sld [smem:$0x3FD9]  }
0x89: {  	s3 =	sld [smem:$0x3FFE];
	_ =	sdelay $0x1  }
0x8a: {  	s1 =	srdreg.scid  }
0x8b: {  	s0 =	sand.u32 $0x1, s1  }
0x8c: {  	s16 =	sshll.u32 s0, $0xA;
	s2 =	sadd.s32 s3, s2  }
0x8d: {  	s2 =	sadd.s32 s2, s16  }
0x8e: {  	[smem:$0x3FC5] =	sst s2  }
0x8f: {  	_ = 	snop  }
0x90: {  	(tm) =	ssettm $0x1  }
0x91: {  	s17 =	sld [smem:$0x3FFB];
	_ =	sdelay $0x3  }
0x92: {  	_ =	strace s17  }
0x93: {  	s2 =	sld [smem:$0x3FFC];
	_ =	sdelay $0x3  }
0x94: {  	_ =	strace s2  }
0x95: {  	s2 =	sld [smem:$0x3FFD];
	_ =	sdelay $0x3  }
0x96: {  	_ =	strace s2  }
0x97: {  	_ =	strace $0x8FFFFFFF  }
0x98: {  	s18 =	sld [smem:$0x3FDB];
	_ =	sdelay $0x1  }
0x99: {  	s19 =	simm.s32 $_scs_section_size  }
0x9a: {  	s4 =	simm.s32 $_size__tile_overlayer_lowered;
	s5 =	simm.s32 $_tile_overlayer_lowered  }
0x9b: {  	s22 =	simm.s32 $0x1BFF;
	s21 =	sshll.u32 s5, $0x1;
	s2 =	sadd.s32 s19, s18  }
0x9c: {  	s6 =	simm.s32 $0x0;
	s20 =	sshll.u32 s4, $0x1;
	s4 =	sadd.s32 s21, s2  }
0x9d: {  	[timem:s6], [sflag:s22] =	dma.local [hbm:s4], s20  }
0x9e: {  	_ =	swait.ge [sflag:s22], s20  }
0x9f: {  	s3 =	ssub.s32 $0x0, s20;
	[sflag:s22] =	ssyncset.done $0x0  }
0xa0: {  	[sflag:s22] =	ssyncadd.s32 s3;
	_ =	sdelay $0x1  }
0xa1: {  	s23 =	simm.s32 $0x1B8B  }
0xa2: {  	_ =	swait.ge [sflag:s23], $0x1  }
0xa3: {  	[sflag:s23] =	ssyncset.done $0x0  }
0xa4: {  	s25 =	simm.s32 $0x1B8E;
	s24 =	sld [smem:$0x3FFE];
	[sflag:s23] =	ssyncadd.s32 $0xFFFFFFFF  }
0xa5: {  	s26 =	simm.s32 $execute0_lowered;
	[smem:$0x3FD2] =	sst s25  }
0xa6: {  	s4 =	sshll.u32 s26, $0x1;
	_ =	strace $0x8000004F;
	[dreg:$0x1] =	wrdreg $0xFFFFFFFF  }
0xa7: {  	s28 =	simm.s32 $_size_execute0_lowered;
	s2 =	sadd.s32 s2, s4;
	[dreg:$0x0] =	wrdreg $0x0  }
0xa8: {  	s4 =	sshll.u32 s28, $0x1;
	[dreg:$0x2] =	wrdreg s2  }
0xa9: {  	[dreg:$0x3] =	wrdreg s4  }
0xaa: {  	[dreg:$0x4] =	wrdreg $0xC0  }
0xab: {  	_ =	task [dreg:s6], $0x5FFFF  }
0xac: {  	[dreg:$0x1] =	wrdreg $0xFFFFFFFF  }
0xad: {  	[dreg:$0x0] =	wrdreg $0x60  }
0xae: {  	[dreg:$0x2] =	wrdreg s24  }
0xaf: {  	[dreg:$0x3] =	wrdreg $0x9  }
0xb0: {  	_ =	task.clear_ibuf [dreg:s6], $0x4FFFF;
	_ =	strace $0x9000004F  }
0xb1: {  	s29 =	simm.s32 $0x9;
	_ =	strace $0x80000051  }
0xb2: {  	_ =	swait.ge [sflag:s29], $0x1  }
0xb3: {  	[sflag:s29] =	ssyncadd.s32 $0xFFFFFFFF  }
0xb4: {  	_ =	strace $0x90000051  }
0xb5: {  	_ =	sfence  }
0xb6: {  	s30 =	sld [smem:$0x0];
	_ =	sdelay $0x2  }
0xb7: {  	s31 =	sshll.u32 s1, $0xD;
	s1 =	sshrl.u32 s1, $0x2  }
0xb8: {  	s3 =	sand.u32 $0x4000, s31;
	s1 =	sadd.s32 s1, s30  }
0xb9: {  	s0 =	sor.u32 s3, s0;
	s1 =	sshll.u32 s1, $0x11  }
0xba: {  	s0 =	sor.u32 s1, s0  }
0xbb: {  	s0 =	sadd.s32 $0x8F2B, s0  }
0xbc: {  	[sflag:s0] =	ssyncadd.remote.s32 $0x1  }
0xbd: {  	_ =	sfence.sel $0xFFFF  }
0xbe: {  	[dreg:$0x0] =	wrdreg $0xFFFFFFFF;
	(pc) =	sbr.abs _section_cstart, $3  }
0xbf: {  	[dreg:$0x1] =	wrdreg $0xFFFFFFFF  }
0xc0: {  	_ =	task.clear_ibuf [dreg:s6], $0x2FFFF;
	_ =	strace $0x9FFFFFFF  }
0xc1: {  	(tm) =	ssettm $0x7FFFFFFF  }
tec
execute0_lowered:
.L_overlay_start_1:
0x0: {  	(tag) =	ssettag $0x1  }
0x1: {  	s1 =	srdreg.scid;
	s0 =	stileid.u32  }
0x2: {  	s14 =	sand.u32 $0x1, s1;
	s30 =	sshll.u32 s0, $0x1  }
0x3: {  	s16 =	rddreg [dreg:$0x0];
	s15 =	sor.u32 s14, s30  }
0x4: {  	s2 =	simm.s32 $0x0;
	s1 =	rddreg [dreg:$0x1];
	s3 =	sshll.u32 s15, $0x7  }
0x5: {  	[smem:$0x7FF] =	sst s2;
	s3 =	sadd.s32 s3, s16  }
0x6: {  	_ =	strace $0x80000050;
	s4 =	sadd.s32 $0x4000, s3;
	s3 =	simm.s32 $0x2  }
0x7: {  	[tilespmem:s2], [sflag:$0x2] =	stream.linear.gather [hbm4b:s4+s2], $0x280, $0x38;
	[tilespmem:$0x14400] =	vst v63  }
0x8: {  	_ =	swait.ge [sflag:s3], $0x280  }
0x9: {  	s6 =	simm.s32 $0x80;
	s7 =	simm.s32 $0x400;
	[sflag:s3] =	ssyncset.done $0x0  }
0xa: {  	s8 =	simm.s32 $0x1;
	s5 =	sadd.s32 $0x258000, s16;
	[sflag:s3] =	ssyncadd.s32 $0xFFFFFD80  }
0xb: {  	[tilespmem:s7], [sflag:$0x1] =	stream.indirect.gather [hbm4b:s5+s6], $0x80, s2, s6, $0xb8;
	[tilespmem:$0x14400] =	vst v63  }
0xc: {  	_ =	swait.ge [sflag:s8], $0x4000  }
0xd: {  	[sflag:s8] =	ssyncset.done $0x0  }
0xe: {  	s9 =	simm.s32 $0x4400;
	[sflag:s8] =	ssyncadd.s32 $0xFFFFC000  }
0xf: {  	[tilespmem:s9], [sflag:$0x1] =	stream.indirect.gather [hbm4b:s5+s6], $0x80, s6, s6, $0xb8;
	[tilespmem:$0x14400] =	vst v63  }
0x10: {  	_ =	swait.ge [sflag:s8], $0x4000  }
0x11: {  	[sflag:s8] =	ssyncset.done $0x0  }
0x12: {  	s10 =	simm.s32 $0x100;
	s11 =	simm.s32 $0x8400;
	[sflag:s8] =	ssyncadd.s32 $0xFFFFC000  }
0x13: {  	[tilespmem:s11], [sflag:$0x1] =	stream.indirect.gather [hbm4b:s5+s6], $0x80, s10, s6, $0xb8;
	[tilespmem:$0x14400] =	vst v63  }
0x14: {  	_ =	swait.ge [sflag:s8], $0x4000  }
0x15: {  	s12 =	simm.s32 $0x180;
	s13 =	simm.s32 $0xC400;
	[sflag:s8] =	ssyncset.done $0x0  }
0x16: {  	s18 =	ssub.s32 $0x2, s14;
	s14 =	simm.s32 $0x200;
	[sflag:s8] =	ssyncadd.s32 $0xFFFFC000  }
0x17: {  	[tilespmem:s13], [sflag:$0x1] =	stream.indirect.gather [hbm4b:s5+s6], $0x80, s12, s6, $0xb8;
	[tilespmem:$0x14400] =	vst v63  }
0x18: {  	s17 =	smul.u32 $0x2800, s15;
	s19 =	sshrl.u32 s18, $0x1;
	_ =	swait.ge [sflag:s8], $0x4000  }
0x19: {  	s15 =	simm.s32 $0x10400;
	s31 =	ssub.s32 s18, s19;
	[sflag:s8] =	ssyncset.done $0x0  }
0x1a: {  	s16 =	sadd.s32 s17, s16;
	s17 =	smax.u32 s31, $0x1;
	[sflag:s8] =	ssyncadd.s32 $0xFFFFC000  }
0x1b: {  	[tilespmem:s15], [sflag:$0x1] =	stream.indirect.gather [hbm4b:s5+s6], $0x80, s14, s6, $0xb8;
	[tilespmem:$0x14400] =	vst v63  }
0x1c: {  	p0 =	sne.s32 s17, $0x1;
	_ =	swait.ge [sflag:s8], $0x4000  }
.Ltmp0:
0x1d: {  	[sflag:s8] =	ssyncset.done $0x0;
	(pc) =	sbr.rel @!p0 .LBB2_2-.Ltmp0, $4  }
0x1e: {  	s16 =	sadd.s32 $0x5000, s16;
	[sflag:s8] =	ssyncadd.s32 $0xFFFFC000  }
0x1f: {  	[hbm4b:s16+s2] =	stream.linear.scatter [tilespmem:s7], [sflag:$0x2], $0x14000, $0x38;
	[tilespmem:$0x14400] =	vst v63  }
0x20: {  	_ =	swait.ge [sflag:s3], $0x14000  }
0x21: {  	s17 =	sadd.s32 $0xFFFFFFFF, s17;
	[sflag:s3] =	ssyncset.done $0x0  }
.LBB2_1:
0x22: {  	p0 =	sne.s32 s17, $0x1;
	s17 =	sadd.s32 $0xFFFFFFFF, s17;
	[sflag:s3] =	ssyncadd.s32 $0xFFFEC000  }
0x23: {  	[tilespmem:s2], [sflag:$0x2] =	stream.linear.gather [hbm4b:s4+s2], $0x280, $0x38;
	[tilespmem:$0x14400] =	vst v63  }
0x24: {  	_ =	swait.ge [sflag:s3], $0x280  }
0x25: {  	[sflag:s3] =	ssyncset.done $0x0  }
0x26: {  	[sflag:s3] =	ssyncadd.s32 $0xFFFFFD80  }
0x27: {  	[tilespmem:s7], [sflag:$0x1] =	stream.indirect.gather [hbm4b:s5+s6], $0x80, s2, s6, $0xb8;
	[tilespmem:$0x14400] =	vst v63  }
0x28: {  	_ =	swait.ge [sflag:s8], $0x4000  }
0x29: {  	[sflag:s8] =	ssyncset.done $0x0  }
0x2a: {  	[sflag:s8] =	ssyncadd.s32 $0xFFFFC000  }
0x2b: {  	[tilespmem:s9], [sflag:$0x1] =	stream.indirect.gather [hbm4b:s5+s6], $0x80, s6, s6, $0xb8;
	[tilespmem:$0x14400] =	vst v63  }
0x2c: {  	_ =	swait.ge [sflag:s8], $0x4000  }
0x2d: {  	[sflag:s8] =	ssyncset.done $0x0  }
0x2e: {  	[sflag:s8] =	ssyncadd.s32 $0xFFFFC000  }
0x2f: {  	[tilespmem:s11], [sflag:$0x1] =	stream.indirect.gather [hbm4b:s5+s6], $0x80, s10, s6, $0xb8;
	[tilespmem:$0x14400] =	vst v63  }
0x30: {  	_ =	swait.ge [sflag:s8], $0x4000  }
0x31: {  	[sflag:s8] =	ssyncset.done $0x0  }
0x32: {  	[sflag:s8] =	ssyncadd.s32 $0xFFFFC000  }
0x33: {  	[tilespmem:s13], [sflag:$0x1] =	stream.indirect.gather [hbm4b:s5+s6], $0x80, s12, s6, $0xb8;
	[tilespmem:$0x14400] =	vst v63  }
0x34: {  	_ =	swait.ge [sflag:s8], $0x4000  }
0x35: {  	[sflag:s8] =	ssyncset.done $0x0  }
0x36: {  	[sflag:s8] =	ssyncadd.s32 $0xFFFFC000  }
0x37: {  	[tilespmem:s15], [sflag:$0x1] =	stream.indirect.gather [hbm4b:s5+s6], $0x80, s14, s6, $0xb8;
	[tilespmem:$0x14400] =	vst v63  }
0x38: {  	_ =	swait.ge [sflag:s8], $0x4000  }
.Ltmp1:
0x39: {  	[sflag:s8] =	ssyncset.done $0x0;
	(pc) =	sbr.rel @p0 .LBB2_1-.Ltmp1, $4  }
0x3a: {  	[sflag:s8] =	ssyncadd.s32 $0xFFFFC000  }
0x3b: {  	[hbm4b:s16+s2] =	stream.linear.scatter [tilespmem:s7], [sflag:$0x2], $0x14000, $0x38;
	[tilespmem:$0x14400] =	vst v63  }
0x3c: {  	_ =	swait.ge [sflag:s3], $0x14000  }
0x3d: {  	[sflag:s3] =	ssyncset.done $0x0  }
.LBB2_2:
0x3e: {  	[sflag:s3] =	ssyncadd.s32 $0xFFFEC000  }
0x3f: {  	_ =	sfence.sel $0x180000  }
0x40: {  	[bflag:$0x0] =	sbarrier.arrive $0xFFFF  }
0x41: {  	p0 =	sne.s32 s0, $0x0;
	_ =	strace $0x90000050  }
0x42: {  	s0 =	sadd.s32 @!p0 $0x100000, s1;
	[bflag:$0x2] =	sbarrier.arrive $0xFFFF  }
0x43: {  	[sflag:s0] =	ssyncadd.tile.s32 @!p0 $0x1;
	_ =	shalt  }
.Lfunc_end2:
_tile_overlayer_lowered:
.L_overlay_start_2:
0x44: {  	(tag) =	ssettag $0x2  }
0x45: {  	s0 =	rddreg [dreg:$0x0];
	s2 =	stileid.u32  }
0x46: {  	s1 =	rddreg [dreg:$0x1];
	p0 =	sne.s32 s2, $0x0  }
0x47: {  	s3 =	rddreg [dreg:$0x2];
	[bflag:$0x3] =	sbarrier.arrive $0xFFFF;
	s2 =	simm.s32 @!p0 $0x1C02  }
0x48: {  	[timem:s3], [sflag:s2] =	dma.local @!p0 [hbm:s0], s1  }
0x49: {  	s0 =	simm.s32 @!p0 $0x2  }
0x4a: {  	_ =	swait.ge @!p0 [sflag:s0], s1  }
0x4b: {  	s1 =	ssub.s32 @!p0 $0x0, s1;
	[sflag:s0] =	ssyncset.done @!p0 $0x0  }
0x4c: {  	[sflag:s0] =	ssyncadd.s32 @!p0 s1  }
0x4d: {  	[bflag:$0x3] =	sbarrier.arrive $0xFFFF  }
0x4e: {  	_ =	shalt  }

// kernel: scatter_offload_async_start
scs
__scs_entry_jumppad:
0x0: {  	(pc) =	sbr.rel $0x88, $3  }
0x1: {  	(tag) =	ssettag $0x0;
	lr =	simm.s32 $0x1  }
0x2: {  	[smem:$0x3F9E] =	sst lr;
	_ =	strace $0xD0000000  }
0x3: {  	_ = 	snop  }
0x4: {  	_ = 	snop  }
0x5: {  	_ = 	snop  }
0x6: {  	_ = 	snop  }
0x7: {  	_ = 	snop  }
__scs_overlays_trampoline_lowered:
0x8: {  	[smem:$0x3FAD] =	sst s0  }
0x9: {  	[smem:$0x3FAE] =	sst s1  }
0xa: {  	[smem:$0x3FAF] =	sst s2  }
0xb: {  	[smem:$0x3FB0] =	sst s3  }
0xc: {  	[smem:$0x3FB1] =	sst s4  }
0xd: {  	[smem:$0x3FB2] =	sst s5  }
0xe: {  	[smem:$0x3FB3] =	sst s6  }
0xf: {  	[smem:$0x3FB4] =	sst s7  }
0x10: {  	[smem:$0x3FB5] =	sst s8  }
0x11: {  	[smem:$0x3FB6] =	sst s9;
	s0 =	simm.s32 @!p0 $0x0  }
0x12: {  	s1 =	sld [smem:$0x3F9C];
	s0 =	simm.s32 @p0 $0x1  }
0x13: {  	[smem:$0x3FB7] =	sst s0;
	s0 =	simm.s32 @!p1 $0x0  }
0x14: {  	s2 =	sld [smem:$0x3F9B];
	s0 =	simm.s32 @p1 $0x1  }
0x15: {  	[smem:$0x3FB8] =	sst s0;
	s0 =	simm.s32 @!p2 $0x0  }
0x16: {  	s3 =	sld [smem:$0x3FDB];
	s0 =	simm.s32 @p2 $0x1  }
0x17: {  	s4 =	simm.s32 $0x1BF5;
	[smem:$0x3FBA] =	sst s0  }
0x18: {  	s0 =	sld [smem:$0x3F9D];
	_ =	swait.ge [sflag:s4], $0x0  }
0x19: {  	s7 =	sld [smem:$0x3F9E]  }
0x1a: {  	s8 =	sadd.s32 $0xFFFFE003, lr  }
0x1b: {  	s9 =	sadd.s32 $0xFFFFFEF7, lr;
	s5 =	simm.s32 $0xFFFFFFFF;
	p2 =	slt.u32 s8, $0xFFFFF086  }
0x1c: {  	p1 =	slt.u32 s9, $0xF7A;
	s5 =	simm.s32 @!p2 $0x0  }
0x1d: {  	s5 =	simm.s32 @p1 $0x1;
	p0 =	seq.s32 s7, s2  }
0x1e: {  	s7 =	smul.u32 @!p0 $0xF7A, s2;
	p2 =	seq.s32 @!p0 s5, $0x0  }
0x1f: {  	s9 =	smul.u32 $0xF7A, s1;
	s8 =	simm.s32 @!p0 $0x1BF5;
	p2 =	por !p2, p0  }
0x20: {  	[sflag:s8] =	ssyncset.s32 @!p0 $0xFFFFF086;
	s6 =	sadd.s32 @!p0 s3, s7;
	s7 =	simm.s32 @!p0 $0x108  }
0x21: {  	s3 =	sadd.s32 s3, s9;
	s6 =	sadd.s32 @!p0 $0x88, s6;
	s7 =	simm.s32 @p2 $0x1082  }
0x22: {  	[simem:s7], [sflag:s8] =	dma.local @!p0 [hbm:s6], $0xF7A  }
0x23: {  	s9 =	sor.u32 $0xD0000000, s2;
	s6 =	simm.s32 $0x108;
	_ =	swait.ge @!p0 [sflag:s8], $0x0  }
0x24: {  	s3 =	sadd.s32 $0x88, s3;
	s6 =	simm.s32 @!p1 $0x1082;
	[sflag:s4] =	ssyncset.s32 $0xFFFFF086  }
0x25: {  	[simem:s6], [sflag:s4] =	dma.local [hbm:s3], $0xF7A  }
0x26: {  	[smem:$0x3F9E] =	sst s1;
	(tag) =	ssettag s2;
	_ =	strace s9  }
0x27: {  	s1 =	sld [smem:$0x3FAE]  }
0x28: {  	s2 =	sld [smem:$0x3FAF]  }
0x29: {  	s4 =	sld [smem:$0x3FB1]  }
0x2a: {  	p0 =	seq.s32 s5, $0x0;
	s5 =	sld [smem:$0x3FB2]  }
0x2b: {  	s6 =	sld [smem:$0x3FB3]  }
0x2c: {  	s7 =	sld [smem:$0x3FB4]  }
0x2d: {  	s3 =	simm.s32 $0x108;
	s8 =	sld [smem:$0x3FB5]  }
0x2e: {  	s3 =	simm.s32 @!p0 $0x1082;
	s9 =	sld [smem:$0x3FB6]  }
0x2f: {  	lr =	sadd.s32 s0, s3;
	s0 =	sld [smem:$0x3FAD]  }
0x30: {  	s3 =	sld [smem:$0x3FB0]  }
0x31: {  	[smem:$0x3FB9] =	sst s10  }
0x32: {  	s10 =	sld [smem:$0x3FB7];
	_ =	sdelay $0x3  }
0x33: {  	p0 =	seq.s32 s10, $0x1;
	s10 =	sld [smem:$0x3FB9];
	_ =	sdelay $0x3  }
0x34: {  	[smem:$0x3FB9] =	sst s10  }
0x35: {  	s10 =	sld [smem:$0x3FB8];
	_ =	sdelay $0x3  }
0x36: {  	p1 =	seq.s32 s10, $0x1;
	s10 =	sld [smem:$0x3FB9];
	_ =	sdelay $0x3  }
0x37: {  	[smem:$0x3FB9] =	sst s10  }
0x38: {  	s10 =	sld [smem:$0x3FBA]  }
0x39: {  	_ = 	snop;
	(pc) =	sbr.ind lr, $3  }
0x3a: {  	_ = 	snop  }
0x3b: {  	_ = 	snop  }
0x3c: {  	p2 =	seq.s32 s10, $0x1;
	s10 =	sld [smem:$0x3FB9]  }
0x3d: {  	_ =	shalt  }
0x3e: {  	_ =	shalt  }
0x3f: {  	_ =	shalt  }
0x40: {  	_ =	shalt  }
0x41: {  	_ =	shalt  }
0x42: {  	_ =	shalt  }
0x43: {  	_ =	shalt  }
0x44: {  	_ =	shalt  }
0x45: {  	_ =	shalt  }
0x46: {  	_ =	shalt  }
0x47: {  	_ =	shalt  }
0x48: {  	_ =	shalt  }
0x49: {  	_ =	shalt  }
0x4a: {  	_ =	shalt  }
0x4b: {  	_ =	shalt  }
0x4c: {  	_ =	shalt  }
0x4d: {  	_ =	shalt  }
0x4e: {  	_ =	shalt  }
0x4f: {  	_ =	shalt  }
0x50: {  	_ =	shalt  }
0x51: {  	_ =	shalt  }
0x52: {  	_ =	shalt  }
0x53: {  	_ =	shalt  }
0x54: {  	_ =	shalt  }
0x55: {  	_ =	shalt  }
0x56: {  	_ =	shalt  }
0x57: {  	_ =	shalt  }
0x58: {  	_ =	shalt  }
0x59: {  	_ =	shalt  }
0x5a: {  	_ =	shalt  }
0x5b: {  	_ =	shalt  }
0x5c: {  	_ =	shalt  }
0x5d: {  	_ =	shalt  }
0x5e: {  	_ =	shalt  }
0x5f: {  	_ =	shalt  }
0x60: {  	_ =	shalt  }
0x61: {  	_ =	shalt  }
0x62: {  	_ =	shalt  }
0x63: {  	_ =	shalt  }
0x64: {  	_ =	shalt  }
0x65: {  	_ =	shalt  }
0x66: {  	_ =	shalt  }
0x67: {  	_ =	shalt  }
0x68: {  	_ =	shalt  }
0x69: {  	_ =	shalt  }
0x6a: {  	_ =	shalt  }
0x6b: {  	_ =	shalt  }
0x6c: {  	_ =	shalt  }
0x6d: {  	_ =	shalt  }
0x6e: {  	_ =	shalt  }
0x6f: {  	_ =	shalt  }
0x70: {  	_ =	shalt  }
0x71: {  	_ =	shalt  }
0x72: {  	_ =	shalt  }
0x73: {  	_ =	shalt  }
0x74: {  	_ =	shalt  }
0x75: {  	_ =	shalt  }
0x76: {  	_ =	shalt  }
0x77: {  	_ =	shalt  }
0x78: {  	_ =	shalt  }
0x79: {  	_ =	shalt  }
0x7a: {  	_ =	shalt  }
0x7b: {  	_ =	shalt  }
0x7c: {  	_ =	shalt  }
0x7d: {  	_ =	shalt  }
0x7e: {  	_ =	shalt  }
0x7f: {  	_ =	shalt  }
0x80: {  	_ =	shalt  }
0x81: {  	_ =	shalt  }
0x82: {  	_ =	shalt  }
0x83: {  	_ =	shalt  }
0x84: {  	_ =	shalt  }
0x85: {  	_ =	shalt  }
0x86: {  	_ =	shalt  }
0x87: {  	_ =	shalt  }
.Lfunc_end0:
.L_simem_size_0:
called_computation_lowered:
.L_overlay_start_0:
0x88: {  	s0 =	sld [smem:$0x3FD9]  }
0x89: {  	s1 =	sld [smem:$0x3FFE];
	_ =	sdelay $0x3  }
0x8a: {  	s0 =	sadd.s32 s1, s0  }
0x8b: {  	[smem:$0x3FC5] =	sst s0  }
0x8c: {  	_ = 	snop  }
0x8d: {  	s0 =	sld [smem:$0x3FD0];
	_ =	sdelay $0x2  }
0x8e: {  	s14 =	simm.s32 $0xB;
	s2 =	simm.s32 $0x10  }
0x8f: {  	[smem:s2], [sflag:s14] =	dma.local [hbm:s0], $0x1  }
0x90: {  	_ =	swait.eq [sflag:s14], $0x1  }
0x91: {  	s15 =	sld [smem:$0x10];
	[sflag:s14] =	ssyncset.done $0x0  }
0x92: {  	s16 =	sld [smem:$0x11];
	[sflag:s14] =	ssyncadd.s32 $0xFFFFFFFF  }
0x93: {  	s17 =	sld [smem:$0x13];
	(tm) =	ssettm $0x1  }
0x94: {  	s3 =	sld [smem:$0x3FFB];
	_ =	sdelay $0x3  }
0x95: {  	_ =	strace s3  }
0x96: {  	s3 =	sld [smem:$0x3FFC];
	_ =	sdelay $0x3  }
0x97: {  	_ =	strace s3  }
0x98: {  	s3 =	sld [smem:$0x3FFD];
	_ =	sdelay $0x3  }
0x99: {  	_ =	strace s3  }
0x9a: {  	_ =	strace $0x8FFFFFFF  }
0x9b: {  	s18 =	sld [smem:$0x3FDB];
	_ =	sdelay $0x1  }
0x9c: {  	s4 =	simm.s32 $_scs_section_size  }
0x9d: {  	s5 =	simm.s32 $_size__tile_overlayer_lowered;
	s6 =	simm.s32 $_tile_overlayer_lowered  }
0x9e: {  	s21 =	simm.s32 $0x1BFF;
	s20 =	sshll.u32 s6, $0x1;
	s3 =	sadd.s32 s4, s18  }
0x9f: {  	s7 =	simm.s32 $0x0;
	s19 =	sshll.u32 s5, $0x1;
	s5 =	sadd.s32 s20, s3  }
0xa0: {  	[timem:s7], [sflag:s21] =	dma.local [hbm:s5], s19  }
0xa1: {  	_ =	swait.ge [sflag:s21], s19  }
0xa2: {  	s4 =	ssub.s32 $0x0, s19;
	[sflag:s21] =	ssyncset.done $0x0  }
0xa3: {  	[sflag:s21] =	ssyncadd.s32 s4;
	_ =	sdelay $0x1  }
0xa4: {  	s22 =	simm.s32 $0x1B8B  }
0xa5: {  	_ =	swait.ge [sflag:s22], $0x1  }
0xa6: {  	[sflag:s22] =	ssyncset.done $0x0  }
0xa7: {  	s23 =	simm.s32 $0x1B8E;
	[sflag:s22] =	ssyncadd.s32 $0xFFFFFFFF  }
0xa8: {  	s24 =	simm.s32 $execute0_lowered;
	[smem:$0x3FD2] =	sst s23  }
0xa9: {  	s4 =	sshll.u32 s24, $0x1;
	_ =	strace $0x80000046;
	[dreg:$0x1] =	wrdreg $0xFFFFFFFF  }
0xaa: {  	s25 =	simm.s32 $_size_execute0_lowered;
	s3 =	sadd.s32 s3, s4;
	[dreg:$0x0] =	wrdreg $0x0  }
0xab: {  	s4 =	sshll.u32 s25, $0x1;
	[dreg:$0x2] =	wrdreg s3  }
0xac: {  	[dreg:$0x3] =	wrdreg s4  }
0xad: {  	[dreg:$0x4] =	wrdreg $0xC0  }
0xae: {  	_ =	task [dreg:s7], $0x5FFFF  }
0xaf: {  	[dreg:$0x1] =	wrdreg $0xFFFFFFFF  }
0xb0: {  	[dreg:$0x0] =	wrdreg $0x60  }
0xb1: {  	[dreg:$0x2] =	wrdreg s17  }
0xb2: {  	[dreg:$0x3] =	wrdreg s16  }
0xb3: {  	[dreg:$0x4] =	wrdreg s15  }
0xb4: {  	[dreg:$0x5] =	wrdreg $0x9  }
0xb5: {  	_ =	task.clear_ibuf [dreg:s7], $0x6FFFF;
	_ =	strace $0x90000046  }
0xb6: {  	s26 =	simm.s32 $0x9;
	_ =	strace $0x80000048  }
0xb7: {  	_ =	swait.ge [sflag:s26], $0x1  }
0xb8: {  	[sflag:s26] =	ssyncadd.s32 $0xFFFFFFFF  }
0xb9: {  	_ =	strace $0x90000048  }
0xba: {  	_ =	sfence  }
0xbb: {  	s28 =	sld [smem:$0x0];
	_ =	sdelay $0x1  }
0xbc: {  	s29 =	srdreg.scid  }
0xbd: {  	s30 =	sshll.u32 s29, $0xD;
	s31 =	sshrl.u32 s29, $0x2  }
0xbe: {  	s1 =	sand.u32 $0x1, s29;
	s2 =	sand.u32 $0x4000, s30;
	s0 =	sadd.s32 s31, s28  }
0xbf: {  	s1 =	sor.u32 s2, s1;
	s0 =	sshll.u32 s0, $0x11  }
0xc0: {  	s0 =	sor.u32 s0, s1  }
0xc1: {  	s0 =	sadd.s32 $0x8F2B, s0  }
0xc2: {  	[sflag:s0] =	ssyncadd.remote.s32 $0x1  }
0xc3: {  	_ =	sfence.sel $0xFFFF  }
0xc4: {  	[dreg:$0x0] =	wrdreg $0xFFFFFFFF;
	(pc) =	sbr.abs _section_cstart, $3  }
0xc5: {  	[dreg:$0x1] =	wrdreg $0xFFFFFFFF  }
0xc6: {  	_ =	task.clear_ibuf [dreg:s7], $0x2FFFF;
	_ =	strace $0x9FFFFFFF  }
0xc7: {  	(tm) =	ssettm $0x7FFFFFFF  }
tec
execute0_lowered:
.L_overlay_start_1:
0x0: {  	(tag) =	ssettag $0x1  }
0x1: {  	s1 =	rddreg [dreg:$0x0]  }
0x2: {  	s2 =	rddreg [dreg:$0x1]  }
0x3: {  	s3 =	rddreg [dreg:$0x2]  }
0x4: {  	s0 =	rddreg [dreg:$0x3];
	s4 =	stileid.u32  }
0x5: {  	_ =	strace $0x80000047;
	s5 =	simm.s32 $0x3E;
	p0 =	sne.s32 s4, $0x0  }
0x6: {  	[sflag:s5] =	ssyncpa.u1 $0x0;
	s6 =	simm.s32 @!p0 $0x1C3E;
	s7 =	simm.s32 @!p0 $0x0  }
0x7: {  	[spmem:s7], [sflag:s6] =	dma.local @!p0 [hbm:s1], $0xA00  }
0x8: {  	s6 =	simm.s32 @!p0 $0x3E  }
0x9: {  	_ =	swait.ge @!p0 [sflag:s6], $0xA00  }
0xa: {  	[sflag:s6] =	ssyncset.done @!p0 $0x0  }
0xb: {  	[sflag:s6] =	ssyncadd.s32 @!p0 $0xFFFFF600  }
0xc: {  	s4 =	smul.u32 $0xA0, s4;
	[bflag:$0x0] =	sbarrier.arrive $0xFFFF  }
0xd: {  	s28 =	simm.s32 $0x1;
	s29 =	simm.s32 $0x2;
	[sflag:s5] =	ssyncpa.u1 $0x1  }
0xe: {  	s31 =	simm.s32 $0xA00;
	s30 =	sadd.s32 s2, s4;
	[sflag:s28] =	ssyncpa.u1 $0x0  }
0xf: {  	s2 =	simm.s32 $0x0;
	(ifvalue) =	ssetifvalue $0x5000;
	[sflag:s29] =	ssyncpa.u1 $0x0  }
0x10: {  	[tilespmem:s31], [sflag:$0x2] =	stream.linear.gather [hbm4b:s30+s2], $0x500, $0x38;
	[tilespmem:$0x1900] =	vst v63  }
0x11: {  	s4 =	sadd.s32 s3, s4;
	s3 =	simm.s32 $0x1400  }
0x12: {  	[tilespmem:s3], [sflag:$0x2] =	stream.linear.gather [hbm4b:s4+s2], $0x500, $0x38;
	[tilespmem:$0x1900] =	vst v63  }
0x13: {  	_ =	swait.ge [sflag:s29], $0xA00  }
0x14: {  	[sflag:s29] =	ssyncset.done $0x0  }
0x15: {  	[sflag:s29] =	ssyncadd.s32 $0xFFFFF600  }
0x16: {  	v0 =	vld.msk [tilespmem:s31+$0x0 ss:$0x1], $0xffff;
	_ =	sdelay $0x4  }
0x17: {  	v0 =	vmin.u32 v0, $0x5000;
	_ =	sdelay $0x3  }
0x18: {  	vm0 =	vmmov $0xffff;
	s5 =	simm.s32 $0xA10;
	s4 =	simm.s32 $0x0  }
0x19: {  	[spmem:s2] =	stream.indirect_vreg.scatter.add.s32 [tilespmem:s3], [sflag:$0x1], $0x1, v0, vm0, $0x4038;
	[tilespmem:$0x1900] =	vst v63  }
.LBB2_1:
0x1a: {  	v0 =	vld.msk [tilespmem:s5+$0x0 ss:$0x1], $0xffff;
	s4 =	sadd.s32 $0x10, s4  }
0x1b: {  	p1 =	slt.u32 s4, $0x4F0;
	_ =	sdelay $0x4  }
0x1c: {  	v0 =	vmin.u32 v0, $0x5000  }
.Ltmp0:
0x1d: {  	(pc) =	sbr.rel @p1 .LBB2_1-.Ltmp0, $3  }
0x1e: {  	_ =	sdelay $0x1  }
0x1f: {  	s5 =	sadd.s32 $0x10, s5;
	s3 =	sadd.s32 $0x10, s3  }
0x20: {  	[spmem:s2] =	stream.indirect_vreg.scatter.add.s32 [tilespmem:s3], [sflag:$0x1], $0x1, v0, vm0, $0x4038;
	[tilespmem:$0x1900] =	vst v63  }
0x21: {  	s2 =	simm.s32 $0x1  }
0x22: {  	_ =	swait.ge [sflag:s2], $0x500  }
0x23: {  	[sflag:s2] =	ssyncset.done $0x0  }
0x24: {  	[sflag:s2] =	ssyncadd.s32 $0xFFFFFB00  }
0x25: {  	_ =	sfence.sel $0x180000  }
0x26: {  	s3 =	simm.s32 $0x2;
	[bflag:$0x0] =	sbarrier.arrive $0xFFFF  }
0x27: {  	[sflag:s3] =	ssyncpa.u1 $0x1  }
0x28: {  	[sflag:s2] =	ssyncpa.u1 $0x1  }
0x29: {  	_ =	sfence.stream.spmem  }
0x2a: {  	s31 =	simm.s32 $0x3D;
	[bflag:$0x0] =	sbarrier.arrive $0xFFFF  }
0x2b: {  	s2 =	simm.s32 @p0 $0x3D;
	[sflag:s31] =	ssyncpa.u1 $0x0  }
0x2c: {  	[sflag:s2] =	ssyncpa.u1 @p0 $0x1  }
0x2d: {  	[bflag:$0x0] =	sbarrier.arrive @p0 $0xFFFF  }
0x2e: {  	_ =	strace @p0 $0x90000047  }
0x2f: {  	s3 =	simm.s32 @!p0 $0x1C3D;
	s2 =	simm.s32 @!p0 $0x0;
	[bflag:$0x2] =	sbarrier.arrive @p0 $0xFFFF  }
0x30: {  	[hbm:s1], [sflag:s3] =	dma.local @!p0 [spmem:s2], $0xA00  }
0x31: {  	s1 =	simm.s32 @!p0 $0x3D  }
0x32: {  	_ =	swait.ge @!p0 [sflag:s1], $0xA00  }
0x33: {  	[sflag:s1] =	ssyncset.done @!p0 $0x0  }
0x34: {  	[sflag:s1] =	ssyncadd.s32 @!p0 $0xFFFFF600  }
0x35: {  	[sflag:s1] =	ssyncpa.u1 @!p0 $0x1  }
0x36: {  	[bflag:$0x0] =	sbarrier.arrive @!p0 $0xFFFF  }
0x37: {  	_ =	strace @!p0 $0x90000047  }
0x38: {  	s0 =	sadd.s32 @!p0 $0x100000, s0;
	[bflag:$0x2] =	sbarrier.arrive @!p0 $0xFFFF  }
0x39: {  	[sflag:s0] =	ssyncadd.tile.s32 @!p0 $0x1;
	_ =	shalt  }
.Lfunc_end2:
_tile_overlayer_lowered:
.L_overlay_start_2:
0x3a: {  	(tag) =	ssettag $0x2  }
0x3b: {  	s0 =	rddreg [dreg:$0x0];
	s2 =	stileid.u32  }
0x3c: {  	s1 =	rddreg [dreg:$0x1];
	p0 =	sne.s32 s2, $0x0  }
0x3d: {  	s3 =	rddreg [dreg:$0x2];
	[bflag:$0x3] =	sbarrier.arrive $0xFFFF;
	s2 =	simm.s32 @!p0 $0x1C01  }
0x3e: {  	[timem:s3], [sflag:s2] =	dma.local @!p0 [hbm:s0], s1  }
0x3f: {  	s0 =	simm.s32 @!p0 $0x1  }
0x40: {  	_ =	swait.ge @!p0 [sflag:s0], s1  }
0x41: {  	s1 =	ssub.s32 @!p0 $0x0, s1;
	[sflag:s0] =	ssyncset.done @!p0 $0x0  }
0x42: {  	[sflag:s0] =	ssyncadd.s32 @!p0 s1  }
0x43: {  	[bflag:$0x3] =	sbarrier.arrive $0xFFFF  }
0x44: {  	_ =	shalt  }

</sc_bundles>
